<compile_context>
chip_gen: v7x
topology: tpu7x:2x2x1
jax: 0.10.2.dev20260603
libtpu: 0.0.44.dev20260713+nightly
codegen_flags: <defaults>
</compile_context>

<pallas_src>
import functools

import jax
import jax.numpy as jnp
from jax import lax
from jax.experimental import pallas as pl
from jax.experimental.pallas import tpu as pltpu
from jax.experimental.pallas import tpu_sc as plsc

NUM_CORES = 2
NUM_SUBCORES = 16
NUM_WORKERS = NUM_CORES * NUM_SUBCORES
IDX_W = 128
RING = 8
DEPTH = 6
CPB = 32
PAD_W = 128


@functools.lru_cache(maxsize=None)
def _build_gather(vocab: int, dim: int, batch: int, seq: int):
  assert batch % (NUM_WORKERS * RING) == 0
  assert seq % 8 == 0 and seq > IDX_W and seq <= 2 * IDX_W
  seq_hi = seq - IDX_W
  rows_per_w = batch // NUM_WORKERS
  n_chunks = rows_per_w
  n_groups = n_chunks // RING
  n_blocks = n_chunks // CPB
  assert n_chunks % CPB == 0

  mesh = plsc.VectorSubcoreMesh(
      core_axis_name="c", subcore_axis_name="s",
      num_cores=NUM_CORES, num_subcores=NUM_SUBCORES)

  @functools.partial(
      pl.kernel,
      out_type=jax.ShapeDtypeStruct((batch, seq, PAD_W), jnp.float32),
      mesh=mesh,
      compiler_params=pltpu.CompilerParams(use_tc_tiling_on_sc=False),
      scratch_types=[
          pltpu.VMEM((2, CPB, seq), jnp.int32),
          pltpu.VMEM((RING, seq, dim), jnp.float32),
          pltpu.SemaphoreType.DMA,
          pltpu.SemaphoreType.DMA,
          pltpu.SemaphoreType.DMA,
          pltpu.SemaphoreType.DMA,
          pltpu.SemaphoreType.DMA,
          pltpu.SemaphoreType.DMA,
          pltpu.SemaphoreType.DMA,
          pltpu.SemaphoreType.DMA,
          pltpu.SemaphoreType.DMA,
          pltpu.SemaphoreType.DMA,
          pltpu.SemaphoreType.DMA,
          pltpu.SemaphoreType.DMA,
          pltpu.SemaphoreType.DMA,
          pltpu.SemaphoreType.DMA,
          pltpu.SemaphoreType.DMA,
          pltpu.SemaphoreType.DMA,
          pltpu.SemaphoreType.DMA,
      ],
  )
  def gather_kernel(table_hbm, idx_hbm, out_hbm, idx_v, rows_v, sem_i,
                    sg0, sg1, sg2, sg3, sg4, sg5, sg6, sg7,
                    sw0, sw1, sw2, sw3, sw4, sw5, sw6, sw7):
    wid = lax.axis_index("s") * NUM_CORES + lax.axis_index("c")
    row0 = wid * rows_per_w
    sg = (sg0, sg1, sg2, sg3, sg4, sg5, sg6, sg7)
    sw = (sw0, sw1, sw2, sw3, sw4, sw5, sw6, sw7)

    def idx_copy(blk):
      return pltpu.make_async_copy(
          idx_hbm.at[pl.ds(row0 + blk * CPB, CPB)],
          idx_v.at[blk % 2], sem_i)

    def gather_copies(c, b):
      slot, r = (c // CPB) % 2, c % CPB
      return (
          pltpu.make_async_copy(
              table_hbm.at[idx_v.at[slot, r, pl.ds(0, IDX_W)]],
              rows_v.at[b, pl.ds(0, IDX_W)], sg[b]),
          pltpu.make_async_copy(
              table_hbm.at[idx_v.at[slot, r, pl.ds(IDX_W, seq_hi)]],
              rows_v.at[b, pl.ds(IDX_W, seq_hi)], sg[b]),
      )

    def wb_copy(c, b):
      return pltpu.make_async_copy(
          rows_v.at[b],
          out_hbm.at[row0 + c, pl.ds(0, seq), pl.ds(0, dim)], sw[b])

    def start_gather(c, b):
      @pl.when(c % CPB == 0)
      def _():
        blk = c // CPB
        idx_copy(blk).wait()

        @pl.when(blk + 1 < n_blocks)
        def _():
          idx_copy(blk + 1).start()

      for cp in gather_copies(c, b):
        cp.start()

    idx_copy(0).start()
    for b in range(DEPTH):
      start_gather(b, b)

    @pl.loop(0, n_groups)
    def _group(q):
      c0 = q * RING
      for b in range(RING):
        c = c0 + b
        for cp in gather_copies(c, b):
          cp.wait()
        wb_copy(c, b).start()
        f = c + DEPTH
        fb = (b + DEPTH) % RING

        @pl.when(f < n_chunks)
        def _():
          @pl.when(f >= RING)
          def _():
            wb_copy(f - RING, fb).wait()
          start_gather(f, fb)

    for b in range(RING):
      wb_copy(n_chunks - RING + b, b).wait()

  return gather_kernel


def kernel(smiles_indices, embedding_table):
  batch, seq = smiles_indices.shape
  vocab, dim = embedding_table.shape
  gather = _build_gather(vocab, dim, batch, seq)
  padded = gather(embedding_table, smiles_indices.astype(jnp.int32))
  return padded[:, :, :dim]

# --- scband reference (transcript-rebuilt; emitter-appended) ---
"""Pipeline reference for scband-smilesembedding-11605001633986 (READ-ONLY COPY).

The authoritative reference and input builder live on the scoring server;
editing this copy changes nothing except your own understanding.
"""

import jax, jax.numpy as jnp
import numpy as np

VOCAB = 1000000
EMBED_DIM = 64
BATCH = 16384
SEQ = 200

def setup_inputs(seed: int = 0) -> dict:
    key = jax.random.key(seed)
    k_idx, k_tab = jax.random.split(key)
    smiles_indices = jax.random.randint(k_idx, (BATCH, SEQ), 0, VOCAB, dtype=jnp.int64 if jax.config.jax_enable_x64 else jnp.int32)
    embedding_table = jax.random.normal(k_tab, (VOCAB, EMBED_DIM), dtype=jnp.float32)
    return {"smiles_indices": smiles_indices, "embedding_table": embedding_table}

def reference(smiles_indices, embedding_table):
    # nn.Embedding forward: gather rows of the table by index
    return jnp.take(embedding_table, smiles_indices, axis=0)

if __name__ == "__main__":
    import jax
    _d = setup_inputs()
    print(jax.jit(kernel)(*tuple(_d.values())))

</pallas_src>

<mosaic_0001>
#map = affine_map<(d0, d1) -> (0, 0)>
#map1 = affine_map<(d0, d1) -> (0, 0, 0)>
module attributes {stable_mosaic.version = 14 : i64} {
  func.func @gather_kernel(%arg0: i32, %arg1: i32, %arg2: memref<1000000x64xf32, #tpu.memory_space<hbm>>, %arg3: memref<16384x200xi32, #tpu.memory_space<hbm>>, %arg4: memref<16384x200x128xf32, #tpu.memory_space<hbm>>, %arg5: memref<2x32x200xi32, #tpu.memory_space<vmem>>, %arg6: memref<8x200x64xf32, #tpu.memory_space<vmem>>, %arg7: memref<!tpu.dma_semaphore, #tpu.memory_space<semaphore_mem>>, %arg8: memref<!tpu.dma_semaphore, #tpu.memory_space<semaphore_mem>>, %arg9: memref<!tpu.dma_semaphore, #tpu.memory_space<semaphore_mem>>, %arg10: memref<!tpu.dma_semaphore, #tpu.memory_space<semaphore_mem>>, %arg11: memref<!tpu.dma_semaphore, #tpu.memory_space<semaphore_mem>>, %arg12: memref<!tpu.dma_semaphore, #tpu.memory_space<semaphore_mem>>, %arg13: memref<!tpu.dma_semaphore, #tpu.memory_space<semaphore_mem>>, %arg14: memref<!tpu.dma_semaphore, #tpu.memory_space<semaphore_mem>>, %arg15: memref<!tpu.dma_semaphore, #tpu.memory_space<semaphore_mem>>, %arg16: memref<!tpu.dma_semaphore, #tpu.memory_space<semaphore_mem>>, %arg17: memref<!tpu.dma_semaphore, #tpu.memory_space<semaphore_mem>>, %arg18: memref<!tpu.dma_semaphore, #tpu.memory_space<semaphore_mem>>, %arg19: memref<!tpu.dma_semaphore, #tpu.memory_space<semaphore_mem>>, %arg20: memref<!tpu.dma_semaphore, #tpu.memory_space<semaphore_mem>>, %arg21: memref<!tpu.dma_semaphore, #tpu.memory_space<semaphore_mem>>, %arg22: memref<!tpu.dma_semaphore, #tpu.memory_space<semaphore_mem>>, %arg23: memref<!tpu.dma_semaphore, #tpu.memory_space<semaphore_mem>>) attributes {dimension_semantics = [#tpu.dimension_semantics<core_parallel>, #tpu.dimension_semantics<subcore_parallel>], iteration_bounds = array<i64: 2, 16>, scalar_prefetch = 0 : i64, scratch_operands = 19 : i64, tpu.core_type = #tpu.core_type<sc_vector_subcore>, window_params = [{transform_indices = #map}, {transform_indices = #map}, {transform_indices = #map1}]} {
    %mul3A = arith.constant 2 : i32
    %mul3A_0 = arith.muli %arg1, %mul3A : i32
    %add3A = arith.addi %mul3A_0, %arg0 : i32
    %mul3A_1 = arith.constant 512 : i32
    %mul3A_2 = arith.muli %add3A, %mul3A_1 : i32
    %add3A_3 = arith.constant 0 : i32
    %add3A_4 = arith.addi %mul3A_2, %add3A_3 : i32
    %dma_start3A = arith.constant 0 : i32
    %dma_start3A_5 = arith.constant 0 : i32
    %dma_start3A_6 = arith.constant 0 : i32
    %dma_start3A_7 = tpu.memref_slice %arg5[%dma_start3A, %dma_start3A_5, %dma_start3A_6] : memref<2x32x200xi32, #tpu.memory_space<vmem>> -> memref<1x32x200xi32, #tpu.memory_space<vmem>>
    %dma_start3A_8 = tpu.memref_squeeze %dma_start3A_7 : memref<1x32x200xi32, #tpu.memory_space<vmem>> -> memref<32x200xi32, #tpu.memory_space<vmem>>
    %dma_start3A_9 = arith.constant 0 : i32
    %dma_start3A_10 = tpu.memref_slice %arg3[%add3A_4, %dma_start3A_9] : memref<16384x200xi32, #tpu.memory_space<hbm>> -> memref<32x200xi32, #tpu.memory_space<hbm>>
    %dma_start3A_11 = arith.constant 0 : i32
    %dma_start3A_12 = arith.constant 0 : i32
    %dma_start3A_13 = tpu.memref_slice %arg5[%dma_start3A, %dma_start3A_11, %dma_start3A_12] : memref<2x32x200xi32, #tpu.memory_space<vmem>> -> memref<1x32x200xi32, #tpu.memory_space<vmem>>
    %dma_start3A_14 = tpu.memref_squeeze %dma_start3A_13 : memref<1x32x200xi32, #tpu.memory_space<vmem>> -> memref<32x200xi32, #tpu.memory_space<vmem>>
    %dma_start3A_15 = arith.constant 0 : i32
    %dma_start3A_16 = tpu.memref_slice %arg3[%add3A_4, %dma_start3A_15] : memref<16384x200xi32, #tpu.memory_space<hbm>> -> memref<32x200xi32, #tpu.memory_space<hbm>>
    tpu.enqueue_dma source(%dma_start3A_16 : memref<32x200xi32, #tpu.memory_space<hbm>>) target(%dma_start3A_14 : memref<32x200xi32, #tpu.memory_space<vmem>>) target_semaphore(%arg7 : memref<!tpu.dma_semaphore, #tpu.memory_space<semaphore_mem>>)
    %add3A_17 = arith.constant 0 : i32
    %add3A_18 = arith.addi %mul3A_2, %add3A_17 : i32
    %dma_wait3A = arith.constant 0 : i32
    %dma_wait3A_19 = arith.constant 0 : i32
    %dma_wait3A_20 = arith.constant 0 : i32
    %dma_wait3A_21 = tpu.memref_slice %arg5[%dma_wait3A, %dma_wait3A_19, %dma_wait3A_20] : memref<2x32x200xi32, #tpu.memory_space<vmem>> -> memref<1x32x200xi32, #tpu.memory_space<vmem>>
    %dma_wait3A_22 = tpu.memref_squeeze %dma_wait3A_21 : memref<1x32x200xi32, #tpu.memory_space<vmem>> -> memref<32x200xi32, #tpu.memory_space<vmem>>
    %dma_wait3A_23 = arith.constant 0 : i32
    %dma_wait3A_24 = tpu.memref_slice %arg3[%add3A_18, %dma_wait3A_23] : memref<16384x200xi32, #tpu.memory_space<hbm>> -> memref<32x200xi32, #tpu.memory_space<hbm>>
    %dma_wait3A_25 = arith.constant 0 : i32
    %dma_wait3A_26 = arith.constant 0 : i32
    %dma_wait3A_27 = tpu.memref_slice %arg5[%dma_wait3A, %dma_wait3A_25, %dma_wait3A_26] : memref<2x32x200xi32, #tpu.memory_space<vmem>> -> memref<1x32x200xi32, #tpu.memory_space<vmem>>
    %dma_wait3A_28 = tpu.memref_squeeze %dma_wait3A_27 : memref<1x32x200xi32, #tpu.memory_space<vmem>> -> memref<32x200xi32, #tpu.memory_space<vmem>>
    %dma_wait3A_29 = arith.constant 0 : i32
    %dma_wait3A_30 = tpu.memref_slice %arg3[%add3A_18, %dma_wait3A_29] : memref<16384x200xi32, #tpu.memory_space<hbm>> -> memref<32x200xi32, #tpu.memory_space<hbm>>
    tpu.wait_dma2 semaphore(%arg7 : memref<!tpu.dma_semaphore, #tpu.memory_space<semaphore_mem>>) src(%dma_wait3A_30 : memref<32x200xi32, #tpu.memory_space<hbm>>) dst(%dma_wait3A_28 : memref<32x200xi32, #tpu.memory_space<vmem>>)
    %add3A_31 = arith.constant 32 : i32
    %add3A_32 = arith.addi %mul3A_2, %add3A_31 : i32
    %dma_start3A_33 = arith.constant 1 : i32
    %dma_start3A_34 = arith.constant 0 : i32
    %dma_start3A_35 = arith.constant 0 : i32
    %dma_start3A_36 = tpu.memref_slice %arg5[%dma_start3A_33, %dma_start3A_34, %dma_start3A_35] : memref<2x32x200xi32, #tpu.memory_space<vmem>> -> memref<1x32x200xi32, #tpu.memory_space<vmem>>
    %dma_start3A_37 = tpu.memref_squeeze %dma_start3A_36 : memref<1x32x200xi32, #tpu.memory_space<vmem>> -> memref<32x200xi32, #tpu.memory_space<vmem>>
    %dma_start3A_38 = arith.constant 0 : i32
    %dma_start3A_39 = tpu.memref_slice %arg3[%add3A_32, %dma_start3A_38] : memref<16384x200xi32, #tpu.memory_space<hbm>> -> memref<32x200xi32, #tpu.memory_space<hbm>>
    %dma_start3A_40 = arith.constant 0 : i32
    %dma_start3A_41 = arith.constant 0 : i32
    %dma_start3A_42 = tpu.memref_slice %arg5[%dma_start3A_33, %dma_start3A_40, %dma_start3A_41] : memref<2x32x200xi32, #tpu.memory_space<vmem>> -> memref<1x32x200xi32, #tpu.memory_space<vmem>>
    %dma_start3A_43 = tpu.memref_squeeze %dma_start3A_42 : memref<1x32x200xi32, #tpu.memory_space<vmem>> -> memref<32x200xi32, #tpu.memory_space<vmem>>
    %dma_start3A_44 = arith.constant 0 : i32
    %dma_start3A_45 = tpu.memref_slice %arg3[%add3A_32, %dma_start3A_44] : memref<16384x200xi32, #tpu.memory_space<hbm>> -> memref<32x200xi32, #tpu.memory_space<hbm>>
    tpu.enqueue_dma source(%dma_start3A_45 : memref<32x200xi32, #tpu.memory_space<hbm>>) target(%dma_start3A_43 : memref<32x200xi32, #tpu.memory_space<vmem>>) target_semaphore(%arg7 : memref<!tpu.dma_semaphore, #tpu.memory_space<semaphore_mem>>)
    %dma_start3A_46 = arith.constant 0 : i32
    %dma_start3A_47 = arith.constant 0 : i32
    %dma_start3A_48 = arith.constant 0 : i32
    %dma_start3A_49 = arith.constant 0 : i32
    %dma_start3A_50 = arith.constant 0 : i32
    %dma_start3A_51 = tpu.memref_slice %arg6[%dma_start3A_48, %dma_start3A_49, %dma_start3A_50] : memref<8x200x64xf32, #tpu.memory_space<vmem>> -> memref<1x128x64xf32, #tpu.memory_space<vmem>>
    %dma_start3A_52 = tpu.memref_squeeze %dma_start3A_51 : memref<1x128x64xf32, #tpu.memory_space<vmem>> -> memref<128x64xf32, #tpu.memory_space<vmem>>
    %dma_start3A_53 = arith.constant 0 : i32
    %dma_start3A_54 = tpu.memref_slice %arg5[%dma_start3A_46, %dma_start3A_47, %dma_start3A_53] : memref<2x32x200xi32, #tpu.memory_space<vmem>> -> memref<1x1x128xi32, #tpu.memory_space<vmem>>
    %dma_start3A_55 = tpu.memref_squeeze %dma_start3A_54 : memref<1x1x128xi32, #tpu.memory_space<vmem>> -> memref<128xi32, #tpu.memory_space<vmem>>
    %dma_start3A_56 = arith.constant 0 : i32
    %dma_start3A_57 = arith.constant 0 : i32
    %dma_start3A_58 = tpu.memref_slice %arg2[%dma_start3A_56, %dma_start3A_57] : memref<1000000x64xf32, #tpu.memory_space<hbm>> -> memref<1000000x64xf32, #tpu.memory_space<hbm>>
    tpu.enqueue_indirect_dma source(%dma_start3A_58 : memref<1000000x64xf32, #tpu.memory_space<hbm>>) target(%dma_start3A_52 : memref<128x64xf32, #tpu.memory_space<vmem>>) offsets(%dma_start3A_55 : memref<128xi32, #tpu.memory_space<vmem>>) semaphore(%arg8 : memref<!tpu.dma_semaphore, #tpu.memory_space<semaphore_mem>>)
    %dma_start3A_59 = arith.constant 0 : i32
    %dma_start3A_60 = arith.constant 0 : i32
    %dma_start3A_61 = arith.constant 0 : i32
    %dma_start3A_62 = arith.constant 128 : i32
    %dma_start3A_63 = arith.constant 0 : i32
    %dma_start3A_64 = tpu.memref_slice %arg6[%dma_start3A_61, %dma_start3A_62, %dma_start3A_63] : memref<8x200x64xf32, #tpu.memory_space<vmem>> -> memref<1x72x64xf32, #tpu.memory_space<vmem>>
    %dma_start3A_65 = tpu.memref_squeeze %dma_start3A_64 : memref<1x72x64xf32, #tpu.memory_space<vmem>> -> memref<72x64xf32, #tpu.memory_space<vmem>>
    %dma_start3A_66 = arith.constant 128 : i32
    %dma_start3A_67 = tpu.memref_slice %arg5[%dma_start3A_59, %dma_start3A_60, %dma_start3A_66] : memref<2x32x200xi32, #tpu.memory_space<vmem>> -> memref<1x1x72xi32, #tpu.memory_space<vmem>>
    %dma_start3A_68 = tpu.memref_squeeze %dma_start3A_67 : memref<1x1x72xi32, #tpu.memory_space<vmem>> -> memref<72xi32, #tpu.memory_space<vmem>>
    %dma_start3A_69 = arith.constant 0 : i32
    %dma_start3A_70 = arith.constant 0 : i32
    %dma_start3A_71 = tpu.memref_slice %arg2[%dma_start3A_69, %dma_start3A_70] : memref<1000000x64xf32, #tpu.memory_space<hbm>> -> memref<1000000x64xf32, #tpu.memory_space<hbm>>
    tpu.enqueue_indirect_dma source(%dma_start3A_71 : memref<1000000x64xf32, #tpu.memory_space<hbm>>) target(%dma_start3A_65 : memref<72x64xf32, #tpu.memory_space<vmem>>) offsets(%dma_start3A_68 : memref<72xi32, #tpu.memory_space<vmem>>) semaphore(%arg8 : memref<!tpu.dma_semaphore, #tpu.memory_space<semaphore_mem>>)
    %dma_start3A_72 = arith.constant 0 : i32
    %dma_start3A_73 = arith.constant 1 : i32
    %dma_start3A_74 = arith.constant 1 : i32
    %dma_start3A_75 = arith.constant 0 : i32
    %dma_start3A_76 = arith.constant 0 : i32
    %dma_start3A_77 = tpu.memref_slice %arg6[%dma_start3A_74, %dma_start3A_75, %dma_start3A_76] : memref<8x200x64xf32, #tpu.memory_space<vmem>> -> memref<1x128x64xf32, #tpu.memory_space<vmem>>
    %dma_start3A_78 = tpu.memref_squeeze %dma_start3A_77 : memref<1x128x64xf32, #tpu.memory_space<vmem>> -> memref<128x64xf32, #tpu.memory_space<vmem>>
    %dma_start3A_79 = arith.constant 0 : i32
    %dma_start3A_80 = tpu.memref_slice %arg5[%dma_start3A_72, %dma_start3A_73, %dma_start3A_79] : memref<2x32x200xi32, #tpu.memory_space<vmem>> -> memref<1x1x128xi32, #tpu.memory_space<vmem>>
    %dma_start3A_81 = tpu.memref_squeeze %dma_start3A_80 : memref<1x1x128xi32, #tpu.memory_space<vmem>> -> memref<128xi32, #tpu.memory_space<vmem>>
    %dma_start3A_82 = arith.constant 0 : i32
    %dma_start3A_83 = arith.constant 0 : i32
    %dma_start3A_84 = tpu.memref_slice %arg2[%dma_start3A_82, %dma_start3A_83] : memref<1000000x64xf32, #tpu.memory_space<hbm>> -> memref<1000000x64xf32, #tpu.memory_space<hbm>>
    tpu.enqueue_indirect_dma source(%dma_start3A_84 : memref<1000000x64xf32, #tpu.memory_space<hbm>>) target(%dma_start3A_78 : memref<128x64xf32, #tpu.memory_space<vmem>>) offsets(%dma_start3A_81 : memref<128xi32, #tpu.memory_space<vmem>>) semaphore(%arg9 : memref<!tpu.dma_semaphore, #tpu.memory_space<semaphore_mem>>)
    %dma_start3A_85 = arith.constant 0 : i32
    %dma_start3A_86 = arith.constant 1 : i32
    %dma_start3A_87 = arith.constant 1 : i32
    %dma_start3A_88 = arith.constant 128 : i32
    %dma_start3A_89 = arith.constant 0 : i32
    %dma_start3A_90 = tpu.memref_slice %arg6[%dma_start3A_87, %dma_start3A_88, %dma_start3A_89] : memref<8x200x64xf32, #tpu.memory_space<vmem>> -> memref<1x72x64xf32, #tpu.memory_space<vmem>>
    %dma_start3A_91 = tpu.memref_squeeze %dma_start3A_90 : memref<1x72x64xf32, #tpu.memory_space<vmem>> -> memref<72x64xf32, #tpu.memory_space<vmem>>
    %dma_start3A_92 = arith.constant 128 : i32
    %dma_start3A_93 = tpu.memref_slice %arg5[%dma_start3A_85, %dma_start3A_86, %dma_start3A_92] : memref<2x32x200xi32, #tpu.memory_space<vmem>> -> memref<1x1x72xi32, #tpu.memory_space<vmem>>
    %dma_start3A_94 = tpu.memref_squeeze %dma_start3A_93 : memref<1x1x72xi32, #tpu.memory_space<vmem>> -> memref<72xi32, #tpu.memory_space<vmem>>
    %dma_start3A_95 = arith.constant 0 : i32
    %dma_start3A_96 = arith.constant 0 : i32
    %dma_start3A_97 = tpu.memref_slice %arg2[%dma_start3A_95, %dma_start3A_96] : memref<1000000x64xf32, #tpu.memory_space<hbm>> -> memref<1000000x64xf32, #tpu.memory_space<hbm>>
    tpu.enqueue_indirect_dma source(%dma_start3A_97 : memref<1000000x64xf32, #tpu.memory_space<hbm>>) target(%dma_start3A_91 : memref<72x64xf32, #tpu.memory_space<vmem>>) offsets(%dma_start3A_94 : memref<72xi32, #tpu.memory_space<vmem>>) semaphore(%arg9 : memref<!tpu.dma_semaphore, #tpu.memory_space<semaphore_mem>>)
    %dma_start3A_98 = arith.constant 0 : i32
    %dma_start3A_99 = arith.constant 2 : i32
    %dma_start3A_100 = arith.constant 2 : i32
    %dma_start3A_101 = arith.constant 0 : i32
    %dma_start3A_102 = arith.constant 0 : i32
    %dma_start3A_103 = tpu.memref_slice %arg6[%dma_start3A_100, %dma_start3A_101, %dma_start3A_102] : memref<8x200x64xf32, #tpu.memory_space<vmem>> -> memref<1x128x64xf32, #tpu.memory_space<vmem>>
    %dma_start3A_104 = tpu.memref_squeeze %dma_start3A_103 : memref<1x128x64xf32, #tpu.memory_space<vmem>> -> memref<128x64xf32, #tpu.memory_space<vmem>>
    %dma_start3A_105 = arith.constant 0 : i32
    %dma_start3A_106 = tpu.memref_slice %arg5[%dma_start3A_98, %dma_start3A_99, %dma_start3A_105] : memref<2x32x200xi32, #tpu.memory_space<vmem>> -> memref<1x1x128xi32, #tpu.memory_space<vmem>>
    %dma_start3A_107 = tpu.memref_squeeze %dma_start3A_106 : memref<1x1x128xi32, #tpu.memory_space<vmem>> -> memref<128xi32, #tpu.memory_space<vmem>>
    %dma_start3A_108 = arith.constant 0 : i32
    %dma_start3A_109 = arith.constant 0 : i32
    %dma_start3A_110 = tpu.memref_slice %arg2[%dma_start3A_108, %dma_start3A_109] : memref<1000000x64xf32, #tpu.memory_space<hbm>> -> memref<1000000x64xf32, #tpu.memory_space<hbm>>
    tpu.enqueue_indirect_dma source(%dma_start3A_110 : memref<1000000x64xf32, #tpu.memory_space<hbm>>) target(%dma_start3A_104 : memref<128x64xf32, #tpu.memory_space<vmem>>) offsets(%dma_start3A_107 : memref<128xi32, #tpu.memory_space<vmem>>) semaphore(%arg10 : memref<!tpu.dma_semaphore, #tpu.memory_space<semaphore_mem>>)
    %dma_start3A_111 = arith.constant 0 : i32
    %dma_start3A_112 = arith.constant 2 : i32
    %dma_start3A_113 = arith.constant 2 : i32
    %dma_start3A_114 = arith.constant 128 : i32
    %dma_start3A_115 = arith.constant 0 : i32
    %dma_start3A_116 = tpu.memref_slice %arg6[%dma_start3A_113, %dma_start3A_114, %dma_start3A_115] : memref<8x200x64xf32, #tpu.memory_space<vmem>> -> memref<1x72x64xf32, #tpu.memory_space<vmem>>
    %dma_start3A_117 = tpu.memref_squeeze %dma_start3A_116 : memref<1x72x64xf32, #tpu.memory_space<vmem>> -> memref<72x64xf32, #tpu.memory_space<vmem>>
    %dma_start3A_118 = arith.constant 128 : i32
    %dma_start3A_119 = tpu.memref_slice %arg5[%dma_start3A_111, %dma_start3A_112, %dma_start3A_118] : memref<2x32x200xi32, #tpu.memory_space<vmem>> -> memref<1x1x72xi32, #tpu.memory_space<vmem>>
    %dma_start3A_120 = tpu.memref_squeeze %dma_start3A_119 : memref<1x1x72xi32, #tpu.memory_space<vmem>> -> memref<72xi32, #tpu.memory_space<vmem>>
    %dma_start3A_121 = arith.constant 0 : i32
    %dma_start3A_122 = arith.constant 0 : i32
    %dma_start3A_123 = tpu.memref_slice %arg2[%dma_start3A_121, %dma_start3A_122] : memref<1000000x64xf32, #tpu.memory_space<hbm>> -> memref<1000000x64xf32, #tpu.memory_space<hbm>>
    tpu.enqueue_indirect_dma source(%dma_start3A_123 : memref<1000000x64xf32, #tpu.memory_space<hbm>>) target(%dma_start3A_117 : memref<72x64xf32, #tpu.memory_space<vmem>>) offsets(%dma_start3A_120 : memref<72xi32, #tpu.memory_space<vmem>>) semaphore(%arg10 : memref<!tpu.dma_semaphore, #tpu.memory_space<semaphore_mem>>)
    %dma_start3A_124 = arith.constant 0 : i32
    %dma_start3A_125 = arith.constant 3 : i32
    %dma_start3A_126 = arith.constant 3 : i32
    %dma_start3A_127 = arith.constant 0 : i32
    %dma_start3A_128 = arith.constant 0 : i32
    %dma_start3A_129 = tpu.memref_slice %arg6[%dma_start3A_126, %dma_start3A_127, %dma_start3A_128] : memref<8x200x64xf32, #tpu.memory_space<vmem>> -> memref<1x128x64xf32, #tpu.memory_space<vmem>>
    %dma_start3A_130 = tpu.memref_squeeze %dma_start3A_129 : memref<1x128x64xf32, #tpu.memory_space<vmem>> -> memref<128x64xf32, #tpu.memory_space<vmem>>
    %dma_start3A_131 = arith.constant 0 : i32
    %dma_start3A_132 = tpu.memref_slice %arg5[%dma_start3A_124, %dma_start3A_125, %dma_start3A_131] : memref<2x32x200xi32, #tpu.memory_space<vmem>> -> memref<1x1x128xi32, #tpu.memory_space<vmem>>
    %dma_start3A_133 = tpu.memref_squeeze %dma_start3A_132 : memref<1x1x128xi32, #tpu.memory_space<vmem>> -> memref<128xi32, #tpu.memory_space<vmem>>
    %dma_start3A_134 = arith.constant 0 : i32
    %dma_start3A_135 = arith.constant 0 : i32
    %dma_start3A_136 = tpu.memref_slice %arg2[%dma_start3A_134, %dma_start3A_135] : memref<1000000x64xf32, #tpu.memory_space<hbm>> -> memref<1000000x64xf32, #tpu.memory_space<hbm>>
    tpu.enqueue_indirect_dma source(%dma_start3A_136 : memref<1000000x64xf32, #tpu.memory_space<hbm>>) target(%dma_start3A_130 : memref<128x64xf32, #tpu.memory_space<vmem>>) offsets(%dma_start3A_133 : memref<128xi32, #tpu.memory_space<vmem>>) semaphore(%arg11 : memref<!tpu.dma_semaphore, #tpu.memory_space<semaphore_mem>>)
    %dma_start3A_137 = arith.constant 0 : i32
    %dma_start3A_138 = arith.constant 3 : i32
    %dma_start3A_139 = arith.constant 3 : i32
    %dma_start3A_140 = arith.constant 128 : i32
    %dma_start3A_141 = arith.constant 0 : i32
    %dma_start3A_142 = tpu.memref_slice %arg6[%dma_start3A_139, %dma_start3A_140, %dma_start3A_141] : memref<8x200x64xf32, #tpu.memory_space<vmem>> -> memref<1x72x64xf32, #tpu.memory_space<vmem>>
    %dma_start3A_143 = tpu.memref_squeeze %dma_start3A_142 : memref<1x72x64xf32, #tpu.memory_space<vmem>> -> memref<72x64xf32, #tpu.memory_space<vmem>>
    %dma_start3A_144 = arith.constant 128 : i32
    %dma_start3A_145 = tpu.memref_slice %arg5[%dma_start3A_137, %dma_start3A_138, %dma_start3A_144] : memref<2x32x200xi32, #tpu.memory_space<vmem>> -> memref<1x1x72xi32, #tpu.memory_space<vmem>>
    %dma_start3A_146 = tpu.memref_squeeze %dma_start3A_145 : memref<1x1x72xi32, #tpu.memory_space<vmem>> -> memref<72xi32, #tpu.memory_space<vmem>>
    %dma_start3A_147 = arith.constant 0 : i32
    %dma_start3A_148 = arith.constant 0 : i32
    %dma_start3A_149 = tpu.memref_slice %arg2[%dma_start3A_147, %dma_start3A_148] : memref<1000000x64xf32, #tpu.memory_space<hbm>> -> memref<1000000x64xf32, #tpu.memory_space<hbm>>
    tpu.enqueue_indirect_dma source(%dma_start3A_149 : memref<1000000x64xf32, #tpu.memory_space<hbm>>) target(%dma_start3A_143 : memref<72x64xf32, #tpu.memory_space<vmem>>) offsets(%dma_start3A_146 : memref<72xi32, #tpu.memory_space<vmem>>) semaphore(%arg11 : memref<!tpu.dma_semaphore, #tpu.memory_space<semaphore_mem>>)
    %dma_start3A_150 = arith.constant 0 : i32
    %dma_start3A_151 = arith.constant 4 : i32
    %dma_start3A_152 = arith.constant 4 : i32
    %dma_start3A_153 = arith.constant 0 : i32
    %dma_start3A_154 = arith.constant 0 : i32
    %dma_start3A_155 = tpu.memref_slice %arg6[%dma_start3A_152, %dma_start3A_153, %dma_start3A_154] : memref<8x200x64xf32, #tpu.memory_space<vmem>> -> memref<1x128x64xf32, #tpu.memory_space<vmem>>
    %dma_start3A_156 = tpu.memref_squeeze %dma_start3A_155 : memref<1x128x64xf32, #tpu.memory_space<vmem>> -> memref<128x64xf32, #tpu.memory_space<vmem>>
    %dma_start3A_157 = arith.constant 0 : i32
    %dma_start3A_158 = tpu.memref_slice %arg5[%dma_start3A_150, %dma_start3A_151, %dma_start3A_157] : memref<2x32x200xi32, #tpu.memory_space<vmem>> -> memref<1x1x128xi32, #tpu.memory_space<vmem>>
    %dma_start3A_159 = tpu.memref_squeeze %dma_start3A_158 : memref<1x1x128xi32, #tpu.memory_space<vmem>> -> memref<128xi32, #tpu.memory_space<vmem>>
    %dma_start3A_160 = arith.constant 0 : i32
    %dma_start3A_161 = arith.constant 0 : i32
    %dma_start3A_162 = tpu.memref_slice %arg2[%dma_start3A_160, %dma_start3A_161] : memref<1000000x64xf32, #tpu.memory_space<hbm>> -> memref<1000000x64xf32, #tpu.memory_space<hbm>>
    tpu.enqueue_indirect_dma source(%dma_start3A_162 : memref<1000000x64xf32, #tpu.memory_space<hbm>>) target(%dma_start3A_156 : memref<128x64xf32, #tpu.memory_space<vmem>>) offsets(%dma_start3A_159 : memref<128xi32, #tpu.memory_space<vmem>>) semaphore(%arg12 : memref<!tpu.dma_semaphore, #tpu.memory_space<semaphore_mem>>)
    %dma_start3A_163 = arith.constant 0 : i32
    %dma_start3A_164 = arith.constant 4 : i32
    %dma_start3A_165 = arith.constant 4 : i32
    %dma_start3A_166 = arith.constant 128 : i32
    %dma_start3A_167 = arith.constant 0 : i32
    %dma_start3A_168 = tpu.memref_slice %arg6[%dma_start3A_165, %dma_start3A_166, %dma_start3A_167] : memref<8x200x64xf32, #tpu.memory_space<vmem>> -> memref<1x72x64xf32, #tpu.memory_space<vmem>>
    %dma_start3A_169 = tpu.memref_squeeze %dma_start3A_168 : memref<1x72x64xf32, #tpu.memory_space<vmem>> -> memref<72x64xf32, #tpu.memory_space<vmem>>
    %dma_start3A_170 = arith.constant 128 : i32
    %dma_start3A_171 = tpu.memref_slice %arg5[%dma_start3A_163, %dma_start3A_164, %dma_start3A_170] : memref<2x32x200xi32, #tpu.memory_space<vmem>> -> memref<1x1x72xi32, #tpu.memory_space<vmem>>
    %dma_start3A_172 = tpu.memref_squeeze %dma_start3A_171 : memref<1x1x72xi32, #tpu.memory_space<vmem>> -> memref<72xi32, #tpu.memory_space<vmem>>
    %dma_start3A_173 = arith.constant 0 : i32
    %dma_start3A_174 = arith.constant 0 : i32
    %dma_start3A_175 = tpu.memref_slice %arg2[%dma_start3A_173, %dma_start3A_174] : memref<1000000x64xf32, #tpu.memory_space<hbm>> -> memref<1000000x64xf32, #tpu.memory_space<hbm>>
    tpu.enqueue_indirect_dma source(%dma_start3A_175 : memref<1000000x64xf32, #tpu.memory_space<hbm>>) target(%dma_start3A_169 : memref<72x64xf32, #tpu.memory_space<vmem>>) offsets(%dma_start3A_172 : memref<72xi32, #tpu.memory_space<vmem>>) semaphore(%arg12 : memref<!tpu.dma_semaphore, #tpu.memory_space<semaphore_mem>>)
    %dma_start3A_176 = arith.constant 0 : i32
    %dma_start3A_177 = arith.constant 5 : i32
    %dma_start3A_178 = arith.constant 5 : i32
    %dma_start3A_179 = arith.constant 0 : i32
    %dma_start3A_180 = arith.constant 0 : i32
    %dma_start3A_181 = tpu.memref_slice %arg6[%dma_start3A_178, %dma_start3A_179, %dma_start3A_180] : memref<8x200x64xf32, #tpu.memory_space<vmem>> -> memref<1x128x64xf32, #tpu.memory_space<vmem>>
    %dma_start3A_182 = tpu.memref_squeeze %dma_start3A_181 : memref<1x128x64xf32, #tpu.memory_space<vmem>> -> memref<128x64xf32, #tpu.memory_space<vmem>>
    %dma_start3A_183 = arith.constant 0 : i32
    %dma_start3A_184 = tpu.memref_slice %arg5[%dma_start3A_176, %dma_start3A_177, %dma_start3A_183] : memref<2x32x200xi32, #tpu.memory_space<vmem>> -> memref<1x1x128xi32, #tpu.memory_space<vmem>>
    %dma_start3A_185 = tpu.memref_squeeze %dma_start3A_184 : memref<1x1x128xi32, #tpu.memory_space<vmem>> -> memref<128xi32, #tpu.memory_space<vmem>>
    %dma_start3A_186 = arith.constant 0 : i32
    %dma_start3A_187 = arith.constant 0 : i32
    %dma_start3A_188 = tpu.memref_slice %arg2[%dma_start3A_186, %dma_start3A_187] : memref<1000000x64xf32, #tpu.memory_space<hbm>> -> memref<1000000x64xf32, #tpu.memory_space<hbm>>
    tpu.enqueue_indirect_dma source(%dma_start3A_188 : memref<1000000x64xf32, #tpu.memory_space<hbm>>) target(%dma_start3A_182 : memref<128x64xf32, #tpu.memory_space<vmem>>) offsets(%dma_start3A_185 : memref<128xi32, #tpu.memory_space<vmem>>) semaphore(%arg13 : memref<!tpu.dma_semaphore, #tpu.memory_space<semaphore_mem>>)
    %dma_start3A_189 = arith.constant 0 : i32
    %dma_start3A_190 = arith.constant 5 : i32
    %dma_start3A_191 = arith.constant 5 : i32
    %dma_start3A_192 = arith.constant 128 : i32
    %dma_start3A_193 = arith.constant 0 : i32
    %dma_start3A_194 = tpu.memref_slice %arg6[%dma_start3A_191, %dma_start3A_192, %dma_start3A_193] : memref<8x200x64xf32, #tpu.memory_space<vmem>> -> memref<1x72x64xf32, #tpu.memory_space<vmem>>
    %dma_start3A_195 = tpu.memref_squeeze %dma_start3A_194 : memref<1x72x64xf32, #tpu.memory_space<vmem>> -> memref<72x64xf32, #tpu.memory_space<vmem>>
    %dma_start3A_196 = arith.constant 128 : i32
    %dma_start3A_197 = tpu.memref_slice %arg5[%dma_start3A_189, %dma_start3A_190, %dma_start3A_196] : memref<2x32x200xi32, #tpu.memory_space<vmem>> -> memref<1x1x72xi32, #tpu.memory_space<vmem>>
    %dma_start3A_198 = tpu.memref_squeeze %dma_start3A_197 : memref<1x1x72xi32, #tpu.memory_space<vmem>> -> memref<72xi32, #tpu.memory_space<vmem>>
    %dma_start3A_199 = arith.constant 0 : i32
    %dma_start3A_200 = arith.constant 0 : i32
    %dma_start3A_201 = tpu.memref_slice %arg2[%dma_start3A_199, %dma_start3A_200] : memref<1000000x64xf32, #tpu.memory_space<hbm>> -> memref<1000000x64xf32, #tpu.memory_space<hbm>>
    tpu.enqueue_indirect_dma source(%dma_start3A_201 : memref<1000000x64xf32, #tpu.memory_space<hbm>>) target(%dma_start3A_195 : memref<72x64xf32, #tpu.memory_space<vmem>>) offsets(%dma_start3A_198 : memref<72xi32, #tpu.memory_space<vmem>>) semaphore(%arg13 : memref<!tpu.dma_semaphore, #tpu.memory_space<semaphore_mem>>)
    %scan3A = arith.constant 0 : i32
    %scan3A_202 = arith.constant 64 : i32
    %scan3A_203 = arith.addi %scan3A, %scan3A_202 : i32
    %scan3A_204 = arith.constant 1 : i32
    scf.for %scan3A_358 = %scan3A to %scan3A_203 step %scan3A_204  : i32 {
      %mul3A_359 = arith.constant 1 : i32
      %mul3A_360 = arith.muli %scan3A_358, %mul3A_359 : i32
      %add3A_361 = arith.constant 0 : i32
      %add3A_362 = arith.addi %add3A_361, %mul3A_360 : i32
      %mul3A_363 = arith.constant 8 : i32
      %mul3A_364 = arith.muli %add3A_362, %mul3A_363 : i32
      %add3A_365 = arith.constant 0 : i32
      %add3A_366 = arith.addi %mul3A_364, %add3A_365 : i32
      %jit3A = arith.constant 32 : i32
      %div3A = arith.divsi %add3A_366, %jit3A : i32
      %sign3A = arith.constant 0 : i32
      %sign3A_367 = arith.cmpi sgt, %add3A_366, %sign3A : i32
      %sign3A_368 = arith.extui %sign3A_367 : i1 to i32
      %sign3A_369 = arith.constant 0 : i32
      %sign3A_370 = arith.cmpi slt, %add3A_366, %sign3A_369 : i32
      %sign3A_371 = arith.extui %sign3A_370 : i1 to i32
      %sign3A_372 = arith.subi %sign3A_368, %sign3A_371 : i32
      %sign3A_373 = arith.constant 0 : i32
      %sign3A_374 = arith.cmpi sgt, %jit3A, %sign3A_373 : i32
      %sign3A_375 = arith.extui %sign3A_374 : i1 to i32
      %sign3A_376 = arith.constant 0 : i32
      %sign3A_377 = arith.cmpi slt, %jit3A, %sign3A_376 : i32
      %sign3A_378 = arith.extui %sign3A_377 : i1 to i32
      %sign3A_379 = arith.subi %sign3A_375, %sign3A_378 : i32
      %ne3A = arith.cmpi ne, %sign3A_372, %sign3A_379 : i32
      %rem3A = arith.remsi %add3A_366, %jit3A : i32
      %ne3A_380 = arith.constant 0 : i32
      %ne3A_381 = arith.cmpi ne, %rem3A, %ne3A_380 : i32
      %and3A = arith.andi %ne3A, %ne3A_381 : i1
      %sub3A = arith.constant 1 : i32
      %sub3A_382 = arith.subi %div3A, %sub3A : i32
      %select_n3A = arith.select %and3A, %sub3A_382, %div3A : i32
      %jit3A_383 = arith.constant 2 : i32
      %eq3A = arith.constant 0 : i32
      %eq3A_384 = arith.cmpi eq, %jit3A_383, %eq3A : i32
      %jit3A_385 = arith.constant 1 : i32
      %select_n3A_386 = arith.select %eq3A_384, %jit3A_385, %jit3A_383 : i32
      %rem3A_387 = arith.remsi %select_n3A, %select_n3A_386 : i32
      %ne3A_388 = arith.constant 0 : i32
      %ne3A_389 = arith.cmpi ne, %rem3A_387, %ne3A_388 : i32
      %lt3A = arith.constant 0 : i32
      %lt3A_390 = arith.cmpi slt, %rem3A_387, %lt3A : i32
      %lt3A_391 = arith.constant 0 : i32
      %lt3A_392 = arith.cmpi slt, %select_n3A_386, %lt3A_391 : i32
      %ne3A_393 = arith.xori %lt3A_390, %lt3A_392 : i1
      %and3A_394 = arith.andi %ne3A_393, %ne3A_389 : i1
      %add3A_395 = arith.addi %rem3A_387, %select_n3A_386 : i32
      %select_n3A_396 = arith.select %and3A_394, %add3A_395, %rem3A_387 : i32
      %jit3A_397 = arith.constant 32 : i32
      %eq3A_398 = arith.constant 0 : i32
      %eq3A_399 = arith.cmpi eq, %jit3A_397, %eq3A_398 : i32
      %jit3A_400 = arith.constant 1 : i32
      %select_n3A_401 = arith.select %eq3A_399, %jit3A_400, %jit3A_397 : i32
      %rem3A_402 = arith.remsi %add3A_366, %select_n3A_401 : i32
      %ne3A_403 = arith.constant 0 : i32
      %ne3A_404 = arith.cmpi ne, %rem3A_402, %ne3A_403 : i32
      %lt3A_405 = arith.constant 0 : i32
      %lt3A_406 = arith.cmpi slt, %rem3A_402, %lt3A_405 : i32
      %lt3A_407 = arith.constant 0 : i32
      %lt3A_408 = arith.cmpi slt, %select_n3A_401, %lt3A_407 : i32
      %ne3A_409 = arith.xori %lt3A_406, %lt3A_408 : i1
      %and3A_410 = arith.andi %ne3A_409, %ne3A_404 : i1
      %add3A_411 = arith.addi %rem3A_402, %select_n3A_401 : i32
      %select_n3A_412 = arith.select %and3A_410, %add3A_411, %rem3A_402 : i32
      %dma_wait3A_413 = arith.constant 0 : i32
      %dma_wait3A_414 = arith.constant 0 : i32
      %dma_wait3A_415 = arith.constant 0 : i32
      %dma_wait3A_416 = tpu.memref_slice %arg6[%dma_wait3A_413, %dma_wait3A_414, %dma_wait3A_415] : memref<8x200x64xf32, #tpu.memory_space<vmem>> -> memref<1x128x64xf32, #tpu.memory_space<vmem>>
      %dma_wait3A_417 = tpu.memref_squeeze %dma_wait3A_416 : memref<1x128x64xf32, #tpu.memory_space<vmem>> -> memref<128x64xf32, #tpu.memory_space<vmem>>
      %dma_wait3A_418 = arith.constant 0 : i32
      %dma_wait3A_419 = tpu.memref_slice %arg5[%select_n3A_396, %select_n3A_412, %dma_wait3A_418] : memref<2x32x200xi32, #tpu.memory_space<vmem>> -> memref<1x1x128xi32, #tpu.memory_space<vmem>>
      %dma_wait3A_420 = tpu.memref_squeeze %dma_wait3A_419 : memref<1x1x128xi32, #tpu.memory_space<vmem>> -> memref<128xi32, #tpu.memory_space<vmem>>
      %dma_wait3A_421 = arith.constant 0 : i32
      %dma_wait3A_422 = arith.constant 0 : i32
      %dma_wait3A_423 = tpu.memref_slice %arg2[%dma_wait3A_421, %dma_wait3A_422] : memref<1000000x64xf32, #tpu.memory_space<hbm>> -> memref<1000000x64xf32, #tpu.memory_space<hbm>>
      tpu.wait_indirect_dma semaphore(%arg8 : memref<!tpu.dma_semaphore, #tpu.memory_space<semaphore_mem>>) src(%dma_wait3A_423 : memref<1000000x64xf32, #tpu.memory_space<hbm>>) dst(%dma_wait3A_417 : memref<128x64xf32, #tpu.memory_space<vmem>>)
      %dma_wait3A_424 = arith.constant 0 : i32
      %dma_wait3A_425 = arith.constant 128 : i32
      %dma_wait3A_426 = arith.constant 0 : i32
      %dma_wait3A_427 = tpu.memref_slice %arg6[%dma_wait3A_424, %dma_wait3A_425, %dma_wait3A_426] : memref<8x200x64xf32, #tpu.memory_space<vmem>> -> memref<1x72x64xf32, #tpu.memory_space<vmem>>
      %dma_wait3A_428 = tpu.memref_squeeze %dma_wait3A_427 : memref<1x72x64xf32, #tpu.memory_space<vmem>> -> memref<72x64xf32, #tpu.memory_space<vmem>>
      %dma_wait3A_429 = arith.constant 128 : i32
      %dma_wait3A_430 = tpu.memref_slice %arg5[%select_n3A_396, %select_n3A_412, %dma_wait3A_429] : memref<2x32x200xi32, #tpu.memory_space<vmem>> -> memref<1x1x72xi32, #tpu.memory_space<vmem>>
      %dma_wait3A_431 = tpu.memref_squeeze %dma_wait3A_430 : memref<1x1x72xi32, #tpu.memory_space<vmem>> -> memref<72xi32, #tpu.memory_space<vmem>>
      %dma_wait3A_432 = arith.constant 0 : i32
      %dma_wait3A_433 = arith.constant 0 : i32
      %dma_wait3A_434 = tpu.memref_slice %arg2[%dma_wait3A_432, %dma_wait3A_433] : memref<1000000x64xf32, #tpu.memory_space<hbm>> -> memref<1000000x64xf32, #tpu.memory_space<hbm>>
      tpu.wait_indirect_dma semaphore(%arg8 : memref<!tpu.dma_semaphore, #tpu.memory_space<semaphore_mem>>) src(%dma_wait3A_434 : memref<1000000x64xf32, #tpu.memory_space<hbm>>) dst(%dma_wait3A_428 : memref<72x64xf32, #tpu.memory_space<vmem>>)
      %add3A_435 = arith.addi %mul3A_2, %add3A_366 : i32
      %dma_start3A_436 = arith.constant 0 : i32
      %dma_start3A_437 = arith.constant 0 : i32
      %dma_start3A_438 = arith.constant 0 : i32
      %dma_start3A_439 = tpu.memref_slice %arg6[%dma_start3A_436, %dma_start3A_437, %dma_start3A_438] : memref<8x200x64xf32, #tpu.memory_space<vmem>> -> memref<1x200x64xf32, #tpu.memory_space<vmem>>
      %dma_start3A_440 = tpu.memref_squeeze %dma_start3A_439 : memref<1x200x64xf32, #tpu.memory_space<vmem>> -> memref<200x64xf32, #tpu.memory_space<vmem>>
      %dma_start3A_441 = arith.constant 0 : i32
      %dma_start3A_442 = arith.constant 0 : i32
      %dma_start3A_443 = tpu.memref_slice %arg4[%add3A_435, %dma_start3A_441, %dma_start3A_442] : memref<16384x200x128xf32, #tpu.memory_space<hbm>> -> memref<1x200x64xf32, #tpu.memory_space<hbm>>
      %dma_start3A_444 = tpu.memref_squeeze %dma_start3A_443 : memref<1x200x64xf32, #tpu.memory_space<hbm>> -> memref<200x64xf32, #tpu.memory_space<hbm>>
      %dma_start3A_445 = arith.constant 0 : i32
      %dma_start3A_446 = arith.constant 0 : i32
      %dma_start3A_447 = tpu.memref_slice %arg4[%add3A_435, %dma_start3A_445, %dma_start3A_446] : memref<16384x200x128xf32, #tpu.memory_space<hbm>> -> memref<1x200x64xf32, #tpu.memory_space<hbm>>
      %dma_start3A_448 = tpu.memref_squeeze %dma_start3A_447 : memref<1x200x64xf32, #tpu.memory_space<hbm>> -> memref<200x64xf32, #tpu.memory_space<hbm>>
      %dma_start3A_449 = arith.constant 0 : i32
      %dma_start3A_450 = arith.constant 0 : i32
      %dma_start3A_451 = tpu.memref_slice %arg6[%dma_start3A_436, %dma_start3A_449, %dma_start3A_450] : memref<8x200x64xf32, #tpu.memory_space<vmem>> -> memref<1x200x64xf32, #tpu.memory_space<vmem>>
      %dma_start3A_452 = tpu.memref_squeeze %dma_start3A_451 : memref<1x200x64xf32, #tpu.memory_space<vmem>> -> memref<200x64xf32, #tpu.memory_space<vmem>>
      tpu.enqueue_dma source(%dma_start3A_452 : memref<200x64xf32, #tpu.memory_space<vmem>>) target(%dma_start3A_448 : memref<200x64xf32, #tpu.memory_space<hbm>>) target_semaphore(%arg16 : memref<!tpu.dma_semaphore, #tpu.memory_space<semaphore_mem>>)
      %add3A_453 = arith.constant 6 : i32
      %add3A_454 = arith.addi %add3A_366, %add3A_453 : i32
      %lt3A_455 = arith.constant 512 : i32
      %lt3A_456 = arith.cmpi slt, %add3A_454, %lt3A_455 : i32
      %convert_element_type3A = arith.extui %lt3A_456 : i1 to i32
      %cond3A = arith.constant 0 : i32
      %cond3A_457 = arith.cmpi ne, %convert_element_type3A, %cond3A : i32
      scf.if %cond3A_457 {
        %ge3A = arith.constant 8 : i32
        %ge3A_1193 = arith.cmpi sge, %add3A_454, %ge3A : i32
        %convert_element_type3A_1194 = arith.extui %ge3A_1193 : i1 to i32
        %cond3A_1195 = arith.constant 0 : i32
        %cond3A_1196 = arith.cmpi ne, %convert_element_type3A_1194, %cond3A_1195 : i32
        scf.if %cond3A_1196 {
          %sub3A_1296 = arith.constant 8 : i32
          %sub3A_1297 = arith.subi %add3A_454, %sub3A_1296 : i32
          %add3A_1298 = arith.addi %mul3A_2, %sub3A_1297 : i32
          %dma_wait3A_1299 = arith.constant 6 : i32
          %dma_wait3A_1300 = arith.constant 0 : i32
          %dma_wait3A_1301 = arith.constant 0 : i32
          %dma_wait3A_1302 = tpu.memref_slice %arg6[%dma_wait3A_1299, %dma_wait3A_1300, %dma_wait3A_1301] : memref<8x200x64xf32, #tpu.memory_space<vmem>> -> memref<1x200x64xf32, #tpu.memory_space<vmem>>
          %dma_wait3A_1303 = tpu.memref_squeeze %dma_wait3A_1302 : memref<1x200x64xf32, #tpu.memory_space<vmem>> -> memref<200x64xf32, #tpu.memory_space<vmem>>
          %dma_wait3A_1304 = arith.constant 0 : i32
          %dma_wait3A_1305 = arith.constant 0 : i32
          %dma_wait3A_1306 = tpu.memref_slice %arg4[%add3A_1298, %dma_wait3A_1304, %dma_wait3A_1305] : memref<16384x200x128xf32, #tpu.memory_space<hbm>> -> memref<1x200x64xf32, #tpu.memory_space<hbm>>
          %dma_wait3A_1307 = tpu.memref_squeeze %dma_wait3A_1306 : memref<1x200x64xf32, #tpu.memory_space<hbm>> -> memref<200x64xf32, #tpu.memory_space<hbm>>
          %dma_wait3A_1308 = arith.constant 0 : i32
          %dma_wait3A_1309 = arith.constant 0 : i32
          %dma_wait3A_1310 = tpu.memref_slice %arg4[%add3A_1298, %dma_wait3A_1308, %dma_wait3A_1309] : memref<16384x200x128xf32, #tpu.memory_space<hbm>> -> memref<1x200x64xf32, #tpu.memory_space<hbm>>
          %dma_wait3A_1311 = tpu.memref_squeeze %dma_wait3A_1310 : memref<1x200x64xf32, #tpu.memory_space<hbm>> -> memref<200x64xf32, #tpu.memory_space<hbm>>
          %dma_wait3A_1312 = arith.constant 0 : i32
          %dma_wait3A_1313 = arith.constant 0 : i32
          %dma_wait3A_1314 = tpu.memref_slice %arg6[%dma_wait3A_1299, %dma_wait3A_1312, %dma_wait3A_1313] : memref<8x200x64xf32, #tpu.memory_space<vmem>> -> memref<1x200x64xf32, #tpu.memory_space<vmem>>
          %dma_wait3A_1315 = tpu.memref_squeeze %dma_wait3A_1314 : memref<1x200x64xf32, #tpu.memory_space<vmem>> -> memref<200x64xf32, #tpu.memory_space<vmem>>
          tpu.wait_dma2 semaphore(%arg22 : memref<!tpu.dma_semaphore, #tpu.memory_space<semaphore_mem>>) src(%dma_wait3A_1315 : memref<200x64xf32, #tpu.memory_space<vmem>>) dst(%dma_wait3A_1311 : memref<200x64xf32, #tpu.memory_space<hbm>>)
        } else {
        }
        %jit3A_1197 = arith.constant 32 : i32
        %eq3A_1198 = arith.constant 0 : i32
        %eq3A_1199 = arith.cmpi eq, %jit3A_1197, %eq3A_1198 : i32
        %jit3A_1200 = arith.constant 1 : i32
        %select_n3A_1201 = arith.select %eq3A_1199, %jit3A_1200, %jit3A_1197 : i32
        %rem3A_1202 = arith.remsi %add3A_454, %select_n3A_1201 : i32
        %ne3A_1203 = arith.constant 0 : i32
        %ne3A_1204 = arith.cmpi ne, %rem3A_1202, %ne3A_1203 : i32
        %lt3A_1205 = arith.constant 0 : i32
        %lt3A_1206 = arith.cmpi slt, %rem3A_1202, %lt3A_1205 : i32
        %lt3A_1207 = arith.constant 0 : i32
        %lt3A_1208 = arith.cmpi slt, %select_n3A_1201, %lt3A_1207 : i32
        %ne3A_1209 = arith.xori %lt3A_1206, %lt3A_1208 : i1
        %and3A_1210 = arith.andi %ne3A_1209, %ne3A_1204 : i1
        %add3A_1211 = arith.addi %rem3A_1202, %select_n3A_1201 : i32
        %select_n3A_1212 = arith.select %and3A_1210, %add3A_1211, %rem3A_1202 : i32
        %eq3A_1213 = arith.constant 0 : i32
        %eq3A_1214 = arith.cmpi eq, %select_n3A_1212, %eq3A_1213 : i32
        %convert_element_type3A_1215 = arith.extui %eq3A_1214 : i1 to i32
        %cond3A_1216 = arith.constant 0 : i32
        %cond3A_1217 = arith.cmpi ne, %convert_element_type3A_1215, %cond3A_1216 : i32
        scf.if %cond3A_1217 {
          %jit3A_1296 = arith.constant 32 : i32
          %div3A_1297 = arith.divsi %add3A_454, %jit3A_1296 : i32
          %sign3A_1298 = arith.constant 0 : i32
          %sign3A_1299 = arith.cmpi sgt, %add3A_454, %sign3A_1298 : i32
          %sign3A_1300 = arith.extui %sign3A_1299 : i1 to i32
          %sign3A_1301 = arith.constant 0 : i32
          %sign3A_1302 = arith.cmpi slt, %add3A_454, %sign3A_1301 : i32
          %sign3A_1303 = arith.extui %sign3A_1302 : i1 to i32
          %sign3A_1304 = arith.subi %sign3A_1300, %sign3A_1303 : i32
          %sign3A_1305 = arith.constant 0 : i32
          %sign3A_1306 = arith.cmpi sgt, %jit3A_1296, %sign3A_1305 : i32
          %sign3A_1307 = arith.extui %sign3A_1306 : i1 to i32
          %sign3A_1308 = arith.constant 0 : i32
          %sign3A_1309 = arith.cmpi slt, %jit3A_1296, %sign3A_1308 : i32
          %sign3A_1310 = arith.extui %sign3A_1309 : i1 to i32
          %sign3A_1311 = arith.subi %sign3A_1307, %sign3A_1310 : i32
          %ne3A_1312 = arith.cmpi ne, %sign3A_1304, %sign3A_1311 : i32
          %rem3A_1313 = arith.remsi %add3A_454, %jit3A_1296 : i32
          %ne3A_1314 = arith.constant 0 : i32
          %ne3A_1315 = arith.cmpi ne, %rem3A_1313, %ne3A_1314 : i32
          %and3A_1316 = arith.andi %ne3A_1312, %ne3A_1315 : i1
          %sub3A_1317 = arith.constant 1 : i32
          %sub3A_1318 = arith.subi %div3A_1297, %sub3A_1317 : i32
          %select_n3A_1319 = arith.select %and3A_1316, %sub3A_1318, %div3A_1297 : i32
          %mul3A_1320 = arith.constant 32 : i32
          %mul3A_1321 = arith.muli %select_n3A_1319, %mul3A_1320 : i32
          %add3A_1322 = arith.addi %mul3A_2, %mul3A_1321 : i32
          %jit3A_1323 = arith.constant 2 : i32
          %eq3A_1324 = arith.constant 0 : i32
          %eq3A_1325 = arith.cmpi eq, %jit3A_1323, %eq3A_1324 : i32
          %jit3A_1326 = arith.constant 1 : i32
          %select_n3A_1327 = arith.select %eq3A_1325, %jit3A_1326, %jit3A_1323 : i32
          %rem3A_1328 = arith.remsi %select_n3A_1319, %select_n3A_1327 : i32
          %ne3A_1329 = arith.constant 0 : i32
          %ne3A_1330 = arith.cmpi ne, %rem3A_1328, %ne3A_1329 : i32
          %lt3A_1331 = arith.constant 0 : i32
          %lt3A_1332 = arith.cmpi slt, %rem3A_1328, %lt3A_1331 : i32
          %lt3A_1333 = arith.constant 0 : i32
          %lt3A_1334 = arith.cmpi slt, %select_n3A_1327, %lt3A_1333 : i32
          %ne3A_1335 = arith.xori %lt3A_1332, %lt3A_1334 : i1
          %and3A_1336 = arith.andi %ne3A_1335, %ne3A_1330 : i1
          %add3A_1337 = arith.addi %rem3A_1328, %select_n3A_1327 : i32
          %select_n3A_1338 = arith.select %and3A_1336, %add3A_1337, %rem3A_1328 : i32
          %dma_wait3A_1339 = arith.constant 0 : i32
          %dma_wait3A_1340 = arith.constant 0 : i32
          %dma_wait3A_1341 = tpu.memref_slice %arg5[%select_n3A_1338, %dma_wait3A_1339, %dma_wait3A_1340] : memref<2x32x200xi32, #tpu.memory_space<vmem>> -> memref<1x32x200xi32, #tpu.memory_space<vmem>>
          %dma_wait3A_1342 = tpu.memref_squeeze %dma_wait3A_1341 : memref<1x32x200xi32, #tpu.memory_space<vmem>> -> memref<32x200xi32, #tpu.memory_space<vmem>>
          %dma_wait3A_1343 = arith.constant 0 : i32
          %dma_wait3A_1344 = tpu.memref_slice %arg3[%add3A_1322, %dma_wait3A_1343] : memref<16384x200xi32, #tpu.memory_space<hbm>> -> memref<32x200xi32, #tpu.memory_space<hbm>>
          %dma_wait3A_1345 = arith.constant 0 : i32
          %dma_wait3A_1346 = arith.constant 0 : i32
          %dma_wait3A_1347 = tpu.memref_slice %arg5[%select_n3A_1338, %dma_wait3A_1345, %dma_wait3A_1346] : memref<2x32x200xi32, #tpu.memory_space<vmem>> -> memref<1x32x200xi32, #tpu.memory_space<vmem>>
          %dma_wait3A_1348 = tpu.memref_squeeze %dma_wait3A_1347 : memref<1x32x200xi32, #tpu.memory_space<vmem>> -> memref<32x200xi32, #tpu.memory_space<vmem>>
          %dma_wait3A_1349 = arith.constant 0 : i32
          %dma_wait3A_1350 = tpu.memref_slice %arg3[%add3A_1322, %dma_wait3A_1349] : memref<16384x200xi32, #tpu.memory_space<hbm>> -> memref<32x200xi32, #tpu.memory_space<hbm>>
          tpu.wait_dma2 semaphore(%arg7 : memref<!tpu.dma_semaphore, #tpu.memory_space<semaphore_mem>>) src(%dma_wait3A_1350 : memref<32x200xi32, #tpu.memory_space<hbm>>) dst(%dma_wait3A_1348 : memref<32x200xi32, #tpu.memory_space<vmem>>)
          %add3A_1351 = arith.constant 1 : i32
          %add3A_1352 = arith.addi %select_n3A_1319, %add3A_1351 : i32
          %lt3A_1353 = arith.constant 16 : i32
          %lt3A_1354 = arith.cmpi slt, %add3A_1352, %lt3A_1353 : i32
          %convert_element_type3A_1355 = arith.extui %lt3A_1354 : i1 to i32
          %cond3A_1356 = arith.constant 0 : i32
          %cond3A_1357 = arith.cmpi ne, %convert_element_type3A_1355, %cond3A_1356 : i32
          scf.if %cond3A_1357 {
            %add3A_1358 = arith.constant 1 : i32
            %add3A_1359 = arith.addi %select_n3A_1319, %add3A_1358 : i32
            %mul3A_1360 = arith.constant 32 : i32
            %mul3A_1361 = arith.muli %add3A_1359, %mul3A_1360 : i32
            %add3A_1362 = arith.addi %mul3A_2, %mul3A_1361 : i32
            %jit3A_1363 = arith.constant 2 : i32
            %eq3A_1364 = arith.constant 0 : i32
            %eq3A_1365 = arith.cmpi eq, %jit3A_1363, %eq3A_1364 : i32
            %jit3A_1366 = arith.constant 1 : i32
            %select_n3A_1367 = arith.select %eq3A_1365, %jit3A_1366, %jit3A_1363 : i32
            %rem3A_1368 = arith.remsi %add3A_1359, %select_n3A_1367 : i32
            %ne3A_1369 = arith.constant 0 : i32
            %ne3A_1370 = arith.cmpi ne, %rem3A_1368, %ne3A_1369 : i32
            %lt3A_1371 = arith.constant 0 : i32
            %lt3A_1372 = arith.cmpi slt, %rem3A_1368, %lt3A_1371 : i32
            %lt3A_1373 = arith.constant 0 : i32
            %lt3A_1374 = arith.cmpi slt, %select_n3A_1367, %lt3A_1373 : i32
            %ne3A_1375 = arith.xori %lt3A_1372, %lt3A_1374 : i1
            %and3A_1376 = arith.andi %ne3A_1375, %ne3A_1370 : i1
            %add3A_1377 = arith.addi %rem3A_1368, %select_n3A_1367 : i32
            %select_n3A_1378 = arith.select %and3A_1376, %add3A_1377, %rem3A_1368 : i32
            %dma_start3A_1379 = arith.constant 0 : i32
            %dma_start3A_1380 = arith.constant 0 : i32
            %dma_start3A_1381 = tpu.memref_slice %arg5[%select_n3A_1378, %dma_start3A_1379, %dma_start3A_1380] : memref<2x32x200xi32, #tpu.memory_space<vmem>> -> memref<1x32x200xi32, #tpu.memory_space<vmem>>
            %dma_start3A_1382 = tpu.memref_squeeze %dma_start3A_1381 : memref<1x32x200xi32, #tpu.memory_space<vmem>> -> memref<32x200xi32, #tpu.memory_space<vmem>>
            %dma_start3A_1383 = arith.constant 0 : i32
            %dma_start3A_1384 = tpu.memref_slice %arg3[%add3A_1362, %dma_start3A_1383] : memref<16384x200xi32, #tpu.memory_space<hbm>> -> memref<32x200xi32, #tpu.memory_space<hbm>>
            %dma_start3A_1385 = arith.constant 0 : i32
            %dma_start3A_1386 = arith.constant 0 : i32
            %dma_start3A_1387 = tpu.memref_slice %arg5[%select_n3A_1378, %dma_start3A_1385, %dma_start3A_1386] : memref<2x32x200xi32, #tpu.memory_space<vmem>> -> memref<1x32x200xi32, #tpu.memory_space<vmem>>
            %dma_start3A_1388 = tpu.memref_squeeze %dma_start3A_1387 : memref<1x32x200xi32, #tpu.memory_space<vmem>> -> memref<32x200xi32, #tpu.memory_space<vmem>>
            %dma_start3A_1389 = arith.constant 0 : i32
            %dma_start3A_1390 = tpu.memref_slice %arg3[%add3A_1362, %dma_start3A_1389] : memref<16384x200xi32, #tpu.memory_space<hbm>> -> memref<32x200xi32, #tpu.memory_space<hbm>>
            tpu.enqueue_dma source(%dma_start3A_1390 : memref<32x200xi32, #tpu.memory_space<hbm>>) target(%dma_start3A_1388 : memref<32x200xi32, #tpu.memory_space<vmem>>) target_semaphore(%arg7 : memref<!tpu.dma_semaphore, #tpu.memory_space<semaphore_mem>>)
          } else {
          }
        } else {
        }
        %jit3A_1218 = arith.constant 32 : i32
        %div3A_1219 = arith.divsi %add3A_454, %jit3A_1218 : i32
        %sign3A_1220 = arith.constant 0 : i32
        %sign3A_1221 = arith.cmpi sgt, %add3A_454, %sign3A_1220 : i32
        %sign3A_1222 = arith.extui %sign3A_1221 : i1 to i32
        %sign3A_1223 = arith.constant 0 : i32
        %sign3A_1224 = arith.cmpi slt, %add3A_454, %sign3A_1223 : i32
        %sign3A_1225 = arith.extui %sign3A_1224 : i1 to i32
        %sign3A_1226 = arith.subi %sign3A_1222, %sign3A_1225 : i32
        %sign3A_1227 = arith.constant 0 : i32
        %sign3A_1228 = arith.cmpi sgt, %jit3A_1218, %sign3A_1227 : i32
        %sign3A_1229 = arith.extui %sign3A_1228 : i1 to i32
        %sign3A_1230 = arith.constant 0 : i32
        %sign3A_1231 = arith.cmpi slt, %jit3A_1218, %sign3A_1230 : i32
        %sign3A_1232 = arith.extui %sign3A_1231 : i1 to i32
        %sign3A_1233 = arith.subi %sign3A_1229, %sign3A_1232 : i32
        %ne3A_1234 = arith.cmpi ne, %sign3A_1226, %sign3A_1233 : i32
        %rem3A_1235 = arith.remsi %add3A_454, %jit3A_1218 : i32
        %ne3A_1236 = arith.constant 0 : i32
        %ne3A_1237 = arith.cmpi ne, %rem3A_1235, %ne3A_1236 : i32
        %and3A_1238 = arith.andi %ne3A_1234, %ne3A_1237 : i1
        %sub3A_1239 = arith.constant 1 : i32
        %sub3A_1240 = arith.subi %div3A_1219, %sub3A_1239 : i32
        %select_n3A_1241 = arith.select %and3A_1238, %sub3A_1240, %div3A_1219 : i32
        %jit3A_1242 = arith.constant 2 : i32
        %eq3A_1243 = arith.constant 0 : i32
        %eq3A_1244 = arith.cmpi eq, %jit3A_1242, %eq3A_1243 : i32
        %jit3A_1245 = arith.constant 1 : i32
        %select_n3A_1246 = arith.select %eq3A_1244, %jit3A_1245, %jit3A_1242 : i32
        %rem3A_1247 = arith.remsi %select_n3A_1241, %select_n3A_1246 : i32
        %ne3A_1248 = arith.constant 0 : i32
        %ne3A_1249 = arith.cmpi ne, %rem3A_1247, %ne3A_1248 : i32
        %lt3A_1250 = arith.constant 0 : i32
        %lt3A_1251 = arith.cmpi slt, %rem3A_1247, %lt3A_1250 : i32
        %lt3A_1252 = arith.constant 0 : i32
        %lt3A_1253 = arith.cmpi slt, %select_n3A_1246, %lt3A_1252 : i32
        %ne3A_1254 = arith.xori %lt3A_1251, %lt3A_1253 : i1
        %and3A_1255 = arith.andi %ne3A_1254, %ne3A_1249 : i1
        %add3A_1256 = arith.addi %rem3A_1247, %select_n3A_1246 : i32
        %select_n3A_1257 = arith.select %and3A_1255, %add3A_1256, %rem3A_1247 : i32
        %jit3A_1258 = arith.constant 32 : i32
        %eq3A_1259 = arith.constant 0 : i32
        %eq3A_1260 = arith.cmpi eq, %jit3A_1258, %eq3A_1259 : i32
        %jit3A_1261 = arith.constant 1 : i32
        %select_n3A_1262 = arith.select %eq3A_1260, %jit3A_1261, %jit3A_1258 : i32
        %rem3A_1263 = arith.remsi %add3A_454, %select_n3A_1262 : i32
        %ne3A_1264 = arith.constant 0 : i32
        %ne3A_1265 = arith.cmpi ne, %rem3A_1263, %ne3A_1264 : i32
        %lt3A_1266 = arith.constant 0 : i32
        %lt3A_1267 = arith.cmpi slt, %rem3A_1263, %lt3A_1266 : i32
        %lt3A_1268 = arith.constant 0 : i32
        %lt3A_1269 = arith.cmpi slt, %select_n3A_1262, %lt3A_1268 : i32
        %ne3A_1270 = arith.xori %lt3A_1267, %lt3A_1269 : i1
        %and3A_1271 = arith.andi %ne3A_1270, %ne3A_1265 : i1
        %add3A_1272 = arith.addi %rem3A_1263, %select_n3A_1262 : i32
        %select_n3A_1273 = arith.select %and3A_1271, %add3A_1272, %rem3A_1263 : i32
        %dma_start3A_1274 = arith.constant 6 : i32
        %dma_start3A_1275 = arith.constant 0 : i32
        %dma_start3A_1276 = arith.constant 0 : i32
        %dma_start3A_1277 = tpu.memref_slice %arg6[%dma_start3A_1274, %dma_start3A_1275, %dma_start3A_1276] : memref<8x200x64xf32, #tpu.memory_space<vmem>> -> memref<1x128x64xf32, #tpu.memory_space<vmem>>
        %dma_start3A_1278 = tpu.memref_squeeze %dma_start3A_1277 : memref<1x128x64xf32, #tpu.memory_space<vmem>> -> memref<128x64xf32, #tpu.memory_space<vmem>>
        %dma_start3A_1279 = arith.constant 0 : i32
        %dma_start3A_1280 = tpu.memref_slice %arg5[%select_n3A_1257, %select_n3A_1273, %dma_start3A_1279] : memref<2x32x200xi32, #tpu.memory_space<vmem>> -> memref<1x1x128xi32, #tpu.memory_space<vmem>>
        %dma_start3A_1281 = tpu.memref_squeeze %dma_start3A_1280 : memref<1x1x128xi32, #tpu.memory_space<vmem>> -> memref<128xi32, #tpu.memory_space<vmem>>
        %dma_start3A_1282 = arith.constant 0 : i32
        %dma_start3A_1283 = arith.constant 0 : i32
        %dma_start3A_1284 = tpu.memref_slice %arg2[%dma_start3A_1282, %dma_start3A_1283] : memref<1000000x64xf32, #tpu.memory_space<hbm>> -> memref<1000000x64xf32, #tpu.memory_space<hbm>>
        tpu.enqueue_indirect_dma source(%dma_start3A_1284 : memref<1000000x64xf32, #tpu.memory_space<hbm>>) target(%dma_start3A_1278 : memref<128x64xf32, #tpu.memory_space<vmem>>) offsets(%dma_start3A_1281 : memref<128xi32, #tpu.memory_space<vmem>>) semaphore(%arg14 : memref<!tpu.dma_semaphore, #tpu.memory_space<semaphore_mem>>)
        %dma_start3A_1285 = arith.constant 6 : i32
        %dma_start3A_1286 = arith.constant 128 : i32
        %dma_start3A_1287 = arith.constant 0 : i32
        %dma_start3A_1288 = tpu.memref_slice %arg6[%dma_start3A_1285, %dma_start3A_1286, %dma_start3A_1287] : memref<8x200x64xf32, #tpu.memory_space<vmem>> -> memref<1x72x64xf32, #tpu.memory_space<vmem>>
        %dma_start3A_1289 = tpu.memref_squeeze %dma_start3A_1288 : memref<1x72x64xf32, #tpu.memory_space<vmem>> -> memref<72x64xf32, #tpu.memory_space<vmem>>
        %dma_start3A_1290 = arith.constant 128 : i32
        %dma_start3A_1291 = tpu.memref_slice %arg5[%select_n3A_1257, %select_n3A_1273, %dma_start3A_1290] : memref<2x32x200xi32, #tpu.memory_space<vmem>> -> memref<1x1x72xi32, #tpu.memory_space<vmem>>
        %dma_start3A_1292 = tpu.memref_squeeze %dma_start3A_1291 : memref<1x1x72xi32, #tpu.memory_space<vmem>> -> memref<72xi32, #tpu.memory_space<vmem>>
        %dma_start3A_1293 = arith.constant 0 : i32
        %dma_start3A_1294 = arith.constant 0 : i32
        %dma_start3A_1295 = tpu.memref_slice %arg2[%dma_start3A_1293, %dma_start3A_1294] : memref<1000000x64xf32, #tpu.memory_space<hbm>> -> memref<1000000x64xf32, #tpu.memory_space<hbm>>
        tpu.enqueue_indirect_dma source(%dma_start3A_1295 : memref<1000000x64xf32, #tpu.memory_space<hbm>>) target(%dma_start3A_1289 : memref<72x64xf32, #tpu.memory_space<vmem>>) offsets(%dma_start3A_1292 : memref<72xi32, #tpu.memory_space<vmem>>) semaphore(%arg14 : memref<!tpu.dma_semaphore, #tpu.memory_space<semaphore_mem>>)
      } else {
      }
      %add3A_458 = arith.constant 1 : i32
      %add3A_459 = arith.addi %mul3A_364, %add3A_458 : i32
      %jit3A_460 = arith.constant 32 : i32
      %div3A_461 = arith.divsi %add3A_459, %jit3A_460 : i32
      %sign3A_462 = arith.constant 0 : i32
      %sign3A_463 = arith.cmpi sgt, %add3A_459, %sign3A_462 : i32
      %sign3A_464 = arith.extui %sign3A_463 : i1 to i32
      %sign3A_465 = arith.constant 0 : i32
      %sign3A_466 = arith.cmpi slt, %add3A_459, %sign3A_465 : i32
      %sign3A_467 = arith.extui %sign3A_466 : i1 to i32
      %sign3A_468 = arith.subi %sign3A_464, %sign3A_467 : i32
      %sign3A_469 = arith.constant 0 : i32
      %sign3A_470 = arith.cmpi sgt, %jit3A_460, %sign3A_469 : i32
      %sign3A_471 = arith.extui %sign3A_470 : i1 to i32
      %sign3A_472 = arith.constant 0 : i32
      %sign3A_473 = arith.cmpi slt, %jit3A_460, %sign3A_472 : i32
      %sign3A_474 = arith.extui %sign3A_473 : i1 to i32
      %sign3A_475 = arith.subi %sign3A_471, %sign3A_474 : i32
      %ne3A_476 = arith.cmpi ne, %sign3A_468, %sign3A_475 : i32
      %rem3A_477 = arith.remsi %add3A_459, %jit3A_460 : i32
      %ne3A_478 = arith.constant 0 : i32
      %ne3A_479 = arith.cmpi ne, %rem3A_477, %ne3A_478 : i32
      %and3A_480 = arith.andi %ne3A_476, %ne3A_479 : i1
      %sub3A_481 = arith.constant 1 : i32
      %sub3A_482 = arith.subi %div3A_461, %sub3A_481 : i32
      %select_n3A_483 = arith.select %and3A_480, %sub3A_482, %div3A_461 : i32
      %jit3A_484 = arith.constant 2 : i32
      %eq3A_485 = arith.constant 0 : i32
      %eq3A_486 = arith.cmpi eq, %jit3A_484, %eq3A_485 : i32
      %jit3A_487 = arith.constant 1 : i32
      %select_n3A_488 = arith.select %eq3A_486, %jit3A_487, %jit3A_484 : i32
      %rem3A_489 = arith.remsi %select_n3A_483, %select_n3A_488 : i32
      %ne3A_490 = arith.constant 0 : i32
      %ne3A_491 = arith.cmpi ne, %rem3A_489, %ne3A_490 : i32
      %lt3A_492 = arith.constant 0 : i32
      %lt3A_493 = arith.cmpi slt, %rem3A_489, %lt3A_492 : i32
      %lt3A_494 = arith.constant 0 : i32
      %lt3A_495 = arith.cmpi slt, %select_n3A_488, %lt3A_494 : i32
      %ne3A_496 = arith.xori %lt3A_493, %lt3A_495 : i1
      %and3A_497 = arith.andi %ne3A_496, %ne3A_491 : i1
      %add3A_498 = arith.addi %rem3A_489, %select_n3A_488 : i32
      %select_n3A_499 = arith.select %and3A_497, %add3A_498, %rem3A_489 : i32
      %jit3A_500 = arith.constant 32 : i32
      %eq3A_501 = arith.constant 0 : i32
      %eq3A_502 = arith.cmpi eq, %jit3A_500, %eq3A_501 : i32
      %jit3A_503 = arith.constant 1 : i32
      %select_n3A_504 = arith.select %eq3A_502, %jit3A_503, %jit3A_500 : i32
      %rem3A_505 = arith.remsi %add3A_459, %select_n3A_504 : i32
      %ne3A_506 = arith.constant 0 : i32
      %ne3A_507 = arith.cmpi ne, %rem3A_505, %ne3A_506 : i32
      %lt3A_508 = arith.constant 0 : i32
      %lt3A_509 = arith.cmpi slt, %rem3A_505, %lt3A_508 : i32
      %lt3A_510 = arith.constant 0 : i32
      %lt3A_511 = arith.cmpi slt, %select_n3A_504, %lt3A_510 : i32
      %ne3A_512 = arith.xori %lt3A_509, %lt3A_511 : i1
      %and3A_513 = arith.andi %ne3A_512, %ne3A_507 : i1
      %add3A_514 = arith.addi %rem3A_505, %select_n3A_504 : i32
      %select_n3A_515 = arith.select %and3A_513, %add3A_514, %rem3A_505 : i32
      %dma_wait3A_516 = arith.constant 1 : i32
      %dma_wait3A_517 = arith.constant 0 : i32
      %dma_wait3A_518 = arith.constant 0 : i32
      %dma_wait3A_519 = tpu.memref_slice %arg6[%dma_wait3A_516, %dma_wait3A_517, %dma_wait3A_518] : memref<8x200x64xf32, #tpu.memory_space<vmem>> -> memref<1x128x64xf32, #tpu.memory_space<vmem>>
      %dma_wait3A_520 = tpu.memref_squeeze %dma_wait3A_519 : memref<1x128x64xf32, #tpu.memory_space<vmem>> -> memref<128x64xf32, #tpu.memory_space<vmem>>
      %dma_wait3A_521 = arith.constant 0 : i32
      %dma_wait3A_522 = tpu.memref_slice %arg5[%select_n3A_499, %select_n3A_515, %dma_wait3A_521] : memref<2x32x200xi32, #tpu.memory_space<vmem>> -> memref<1x1x128xi32, #tpu.memory_space<vmem>>
      %dma_wait3A_523 = tpu.memref_squeeze %dma_wait3A_522 : memref<1x1x128xi32, #tpu.memory_space<vmem>> -> memref<128xi32, #tpu.memory_space<vmem>>
      %dma_wait3A_524 = arith.constant 0 : i32
      %dma_wait3A_525 = arith.constant 0 : i32
      %dma_wait3A_526 = tpu.memref_slice %arg2[%dma_wait3A_524, %dma_wait3A_525] : memref<1000000x64xf32, #tpu.memory_space<hbm>> -> memref<1000000x64xf32, #tpu.memory_space<hbm>>
      tpu.wait_indirect_dma semaphore(%arg9 : memref<!tpu.dma_semaphore, #tpu.memory_space<semaphore_mem>>) src(%dma_wait3A_526 : memref<1000000x64xf32, #tpu.memory_space<hbm>>) dst(%dma_wait3A_520 : memref<128x64xf32, #tpu.memory_space<vmem>>)
      %dma_wait3A_527 = arith.constant 1 : i32
      %dma_wait3A_528 = arith.constant 128 : i32
      %dma_wait3A_529 = arith.constant 0 : i32
      %dma_wait3A_530 = tpu.memref_slice %arg6[%dma_wait3A_527, %dma_wait3A_528, %dma_wait3A_529] : memref<8x200x64xf32, #tpu.memory_space<vmem>> -> memref<1x72x64xf32, #tpu.memory_space<vmem>>
      %dma_wait3A_531 = tpu.memref_squeeze %dma_wait3A_530 : memref<1x72x64xf32, #tpu.memory_space<vmem>> -> memref<72x64xf32, #tpu.memory_space<vmem>>
      %dma_wait3A_532 = arith.constant 128 : i32
      %dma_wait3A_533 = tpu.memref_slice %arg5[%select_n3A_499, %select_n3A_515, %dma_wait3A_532] : memref<2x32x200xi32, #tpu.memory_space<vmem>> -> memref<1x1x72xi32, #tpu.memory_space<vmem>>
      %dma_wait3A_534 = tpu.memref_squeeze %dma_wait3A_533 : memref<1x1x72xi32, #tpu.memory_space<vmem>> -> memref<72xi32, #tpu.memory_space<vmem>>
      %dma_wait3A_535 = arith.constant 0 : i32
      %dma_wait3A_536 = arith.constant 0 : i32
      %dma_wait3A_537 = tpu.memref_slice %arg2[%dma_wait3A_535, %dma_wait3A_536] : memref<1000000x64xf32, #tpu.memory_space<hbm>> -> memref<1000000x64xf32, #tpu.memory_space<hbm>>
      tpu.wait_indirect_dma semaphore(%arg9 : memref<!tpu.dma_semaphore, #tpu.memory_space<semaphore_mem>>) src(%dma_wait3A_537 : memref<1000000x64xf32, #tpu.memory_space<hbm>>) dst(%dma_wait3A_531 : memref<72x64xf32, #tpu.memory_space<vmem>>)
      %add3A_538 = arith.addi %mul3A_2, %add3A_459 : i32
      %dma_start3A_539 = arith.constant 1 : i32
      %dma_start3A_540 = arith.constant 0 : i32
      %dma_start3A_541 = arith.constant 0 : i32
      %dma_start3A_542 = tpu.memref_slice %arg6[%dma_start3A_539, %dma_start3A_540, %dma_start3A_541] : memref<8x200x64xf32, #tpu.memory_space<vmem>> -> memref<1x200x64xf32, #tpu.memory_space<vmem>>
      %dma_start3A_543 = tpu.memref_squeeze %dma_start3A_542 : memref<1x200x64xf32, #tpu.memory_space<vmem>> -> memref<200x64xf32, #tpu.memory_space<vmem>>
      %dma_start3A_544 = arith.constant 0 : i32
      %dma_start3A_545 = arith.constant 0 : i32
      %dma_start3A_546 = tpu.memref_slice %arg4[%add3A_538, %dma_start3A_544, %dma_start3A_545] : memref<16384x200x128xf32, #tpu.memory_space<hbm>> -> memref<1x200x64xf32, #tpu.memory_space<hbm>>
      %dma_start3A_547 = tpu.memref_squeeze %dma_start3A_546 : memref<1x200x64xf32, #tpu.memory_space<hbm>> -> memref<200x64xf32, #tpu.memory_space<hbm>>
      %dma_start3A_548 = arith.constant 0 : i32
      %dma_start3A_549 = arith.constant 0 : i32
      %dma_start3A_550 = tpu.memref_slice %arg4[%add3A_538, %dma_start3A_548, %dma_start3A_549] : memref<16384x200x128xf32, #tpu.memory_space<hbm>> -> memref<1x200x64xf32, #tpu.memory_space<hbm>>
      %dma_start3A_551 = tpu.memref_squeeze %dma_start3A_550 : memref<1x200x64xf32, #tpu.memory_space<hbm>> -> memref<200x64xf32, #tpu.memory_space<hbm>>
      %dma_start3A_552 = arith.constant 0 : i32
      %dma_start3A_553 = arith.constant 0 : i32
      %dma_start3A_554 = tpu.memref_slice %arg6[%dma_start3A_539, %dma_start3A_552, %dma_start3A_553] : memref<8x200x64xf32, #tpu.memory_space<vmem>> -> memref<1x200x64xf32, #tpu.memory_space<vmem>>
      %dma_start3A_555 = tpu.memref_squeeze %dma_start3A_554 : memref<1x200x64xf32, #tpu.memory_space<vmem>> -> memref<200x64xf32, #tpu.memory_space<vmem>>
      tpu.enqueue_dma source(%dma_start3A_555 : memref<200x64xf32, #tpu.memory_space<vmem>>) target(%dma_start3A_551 : memref<200x64xf32, #tpu.memory_space<hbm>>) target_semaphore(%arg17 : memref<!tpu.dma_semaphore, #tpu.memory_space<semaphore_mem>>)
      %add3A_556 = arith.constant 6 : i32
      %add3A_557 = arith.addi %add3A_459, %add3A_556 : i32
      %lt3A_558 = arith.constant 512 : i32
      %lt3A_559 = arith.cmpi slt, %add3A_557, %lt3A_558 : i32
      %convert_element_type3A_560 = arith.extui %lt3A_559 : i1 to i32
      %cond3A_561 = arith.constant 0 : i32
      %cond3A_562 = arith.cmpi ne, %convert_element_type3A_560, %cond3A_561 : i32
      scf.if %cond3A_562 {
        %ge3A = arith.constant 8 : i32
        %ge3A_1193 = arith.cmpi sge, %add3A_557, %ge3A : i32
        %convert_element_type3A_1194 = arith.extui %ge3A_1193 : i1 to i32
        %cond3A_1195 = arith.constant 0 : i32
        %cond3A_1196 = arith.cmpi ne, %convert_element_type3A_1194, %cond3A_1195 : i32
        scf.if %cond3A_1196 {
          %sub3A_1296 = arith.constant 8 : i32
          %sub3A_1297 = arith.subi %add3A_557, %sub3A_1296 : i32
          %add3A_1298 = arith.addi %mul3A_2, %sub3A_1297 : i32
          %dma_wait3A_1299 = arith.constant 7 : i32
          %dma_wait3A_1300 = arith.constant 0 : i32
          %dma_wait3A_1301 = arith.constant 0 : i32
          %dma_wait3A_1302 = tpu.memref_slice %arg6[%dma_wait3A_1299, %dma_wait3A_1300, %dma_wait3A_1301] : memref<8x200x64xf32, #tpu.memory_space<vmem>> -> memref<1x200x64xf32, #tpu.memory_space<vmem>>
          %dma_wait3A_1303 = tpu.memref_squeeze %dma_wait3A_1302 : memref<1x200x64xf32, #tpu.memory_space<vmem>> -> memref<200x64xf32, #tpu.memory_space<vmem>>
          %dma_wait3A_1304 = arith.constant 0 : i32
          %dma_wait3A_1305 = arith.constant 0 : i32
          %dma_wait3A_1306 = tpu.memref_slice %arg4[%add3A_1298, %dma_wait3A_1304, %dma_wait3A_1305] : memref<16384x200x128xf32, #tpu.memory_space<hbm>> -> memref<1x200x64xf32, #tpu.memory_space<hbm>>
          %dma_wait3A_1307 = tpu.memref_squeeze %dma_wait3A_1306 : memref<1x200x64xf32, #tpu.memory_space<hbm>> -> memref<200x64xf32, #tpu.memory_space<hbm>>
          %dma_wait3A_1308 = arith.constant 0 : i32
          %dma_wait3A_1309 = arith.constant 0 : i32
          %dma_wait3A_1310 = tpu.memref_slice %arg4[%add3A_1298, %dma_wait3A_1308, %dma_wait3A_1309] : memref<16384x200x128xf32, #tpu.memory_space<hbm>> -> memref<1x200x64xf32, #tpu.memory_space<hbm>>
          %dma_wait3A_1311 = tpu.memref_squeeze %dma_wait3A_1310 : memref<1x200x64xf32, #tpu.memory_space<hbm>> -> memref<200x64xf32, #tpu.memory_space<hbm>>
          %dma_wait3A_1312 = arith.constant 0 : i32
          %dma_wait3A_1313 = arith.constant 0 : i32
          %dma_wait3A_1314 = tpu.memref_slice %arg6[%dma_wait3A_1299, %dma_wait3A_1312, %dma_wait3A_1313] : memref<8x200x64xf32, #tpu.memory_space<vmem>> -> memref<1x200x64xf32, #tpu.memory_space<vmem>>
          %dma_wait3A_1315 = tpu.memref_squeeze %dma_wait3A_1314 : memref<1x200x64xf32, #tpu.memory_space<vmem>> -> memref<200x64xf32, #tpu.memory_space<vmem>>
          tpu.wait_dma2 semaphore(%arg23 : memref<!tpu.dma_semaphore, #tpu.memory_space<semaphore_mem>>) src(%dma_wait3A_1315 : memref<200x64xf32, #tpu.memory_space<vmem>>) dst(%dma_wait3A_1311 : memref<200x64xf32, #tpu.memory_space<hbm>>)
        } else {
        }
        %jit3A_1197 = arith.constant 32 : i32
        %eq3A_1198 = arith.constant 0 : i32
        %eq3A_1199 = arith.cmpi eq, %jit3A_1197, %eq3A_1198 : i32
        %jit3A_1200 = arith.constant 1 : i32
        %select_n3A_1201 = arith.select %eq3A_1199, %jit3A_1200, %jit3A_1197 : i32
        %rem3A_1202 = arith.remsi %add3A_557, %select_n3A_1201 : i32
        %ne3A_1203 = arith.constant 0 : i32
        %ne3A_1204 = arith.cmpi ne, %rem3A_1202, %ne3A_1203 : i32
        %lt3A_1205 = arith.constant 0 : i32
        %lt3A_1206 = arith.cmpi slt, %rem3A_1202, %lt3A_1205 : i32
        %lt3A_1207 = arith.constant 0 : i32
        %lt3A_1208 = arith.cmpi slt, %select_n3A_1201, %lt3A_1207 : i32
        %ne3A_1209 = arith.xori %lt3A_1206, %lt3A_1208 : i1
        %and3A_1210 = arith.andi %ne3A_1209, %ne3A_1204 : i1
        %add3A_1211 = arith.addi %rem3A_1202, %select_n3A_1201 : i32
        %select_n3A_1212 = arith.select %and3A_1210, %add3A_1211, %rem3A_1202 : i32
        %eq3A_1213 = arith.constant 0 : i32
        %eq3A_1214 = arith.cmpi eq, %select_n3A_1212, %eq3A_1213 : i32
        %convert_element_type3A_1215 = arith.extui %eq3A_1214 : i1 to i32
        %cond3A_1216 = arith.constant 0 : i32
        %cond3A_1217 = arith.cmpi ne, %convert_element_type3A_1215, %cond3A_1216 : i32
        scf.if %cond3A_1217 {
          %jit3A_1296 = arith.constant 32 : i32
          %div3A_1297 = arith.divsi %add3A_557, %jit3A_1296 : i32
          %sign3A_1298 = arith.constant 0 : i32
          %sign3A_1299 = arith.cmpi sgt, %add3A_557, %sign3A_1298 : i32
          %sign3A_1300 = arith.extui %sign3A_1299 : i1 to i32
          %sign3A_1301 = arith.constant 0 : i32
          %sign3A_1302 = arith.cmpi slt, %add3A_557, %sign3A_1301 : i32
          %sign3A_1303 = arith.extui %sign3A_1302 : i1 to i32
          %sign3A_1304 = arith.subi %sign3A_1300, %sign3A_1303 : i32
          %sign3A_1305 = arith.constant 0 : i32
          %sign3A_1306 = arith.cmpi sgt, %jit3A_1296, %sign3A_1305 : i32
          %sign3A_1307 = arith.extui %sign3A_1306 : i1 to i32
          %sign3A_1308 = arith.constant 0 : i32
          %sign3A_1309 = arith.cmpi slt, %jit3A_1296, %sign3A_1308 : i32
          %sign3A_1310 = arith.extui %sign3A_1309 : i1 to i32
          %sign3A_1311 = arith.subi %sign3A_1307, %sign3A_1310 : i32
          %ne3A_1312 = arith.cmpi ne, %sign3A_1304, %sign3A_1311 : i32
          %rem3A_1313 = arith.remsi %add3A_557, %jit3A_1296 : i32
          %ne3A_1314 = arith.constant 0 : i32
          %ne3A_1315 = arith.cmpi ne, %rem3A_1313, %ne3A_1314 : i32
          %and3A_1316 = arith.andi %ne3A_1312, %ne3A_1315 : i1
          %sub3A_1317 = arith.constant 1 : i32
          %sub3A_1318 = arith.subi %div3A_1297, %sub3A_1317 : i32
          %select_n3A_1319 = arith.select %and3A_1316, %sub3A_1318, %div3A_1297 : i32
          %mul3A_1320 = arith.constant 32 : i32
          %mul3A_1321 = arith.muli %select_n3A_1319, %mul3A_1320 : i32
          %add3A_1322 = arith.addi %mul3A_2, %mul3A_1321 : i32
          %jit3A_1323 = arith.constant 2 : i32
          %eq3A_1324 = arith.constant 0 : i32
          %eq3A_1325 = arith.cmpi eq, %jit3A_1323, %eq3A_1324 : i32
          %jit3A_1326 = arith.constant 1 : i32
          %select_n3A_1327 = arith.select %eq3A_1325, %jit3A_1326, %jit3A_1323 : i32
          %rem3A_1328 = arith.remsi %select_n3A_1319, %select_n3A_1327 : i32
          %ne3A_1329 = arith.constant 0 : i32
          %ne3A_1330 = arith.cmpi ne, %rem3A_1328, %ne3A_1329 : i32
          %lt3A_1331 = arith.constant 0 : i32
          %lt3A_1332 = arith.cmpi slt, %rem3A_1328, %lt3A_1331 : i32
          %lt3A_1333 = arith.constant 0 : i32
          %lt3A_1334 = arith.cmpi slt, %select_n3A_1327, %lt3A_1333 : i32
          %ne3A_1335 = arith.xori %lt3A_1332, %lt3A_1334 : i1
          %and3A_1336 = arith.andi %ne3A_1335, %ne3A_1330 : i1
          %add3A_1337 = arith.addi %rem3A_1328, %select_n3A_1327 : i32
          %select_n3A_1338 = arith.select %and3A_1336, %add3A_1337, %rem3A_1328 : i32
          %dma_wait3A_1339 = arith.constant 0 : i32
          %dma_wait3A_1340 = arith.constant 0 : i32
          %dma_wait3A_1341 = tpu.memref_slice %arg5[%select_n3A_1338, %dma_wait3A_1339, %dma_wait3A_1340] : memref<2x32x200xi32, #tpu.memory_space<vmem>> -> memref<1x32x200xi32, #tpu.memory_space<vmem>>
          %dma_wait3A_1342 = tpu.memref_squeeze %dma_wait3A_1341 : memref<1x32x200xi32, #tpu.memory_space<vmem>> -> memref<32x200xi32, #tpu.memory_space<vmem>>
          %dma_wait3A_1343 = arith.constant 0 : i32
          %dma_wait3A_1344 = tpu.memref_slice %arg3[%add3A_1322, %dma_wait3A_1343] : memref<16384x200xi32, #tpu.memory_space<hbm>> -> memref<32x200xi32, #tpu.memory_space<hbm>>
          %dma_wait3A_1345 = arith.constant 0 : i32
          %dma_wait3A_1346 = arith.constant 0 : i32
          %dma_wait3A_1347 = tpu.memref_slice %arg5[%select_n3A_1338, %dma_wait3A_1345, %dma_wait3A_1346] : memref<2x32x200xi32, #tpu.memory_space<vmem>> -> memref<1x32x200xi32, #tpu.memory_space<vmem>>
          %dma_wait3A_1348 = tpu.memref_squeeze %dma_wait3A_1347 : memref<1x32x200xi32, #tpu.memory_space<vmem>> -> memref<32x200xi32, #tpu.memory_space<vmem>>
          %dma_wait3A_1349 = arith.constant 0 : i32
          %dma_wait3A_1350 = tpu.memref_slice %arg3[%add3A_1322, %dma_wait3A_1349] : memref<16384x200xi32, #tpu.memory_space<hbm>> -> memref<32x200xi32, #tpu.memory_space<hbm>>
          tpu.wait_dma2 semaphore(%arg7 : memref<!tpu.dma_semaphore, #tpu.memory_space<semaphore_mem>>) src(%dma_wait3A_1350 : memref<32x200xi32, #tpu.memory_space<hbm>>) dst(%dma_wait3A_1348 : memref<32x200xi32, #tpu.memory_space<vmem>>)
          %add3A_1351 = arith.constant 1 : i32
          %add3A_1352 = arith.addi %select_n3A_1319, %add3A_1351 : i32
          %lt3A_1353 = arith.constant 16 : i32
          %lt3A_1354 = arith.cmpi slt, %add3A_1352, %lt3A_1353 : i32
          %convert_element_type3A_1355 = arith.extui %lt3A_1354 : i1 to i32
          %cond3A_1356 = arith.constant 0 : i32
          %cond3A_1357 = arith.cmpi ne, %convert_element_type3A_1355, %cond3A_1356 : i32
          scf.if %cond3A_1357 {
            %add3A_1358 = arith.constant 1 : i32
            %add3A_1359 = arith.addi %select_n3A_1319, %add3A_1358 : i32
            %mul3A_1360 = arith.constant 32 : i32
            %mul3A_1361 = arith.muli %add3A_1359, %mul3A_1360 : i32
            %add3A_1362 = arith.addi %mul3A_2, %mul3A_1361 : i32
            %jit3A_1363 = arith.constant 2 : i32
            %eq3A_1364 = arith.constant 0 : i32
            %eq3A_1365 = arith.cmpi eq, %jit3A_1363, %eq3A_1364 : i32
            %jit3A_1366 = arith.constant 1 : i32
            %select_n3A_1367 = arith.select %eq3A_1365, %jit3A_1366, %jit3A_1363 : i32
            %rem3A_1368 = arith.remsi %add3A_1359, %select_n3A_1367 : i32
            %ne3A_1369 = arith.constant 0 : i32
            %ne3A_1370 = arith.cmpi ne, %rem3A_1368, %ne3A_1369 : i32
            %lt3A_1371 = arith.constant 0 : i32
            %lt3A_1372 = arith.cmpi slt, %rem3A_1368, %lt3A_1371 : i32
            %lt3A_1373 = arith.constant 0 : i32
            %lt3A_1374 = arith.cmpi slt, %select_n3A_1367, %lt3A_1373 : i32
            %ne3A_1375 = arith.xori %lt3A_1372, %lt3A_1374 : i1
            %and3A_1376 = arith.andi %ne3A_1375, %ne3A_1370 : i1
            %add3A_1377 = arith.addi %rem3A_1368, %select_n3A_1367 : i32
            %select_n3A_1378 = arith.select %and3A_1376, %add3A_1377, %rem3A_1368 : i32
            %dma_start3A_1379 = arith.constant 0 : i32
            %dma_start3A_1380 = arith.constant 0 : i32
            %dma_start3A_1381 = tpu.memref_slice %arg5[%select_n3A_1378, %dma_start3A_1379, %dma_start3A_1380] : memref<2x32x200xi32, #tpu.memory_space<vmem>> -> memref<1x32x200xi32, #tpu.memory_space<vmem>>
            %dma_start3A_1382 = tpu.memref_squeeze %dma_start3A_1381 : memref<1x32x200xi32, #tpu.memory_space<vmem>> -> memref<32x200xi32, #tpu.memory_space<vmem>>
            %dma_start3A_1383 = arith.constant 0 : i32
            %dma_start3A_1384 = tpu.memref_slice %arg3[%add3A_1362, %dma_start3A_1383] : memref<16384x200xi32, #tpu.memory_space<hbm>> -> memref<32x200xi32, #tpu.memory_space<hbm>>
            %dma_start3A_1385 = arith.constant 0 : i32
            %dma_start3A_1386 = arith.constant 0 : i32
            %dma_start3A_1387 = tpu.memref_slice %arg5[%select_n3A_1378, %dma_start3A_1385, %dma_start3A_1386] : memref<2x32x200xi32, #tpu.memory_space<vmem>> -> memref<1x32x200xi32, #tpu.memory_space<vmem>>
            %dma_start3A_1388 = tpu.memref_squeeze %dma_start3A_1387 : memref<1x32x200xi32, #tpu.memory_space<vmem>> -> memref<32x200xi32, #tpu.memory_space<vmem>>
            %dma_start3A_1389 = arith.constant 0 : i32
            %dma_start3A_1390 = tpu.memref_slice %arg3[%add3A_1362, %dma_start3A_1389] : memref<16384x200xi32, #tpu.memory_space<hbm>> -> memref<32x200xi32, #tpu.memory_space<hbm>>
            tpu.enqueue_dma source(%dma_start3A_1390 : memref<32x200xi32, #tpu.memory_space<hbm>>) target(%dma_start3A_1388 : memref<32x200xi32, #tpu.memory_space<vmem>>) target_semaphore(%arg7 : memref<!tpu.dma_semaphore, #tpu.memory_space<semaphore_mem>>)
          } else {
          }
        } else {
        }
        %jit3A_1218 = arith.constant 32 : i32
        %div3A_1219 = arith.divsi %add3A_557, %jit3A_1218 : i32
        %sign3A_1220 = arith.constant 0 : i32
        %sign3A_1221 = arith.cmpi sgt, %add3A_557, %sign3A_1220 : i32
        %sign3A_1222 = arith.extui %sign3A_1221 : i1 to i32
        %sign3A_1223 = arith.constant 0 : i32
        %sign3A_1224 = arith.cmpi slt, %add3A_557, %sign3A_1223 : i32
        %sign3A_1225 = arith.extui %sign3A_1224 : i1 to i32
        %sign3A_1226 = arith.subi %sign3A_1222, %sign3A_1225 : i32
        %sign3A_1227 = arith.constant 0 : i32
        %sign3A_1228 = arith.cmpi sgt, %jit3A_1218, %sign3A_1227 : i32
        %sign3A_1229 = arith.extui %sign3A_1228 : i1 to i32
        %sign3A_1230 = arith.constant 0 : i32
        %sign3A_1231 = arith.cmpi slt, %jit3A_1218, %sign3A_1230 : i32
        %sign3A_1232 = arith.extui %sign3A_1231 : i1 to i32
        %sign3A_1233 = arith.subi %sign3A_1229, %sign3A_1232 : i32
        %ne3A_1234 = arith.cmpi ne, %sign3A_1226, %sign3A_1233 : i32
        %rem3A_1235 = arith.remsi %add3A_557, %jit3A_1218 : i32
        %ne3A_1236 = arith.constant 0 : i32
        %ne3A_1237 = arith.cmpi ne, %rem3A_1235, %ne3A_1236 : i32
        %and3A_1238 = arith.andi %ne3A_1234, %ne3A_1237 : i1
        %sub3A_1239 = arith.constant 1 : i32
        %sub3A_1240 = arith.subi %div3A_1219, %sub3A_1239 : i32
        %select_n3A_1241 = arith.select %and3A_1238, %sub3A_1240, %div3A_1219 : i32
        %jit3A_1242 = arith.constant 2 : i32
        %eq3A_1243 = arith.constant 0 : i32
        %eq3A_1244 = arith.cmpi eq, %jit3A_1242, %eq3A_1243 : i32
        %jit3A_1245 = arith.constant 1 : i32
        %select_n3A_1246 = arith.select %eq3A_1244, %jit3A_1245, %jit3A_1242 : i32
        %rem3A_1247 = arith.remsi %select_n3A_1241, %select_n3A_1246 : i32
        %ne3A_1248 = arith.constant 0 : i32
        %ne3A_1249 = arith.cmpi ne, %rem3A_1247, %ne3A_1248 : i32
        %lt3A_1250 = arith.constant 0 : i32
        %lt3A_1251 = arith.cmpi slt, %rem3A_1247, %lt3A_1250 : i32
        %lt3A_1252 = arith.constant 0 : i32
        %lt3A_1253 = arith.cmpi slt, %select_n3A_1246, %lt3A_1252 : i32
        %ne3A_1254 = arith.xori %lt3A_1251, %lt3A_1253 : i1
        %and3A_1255 = arith.andi %ne3A_1254, %ne3A_1249 : i1
        %add3A_1256 = arith.addi %rem3A_1247, %select_n3A_1246 : i32
        %select_n3A_1257 = arith.select %and3A_1255, %add3A_1256, %rem3A_1247 : i32
        %jit3A_1258 = arith.constant 32 : i32
        %eq3A_1259 = arith.constant 0 : i32
        %eq3A_1260 = arith.cmpi eq, %jit3A_1258, %eq3A_1259 : i32
        %jit3A_1261 = arith.constant 1 : i32
        %select_n3A_1262 = arith.select %eq3A_1260, %jit3A_1261, %jit3A_1258 : i32
        %rem3A_1263 = arith.remsi %add3A_557, %select_n3A_1262 : i32
        %ne3A_1264 = arith.constant 0 : i32
        %ne3A_1265 = arith.cmpi ne, %rem3A_1263, %ne3A_1264 : i32
        %lt3A_1266 = arith.constant 0 : i32
        %lt3A_1267 = arith.cmpi slt, %rem3A_1263, %lt3A_1266 : i32
        %lt3A_1268 = arith.constant 0 : i32
        %lt3A_1269 = arith.cmpi slt, %select_n3A_1262, %lt3A_1268 : i32
        %ne3A_1270 = arith.xori %lt3A_1267, %lt3A_1269 : i1
        %and3A_1271 = arith.andi %ne3A_1270, %ne3A_1265 : i1
        %add3A_1272 = arith.addi %rem3A_1263, %select_n3A_1262 : i32
        %select_n3A_1273 = arith.select %and3A_1271, %add3A_1272, %rem3A_1263 : i32
        %dma_start3A_1274 = arith.constant 7 : i32
        %dma_start3A_1275 = arith.constant 0 : i32
        %dma_start3A_1276 = arith.constant 0 : i32
        %dma_start3A_1277 = tpu.memref_slice %arg6[%dma_start3A_1274, %dma_start3A_1275, %dma_start3A_1276] : memref<8x200x64xf32, #tpu.memory_space<vmem>> -> memref<1x128x64xf32, #tpu.memory_space<vmem>>
        %dma_start3A_1278 = tpu.memref_squeeze %dma_start3A_1277 : memref<1x128x64xf32, #tpu.memory_space<vmem>> -> memref<128x64xf32, #tpu.memory_space<vmem>>
        %dma_start3A_1279 = arith.constant 0 : i32
        %dma_start3A_1280 = tpu.memref_slice %arg5[%select_n3A_1257, %select_n3A_1273, %dma_start3A_1279] : memref<2x32x200xi32, #tpu.memory_space<vmem>> -> memref<1x1x128xi32, #tpu.memory_space<vmem>>
        %dma_start3A_1281 = tpu.memref_squeeze %dma_start3A_1280 : memref<1x1x128xi32, #tpu.memory_space<vmem>> -> memref<128xi32, #tpu.memory_space<vmem>>
        %dma_start3A_1282 = arith.constant 0 : i32
        %dma_start3A_1283 = arith.constant 0 : i32
        %dma_start3A_1284 = tpu.memref_slice %arg2[%dma_start3A_1282, %dma_start3A_1283] : memref<1000000x64xf32, #tpu.memory_space<hbm>> -> memref<1000000x64xf32, #tpu.memory_space<hbm>>
        tpu.enqueue_indirect_dma source(%dma_start3A_1284 : memref<1000000x64xf32, #tpu.memory_space<hbm>>) target(%dma_start3A_1278 : memref<128x64xf32, #tpu.memory_space<vmem>>) offsets(%dma_start3A_1281 : memref<128xi32, #tpu.memory_space<vmem>>) semaphore(%arg15 : memref<!tpu.dma_semaphore, #tpu.memory_space<semaphore_mem>>)
        %dma_start3A_1285 = arith.constant 7 : i32
        %dma_start3A_1286 = arith.constant 128 : i32
        %dma_start3A_1287 = arith.constant 0 : i32
        %dma_start3A_1288 = tpu.memref_slice %arg6[%dma_start3A_1285, %dma_start3A_1286, %dma_start3A_1287] : memref<8x200x64xf32, #tpu.memory_space<vmem>> -> memref<1x72x64xf32, #tpu.memory_space<vmem>>
        %dma_start3A_1289 = tpu.memref_squeeze %dma_start3A_1288 : memref<1x72x64xf32, #tpu.memory_space<vmem>> -> memref<72x64xf32, #tpu.memory_space<vmem>>
        %dma_start3A_1290 = arith.constant 128 : i32
        %dma_start3A_1291 = tpu.memref_slice %arg5[%select_n3A_1257, %select_n3A_1273, %dma_start3A_1290] : memref<2x32x200xi32, #tpu.memory_space<vmem>> -> memref<1x1x72xi32, #tpu.memory_space<vmem>>
        %dma_start3A_1292 = tpu.memref_squeeze %dma_start3A_1291 : memref<1x1x72xi32, #tpu.memory_space<vmem>> -> memref<72xi32, #tpu.memory_space<vmem>>
        %dma_start3A_1293 = arith.constant 0 : i32
        %dma_start3A_1294 = arith.constant 0 : i32
        %dma_start3A_1295 = tpu.memref_slice %arg2[%dma_start3A_1293, %dma_start3A_1294] : memref<1000000x64xf32, #tpu.memory_space<hbm>> -> memref<1000000x64xf32, #tpu.memory_space<hbm>>
        tpu.enqueue_indirect_dma source(%dma_start3A_1295 : memref<1000000x64xf32, #tpu.memory_space<hbm>>) target(%dma_start3A_1289 : memref<72x64xf32, #tpu.memory_space<vmem>>) offsets(%dma_start3A_1292 : memref<72xi32, #tpu.memory_space<vmem>>) semaphore(%arg15 : memref<!tpu.dma_semaphore, #tpu.memory_space<semaphore_mem>>)
      } else {
      }
      %add3A_563 = arith.constant 2 : i32
      %add3A_564 = arith.addi %mul3A_364, %add3A_563 : i32
      %jit3A_565 = arith.constant 32 : i32
      %div3A_566 = arith.divsi %add3A_564, %jit3A_565 : i32
      %sign3A_567 = arith.constant 0 : i32
      %sign3A_568 = arith.cmpi sgt, %add3A_564, %sign3A_567 : i32
      %sign3A_569 = arith.extui %sign3A_568 : i1 to i32
      %sign3A_570 = arith.constant 0 : i32
      %sign3A_571 = arith.cmpi slt, %add3A_564, %sign3A_570 : i32
      %sign3A_572 = arith.extui %sign3A_571 : i1 to i32
      %sign3A_573 = arith.subi %sign3A_569, %sign3A_572 : i32
      %sign3A_574 = arith.constant 0 : i32
      %sign3A_575 = arith.cmpi sgt, %jit3A_565, %sign3A_574 : i32
      %sign3A_576 = arith.extui %sign3A_575 : i1 to i32
      %sign3A_577 = arith.constant 0 : i32
      %sign3A_578 = arith.cmpi slt, %jit3A_565, %sign3A_577 : i32
      %sign3A_579 = arith.extui %sign3A_578 : i1 to i32
      %sign3A_580 = arith.subi %sign3A_576, %sign3A_579 : i32
      %ne3A_581 = arith.cmpi ne, %sign3A_573, %sign3A_580 : i32
      %rem3A_582 = arith.remsi %add3A_564, %jit3A_565 : i32
      %ne3A_583 = arith.constant 0 : i32
      %ne3A_584 = arith.cmpi ne, %rem3A_582, %ne3A_583 : i32
      %and3A_585 = arith.andi %ne3A_581, %ne3A_584 : i1
      %sub3A_586 = arith.constant 1 : i32
      %sub3A_587 = arith.subi %div3A_566, %sub3A_586 : i32
      %select_n3A_588 = arith.select %and3A_585, %sub3A_587, %div3A_566 : i32
      %jit3A_589 = arith.constant 2 : i32
      %eq3A_590 = arith.constant 0 : i32
      %eq3A_591 = arith.cmpi eq, %jit3A_589, %eq3A_590 : i32
      %jit3A_592 = arith.constant 1 : i32
      %select_n3A_593 = arith.select %eq3A_591, %jit3A_592, %jit3A_589 : i32
      %rem3A_594 = arith.remsi %select_n3A_588, %select_n3A_593 : i32
      %ne3A_595 = arith.constant 0 : i32
      %ne3A_596 = arith.cmpi ne, %rem3A_594, %ne3A_595 : i32
      %lt3A_597 = arith.constant 0 : i32
      %lt3A_598 = arith.cmpi slt, %rem3A_594, %lt3A_597 : i32
      %lt3A_599 = arith.constant 0 : i32
      %lt3A_600 = arith.cmpi slt, %select_n3A_593, %lt3A_599 : i32
      %ne3A_601 = arith.xori %lt3A_598, %lt3A_600 : i1
      %and3A_602 = arith.andi %ne3A_601, %ne3A_596 : i1
      %add3A_603 = arith.addi %rem3A_594, %select_n3A_593 : i32
      %select_n3A_604 = arith.select %and3A_602, %add3A_603, %rem3A_594 : i32
      %jit3A_605 = arith.constant 32 : i32
      %eq3A_606 = arith.constant 0 : i32
      %eq3A_607 = arith.cmpi eq, %jit3A_605, %eq3A_606 : i32
      %jit3A_608 = arith.constant 1 : i32
      %select_n3A_609 = arith.select %eq3A_607, %jit3A_608, %jit3A_605 : i32
      %rem3A_610 = arith.remsi %add3A_564, %select_n3A_609 : i32
      %ne3A_611 = arith.constant 0 : i32
      %ne3A_612 = arith.cmpi ne, %rem3A_610, %ne3A_611 : i32
      %lt3A_613 = arith.constant 0 : i32
      %lt3A_614 = arith.cmpi slt, %rem3A_610, %lt3A_613 : i32
      %lt3A_615 = arith.constant 0 : i32
      %lt3A_616 = arith.cmpi slt, %select_n3A_609, %lt3A_615 : i32
      %ne3A_617 = arith.xori %lt3A_614, %lt3A_616 : i1
      %and3A_618 = arith.andi %ne3A_617, %ne3A_612 : i1
      %add3A_619 = arith.addi %rem3A_610, %select_n3A_609 : i32
      %select_n3A_620 = arith.select %and3A_618, %add3A_619, %rem3A_610 : i32
      %dma_wait3A_621 = arith.constant 2 : i32
      %dma_wait3A_622 = arith.constant 0 : i32
      %dma_wait3A_623 = arith.constant 0 : i32
      %dma_wait3A_624 = tpu.memref_slice %arg6[%dma_wait3A_621, %dma_wait3A_622, %dma_wait3A_623] : memref<8x200x64xf32, #tpu.memory_space<vmem>> -> memref<1x128x64xf32, #tpu.memory_space<vmem>>
      %dma_wait3A_625 = tpu.memref_squeeze %dma_wait3A_624 : memref<1x128x64xf32, #tpu.memory_space<vmem>> -> memref<128x64xf32, #tpu.memory_space<vmem>>
      %dma_wait3A_626 = arith.constant 0 : i32
      %dma_wait3A_627 = tpu.memref_slice %arg5[%select_n3A_604, %select_n3A_620, %dma_wait3A_626] : memref<2x32x200xi32, #tpu.memory_space<vmem>> -> memref<1x1x128xi32, #tpu.memory_space<vmem>>
      %dma_wait3A_628 = tpu.memref_squeeze %dma_wait3A_627 : memref<1x1x128xi32, #tpu.memory_space<vmem>> -> memref<128xi32, #tpu.memory_space<vmem>>
      %dma_wait3A_629 = arith.constant 0 : i32
      %dma_wait3A_630 = arith.constant 0 : i32
      %dma_wait3A_631 = tpu.memref_slice %arg2[%dma_wait3A_629, %dma_wait3A_630] : memref<1000000x64xf32, #tpu.memory_space<hbm>> -> memref<1000000x64xf32, #tpu.memory_space<hbm>>
      tpu.wait_indirect_dma semaphore(%arg10 : memref<!tpu.dma_semaphore, #tpu.memory_space<semaphore_mem>>) src(%dma_wait3A_631 : memref<1000000x64xf32, #tpu.memory_space<hbm>>) dst(%dma_wait3A_625 : memref<128x64xf32, #tpu.memory_space<vmem>>)
      %dma_wait3A_632 = arith.constant 2 : i32
      %dma_wait3A_633 = arith.constant 128 : i32
      %dma_wait3A_634 = arith.constant 0 : i32
      %dma_wait3A_635 = tpu.memref_slice %arg6[%dma_wait3A_632, %dma_wait3A_633, %dma_wait3A_634] : memref<8x200x64xf32, #tpu.memory_space<vmem>> -> memref<1x72x64xf32, #tpu.memory_space<vmem>>
      %dma_wait3A_636 = tpu.memref_squeeze %dma_wait3A_635 : memref<1x72x64xf32, #tpu.memory_space<vmem>> -> memref<72x64xf32, #tpu.memory_space<vmem>>
      %dma_wait3A_637 = arith.constant 128 : i32
      %dma_wait3A_638 = tpu.memref_slice %arg5[%select_n3A_604, %select_n3A_620, %dma_wait3A_637] : memref<2x32x200xi32, #tpu.memory_space<vmem>> -> memref<1x1x72xi32, #tpu.memory_space<vmem>>
      %dma_wait3A_639 = tpu.memref_squeeze %dma_wait3A_638 : memref<1x1x72xi32, #tpu.memory_space<vmem>> -> memref<72xi32, #tpu.memory_space<vmem>>
      %dma_wait3A_640 = arith.constant 0 : i32
      %dma_wait3A_641 = arith.constant 0 : i32
      %dma_wait3A_642 = tpu.memref_slice %arg2[%dma_wait3A_640, %dma_wait3A_641] : memref<1000000x64xf32, #tpu.memory_space<hbm>> -> memref<1000000x64xf32, #tpu.memory_space<hbm>>
      tpu.wait_indirect_dma semaphore(%arg10 : memref<!tpu.dma_semaphore, #tpu.memory_space<semaphore_mem>>) src(%dma_wait3A_642 : memref<1000000x64xf32, #tpu.memory_space<hbm>>) dst(%dma_wait3A_636 : memref<72x64xf32, #tpu.memory_space<vmem>>)
      %add3A_643 = arith.addi %mul3A_2, %add3A_564 : i32
      %dma_start3A_644 = arith.constant 2 : i32
      %dma_start3A_645 = arith.constant 0 : i32
      %dma_start3A_646 = arith.constant 0 : i32
      %dma_start3A_647 = tpu.memref_slice %arg6[%dma_start3A_644, %dma_start3A_645, %dma_start3A_646] : memref<8x200x64xf32, #tpu.memory_space<vmem>> -> memref<1x200x64xf32, #tpu.memory_space<vmem>>
      %dma_start3A_648 = tpu.memref_squeeze %dma_start3A_647 : memref<1x200x64xf32, #tpu.memory_space<vmem>> -> memref<200x64xf32, #tpu.memory_space<vmem>>
      %dma_start3A_649 = arith.constant 0 : i32
      %dma_start3A_650 = arith.constant 0 : i32
      %dma_start3A_651 = tpu.memref_slice %arg4[%add3A_643, %dma_start3A_649, %dma_start3A_650] : memref<16384x200x128xf32, #tpu.memory_space<hbm>> -> memref<1x200x64xf32, #tpu.memory_space<hbm>>
      %dma_start3A_652 = tpu.memref_squeeze %dma_start3A_651 : memref<1x200x64xf32, #tpu.memory_space<hbm>> -> memref<200x64xf32, #tpu.memory_space<hbm>>
      %dma_start3A_653 = arith.constant 0 : i32
      %dma_start3A_654 = arith.constant 0 : i32
      %dma_start3A_655 = tpu.memref_slice %arg4[%add3A_643, %dma_start3A_653, %dma_start3A_654] : memref<16384x200x128xf32, #tpu.memory_space<hbm>> -> memref<1x200x64xf32, #tpu.memory_space<hbm>>
      %dma_start3A_656 = tpu.memref_squeeze %dma_start3A_655 : memref<1x200x64xf32, #tpu.memory_space<hbm>> -> memref<200x64xf32, #tpu.memory_space<hbm>>
      %dma_start3A_657 = arith.constant 0 : i32
      %dma_start3A_658 = arith.constant 0 : i32
      %dma_start3A_659 = tpu.memref_slice %arg6[%dma_start3A_644, %dma_start3A_657, %dma_start3A_658] : memref<8x200x64xf32, #tpu.memory_space<vmem>> -> memref<1x200x64xf32, #tpu.memory_space<vmem>>
      %dma_start3A_660 = tpu.memref_squeeze %dma_start3A_659 : memref<1x200x64xf32, #tpu.memory_space<vmem>> -> memref<200x64xf32, #tpu.memory_space<vmem>>
      tpu.enqueue_dma source(%dma_start3A_660 : memref<200x64xf32, #tpu.memory_space<vmem>>) target(%dma_start3A_656 : memref<200x64xf32, #tpu.memory_space<hbm>>) target_semaphore(%arg18 : memref<!tpu.dma_semaphore, #tpu.memory_space<semaphore_mem>>)
      %add3A_661 = arith.constant 6 : i32
      %add3A_662 = arith.addi %add3A_564, %add3A_661 : i32
      %lt3A_663 = arith.constant 512 : i32
      %lt3A_664 = arith.cmpi slt, %add3A_662, %lt3A_663 : i32
      %convert_element_type3A_665 = arith.extui %lt3A_664 : i1 to i32
      %cond3A_666 = arith.constant 0 : i32
      %cond3A_667 = arith.cmpi ne, %convert_element_type3A_665, %cond3A_666 : i32
      scf.if %cond3A_667 {
        %ge3A = arith.constant 8 : i32
        %ge3A_1193 = arith.cmpi sge, %add3A_662, %ge3A : i32
        %convert_element_type3A_1194 = arith.extui %ge3A_1193 : i1 to i32
        %cond3A_1195 = arith.constant 0 : i32
        %cond3A_1196 = arith.cmpi ne, %convert_element_type3A_1194, %cond3A_1195 : i32
        scf.if %cond3A_1196 {
          %sub3A_1296 = arith.constant 8 : i32
          %sub3A_1297 = arith.subi %add3A_662, %sub3A_1296 : i32
          %add3A_1298 = arith.addi %mul3A_2, %sub3A_1297 : i32
          %dma_wait3A_1299 = arith.constant 0 : i32
          %dma_wait3A_1300 = arith.constant 0 : i32
          %dma_wait3A_1301 = arith.constant 0 : i32
          %dma_wait3A_1302 = tpu.memref_slice %arg6[%dma_wait3A_1299, %dma_wait3A_1300, %dma_wait3A_1301] : memref<8x200x64xf32, #tpu.memory_space<vmem>> -> memref<1x200x64xf32, #tpu.memory_space<vmem>>
          %dma_wait3A_1303 = tpu.memref_squeeze %dma_wait3A_1302 : memref<1x200x64xf32, #tpu.memory_space<vmem>> -> memref<200x64xf32, #tpu.memory_space<vmem>>
          %dma_wait3A_1304 = arith.constant 0 : i32
          %dma_wait3A_1305 = arith.constant 0 : i32
          %dma_wait3A_1306 = tpu.memref_slice %arg4[%add3A_1298, %dma_wait3A_1304, %dma_wait3A_1305] : memref<16384x200x128xf32, #tpu.memory_space<hbm>> -> memref<1x200x64xf32, #tpu.memory_space<hbm>>
          %dma_wait3A_1307 = tpu.memref_squeeze %dma_wait3A_1306 : memref<1x200x64xf32, #tpu.memory_space<hbm>> -> memref<200x64xf32, #tpu.memory_space<hbm>>
          %dma_wait3A_1308 = arith.constant 0 : i32
          %dma_wait3A_1309 = arith.constant 0 : i32
          %dma_wait3A_1310 = tpu.memref_slice %arg4[%add3A_1298, %dma_wait3A_1308, %dma_wait3A_1309] : memref<16384x200x128xf32, #tpu.memory_space<hbm>> -> memref<1x200x64xf32, #tpu.memory_space<hbm>>
          %dma_wait3A_1311 = tpu.memref_squeeze %dma_wait3A_1310 : memref<1x200x64xf32, #tpu.memory_space<hbm>> -> memref<200x64xf32, #tpu.memory_space<hbm>>
          %dma_wait3A_1312 = arith.constant 0 : i32
          %dma_wait3A_1313 = arith.constant 0 : i32
          %dma_wait3A_1314 = tpu.memref_slice %arg6[%dma_wait3A_1299, %dma_wait3A_1312, %dma_wait3A_1313] : memref<8x200x64xf32, #tpu.memory_space<vmem>> -> memref<1x200x64xf32, #tpu.memory_space<vmem>>
          %dma_wait3A_1315 = tpu.memref_squeeze %dma_wait3A_1314 : memref<1x200x64xf32, #tpu.memory_space<vmem>> -> memref<200x64xf32, #tpu.memory_space<vmem>>
          tpu.wait_dma2 semaphore(%arg16 : memref<!tpu.dma_semaphore, #tpu.memory_space<semaphore_mem>>) src(%dma_wait3A_1315 : memref<200x64xf32, #tpu.memory_space<vmem>>) dst(%dma_wait3A_1311 : memref<200x64xf32, #tpu.memory_space<hbm>>)
        } else {
        }
        %jit3A_1197 = arith.constant 32 : i32
        %eq3A_1198 = arith.constant 0 : i32
        %eq3A_1199 = arith.cmpi eq, %jit3A_1197, %eq3A_1198 : i32
        %jit3A_1200 = arith.constant 1 : i32
        %select_n3A_1201 = arith.select %eq3A_1199, %jit3A_1200, %jit3A_1197 : i32
        %rem3A_1202 = arith.remsi %add3A_662, %select_n3A_1201 : i32
        %ne3A_1203 = arith.constant 0 : i32
        %ne3A_1204 = arith.cmpi ne, %rem3A_1202, %ne3A_1203 : i32
        %lt3A_1205 = arith.constant 0 : i32
        %lt3A_1206 = arith.cmpi slt, %rem3A_1202, %lt3A_1205 : i32
        %lt3A_1207 = arith.constant 0 : i32
        %lt3A_1208 = arith.cmpi slt, %select_n3A_1201, %lt3A_1207 : i32
        %ne3A_1209 = arith.xori %lt3A_1206, %lt3A_1208 : i1
        %and3A_1210 = arith.andi %ne3A_1209, %ne3A_1204 : i1
        %add3A_1211 = arith.addi %rem3A_1202, %select_n3A_1201 : i32
        %select_n3A_1212 = arith.select %and3A_1210, %add3A_1211, %rem3A_1202 : i32
        %eq3A_1213 = arith.constant 0 : i32
        %eq3A_1214 = arith.cmpi eq, %select_n3A_1212, %eq3A_1213 : i32
        %convert_element_type3A_1215 = arith.extui %eq3A_1214 : i1 to i32
        %cond3A_1216 = arith.constant 0 : i32
        %cond3A_1217 = arith.cmpi ne, %convert_element_type3A_1215, %cond3A_1216 : i32
        scf.if %cond3A_1217 {
          %jit3A_1296 = arith.constant 32 : i32
          %div3A_1297 = arith.divsi %add3A_662, %jit3A_1296 : i32
          %sign3A_1298 = arith.constant 0 : i32
          %sign3A_1299 = arith.cmpi sgt, %add3A_662, %sign3A_1298 : i32
          %sign3A_1300 = arith.extui %sign3A_1299 : i1 to i32
          %sign3A_1301 = arith.constant 0 : i32
          %sign3A_1302 = arith.cmpi slt, %add3A_662, %sign3A_1301 : i32
          %sign3A_1303 = arith.extui %sign3A_1302 : i1 to i32
          %sign3A_1304 = arith.subi %sign3A_1300, %sign3A_1303 : i32
          %sign3A_1305 = arith.constant 0 : i32
          %sign3A_1306 = arith.cmpi sgt, %jit3A_1296, %sign3A_1305 : i32
          %sign3A_1307 = arith.extui %sign3A_1306 : i1 to i32
          %sign3A_1308 = arith.constant 0 : i32
          %sign3A_1309 = arith.cmpi slt, %jit3A_1296, %sign3A_1308 : i32
          %sign3A_1310 = arith.extui %sign3A_1309 : i1 to i32
          %sign3A_1311 = arith.subi %sign3A_1307, %sign3A_1310 : i32
          %ne3A_1312 = arith.cmpi ne, %sign3A_1304, %sign3A_1311 : i32
          %rem3A_1313 = arith.remsi %add3A_662, %jit3A_1296 : i32
          %ne3A_1314 = arith.constant 0 : i32
          %ne3A_1315 = arith.cmpi ne, %rem3A_1313, %ne3A_1314 : i32
          %and3A_1316 = arith.andi %ne3A_1312, %ne3A_1315 : i1
          %sub3A_1317 = arith.constant 1 : i32
          %sub3A_1318 = arith.subi %div3A_1297, %sub3A_1317 : i32
          %select_n3A_1319 = arith.select %and3A_1316, %sub3A_1318, %div3A_1297 : i32
          %mul3A_1320 = arith.constant 32 : i32
          %mul3A_1321 = arith.muli %select_n3A_1319, %mul3A_1320 : i32
          %add3A_1322 = arith.addi %mul3A_2, %mul3A_1321 : i32
          %jit3A_1323 = arith.constant 2 : i32
          %eq3A_1324 = arith.constant 0 : i32
          %eq3A_1325 = arith.cmpi eq, %jit3A_1323, %eq3A_1324 : i32
          %jit3A_1326 = arith.constant 1 : i32
          %select_n3A_1327 = arith.select %eq3A_1325, %jit3A_1326, %jit3A_1323 : i32
          %rem3A_1328 = arith.remsi %select_n3A_1319, %select_n3A_1327 : i32
          %ne3A_1329 = arith.constant 0 : i32
          %ne3A_1330 = arith.cmpi ne, %rem3A_1328, %ne3A_1329 : i32
          %lt3A_1331 = arith.constant 0 : i32
          %lt3A_1332 = arith.cmpi slt, %rem3A_1328, %lt3A_1331 : i32
          %lt3A_1333 = arith.constant 0 : i32
          %lt3A_1334 = arith.cmpi slt, %select_n3A_1327, %lt3A_1333 : i32
          %ne3A_1335 = arith.xori %lt3A_1332, %lt3A_1334 : i1
          %and3A_1336 = arith.andi %ne3A_1335, %ne3A_1330 : i1
          %add3A_1337 = arith.addi %rem3A_1328, %select_n3A_1327 : i32
          %select_n3A_1338 = arith.select %and3A_1336, %add3A_1337, %rem3A_1328 : i32
          %dma_wait3A_1339 = arith.constant 0 : i32
          %dma_wait3A_1340 = arith.constant 0 : i32
          %dma_wait3A_1341 = tpu.memref_slice %arg5[%select_n3A_1338, %dma_wait3A_1339, %dma_wait3A_1340] : memref<2x32x200xi32, #tpu.memory_space<vmem>> -> memref<1x32x200xi32, #tpu.memory_space<vmem>>
          %dma_wait3A_1342 = tpu.memref_squeeze %dma_wait3A_1341 : memref<1x32x200xi32, #tpu.memory_space<vmem>> -> memref<32x200xi32, #tpu.memory_space<vmem>>
          %dma_wait3A_1343 = arith.constant 0 : i32
          %dma_wait3A_1344 = tpu.memref_slice %arg3[%add3A_1322, %dma_wait3A_1343] : memref<16384x200xi32, #tpu.memory_space<hbm>> -> memref<32x200xi32, #tpu.memory_space<hbm>>
          %dma_wait3A_1345 = arith.constant 0 : i32
          %dma_wait3A_1346 = arith.constant 0 : i32
          %dma_wait3A_1347 = tpu.memref_slice %arg5[%select_n3A_1338, %dma_wait3A_1345, %dma_wait3A_1346] : memref<2x32x200xi32, #tpu.memory_space<vmem>> -> memref<1x32x200xi32, #tpu.memory_space<vmem>>
          %dma_wait3A_1348 = tpu.memref_squeeze %dma_wait3A_1347 : memref<1x32x200xi32, #tpu.memory_space<vmem>> -> memref<32x200xi32, #tpu.memory_space<vmem>>
          %dma_wait3A_1349 = arith.constant 0 : i32
          %dma_wait3A_1350 = tpu.memref_slice %arg3[%add3A_1322, %dma_wait3A_1349] : memref<16384x200xi32, #tpu.memory_space<hbm>> -> memref<32x200xi32, #tpu.memory_space<hbm>>
          tpu.wait_dma2 semaphore(%arg7 : memref<!tpu.dma_semaphore, #tpu.memory_space<semaphore_mem>>) src(%dma_wait3A_1350 : memref<32x200xi32, #tpu.memory_space<hbm>>) dst(%dma_wait3A_1348 : memref<32x200xi32, #tpu.memory_space<vmem>>)
          %add3A_1351 = arith.constant 1 : i32
          %add3A_1352 = arith.addi %select_n3A_1319, %add3A_1351 : i32
          %lt3A_1353 = arith.constant 16 : i32
          %lt3A_1354 = arith.cmpi slt, %add3A_1352, %lt3A_1353 : i32
          %convert_element_type3A_1355 = arith.extui %lt3A_1354 : i1 to i32
          %cond3A_1356 = arith.constant 0 : i32
          %cond3A_1357 = arith.cmpi ne, %convert_element_type3A_1355, %cond3A_1356 : i32
          scf.if %cond3A_1357 {
            %add3A_1358 = arith.constant 1 : i32
            %add3A_1359 = arith.addi %select_n3A_1319, %add3A_1358 : i32
            %mul3A_1360 = arith.constant 32 : i32
            %mul3A_1361 = arith.muli %add3A_1359, %mul3A_1360 : i32
            %add3A_1362 = arith.addi %mul3A_2, %mul3A_1361 : i32
            %jit3A_1363 = arith.constant 2 : i32
            %eq3A_1364 = arith.constant 0 : i32
            %eq3A_1365 = arith.cmpi eq, %jit3A_1363, %eq3A_1364 : i32
            %jit3A_1366 = arith.constant 1 : i32
            %select_n3A_1367 = arith.select %eq3A_1365, %jit3A_1366, %jit3A_1363 : i32
            %rem3A_1368 = arith.remsi %add3A_1359, %select_n3A_1367 : i32
            %ne3A_1369 = arith.constant 0 : i32
            %ne3A_1370 = arith.cmpi ne, %rem3A_1368, %ne3A_1369 : i32
            %lt3A_1371 = arith.constant 0 : i32
            %lt3A_1372 = arith.cmpi slt, %rem3A_1368, %lt3A_1371 : i32
            %lt3A_1373 = arith.constant 0 : i32
            %lt3A_1374 = arith.cmpi slt, %select_n3A_1367, %lt3A_1373 : i32
            %ne3A_1375 = arith.xori %lt3A_1372, %lt3A_1374 : i1
            %and3A_1376 = arith.andi %ne3A_1375, %ne3A_1370 : i1
            %add3A_1377 = arith.addi %rem3A_1368, %select_n3A_1367 : i32
            %select_n3A_1378 = arith.select %and3A_1376, %add3A_1377, %rem3A_1368 : i32
            %dma_start3A_1379 = arith.constant 0 : i32
            %dma_start3A_1380 = arith.constant 0 : i32
            %dma_start3A_1381 = tpu.memref_slice %arg5[%select_n3A_1378, %dma_start3A_1379, %dma_start3A_1380] : memref<2x32x200xi32, #tpu.memory_space<vmem>> -> memref<1x32x200xi32, #tpu.memory_space<vmem>>
            %dma_start3A_1382 = tpu.memref_squeeze %dma_start3A_1381 : memref<1x32x200xi32, #tpu.memory_space<vmem>> -> memref<32x200xi32, #tpu.memory_space<vmem>>
            %dma_start3A_1383 = arith.constant 0 : i32
            %dma_start3A_1384 = tpu.memref_slice %arg3[%add3A_1362, %dma_start3A_1383] : memref<16384x200xi32, #tpu.memory_space<hbm>> -> memref<32x200xi32, #tpu.memory_space<hbm>>
            %dma_start3A_1385 = arith.constant 0 : i32
            %dma_start3A_1386 = arith.constant 0 : i32
            %dma_start3A_1387 = tpu.memref_slice %arg5[%select_n3A_1378, %dma_start3A_1385, %dma_start3A_1386] : memref<2x32x200xi32, #tpu.memory_space<vmem>> -> memref<1x32x200xi32, #tpu.memory_space<vmem>>
            %dma_start3A_1388 = tpu.memref_squeeze %dma_start3A_1387 : memref<1x32x200xi32, #tpu.memory_space<vmem>> -> memref<32x200xi32, #tpu.memory_space<vmem>>
            %dma_start3A_1389 = arith.constant 0 : i32
            %dma_start3A_1390 = tpu.memref_slice %arg3[%add3A_1362, %dma_start3A_1389] : memref<16384x200xi32, #tpu.memory_space<hbm>> -> memref<32x200xi32, #tpu.memory_space<hbm>>
            tpu.enqueue_dma source(%dma_start3A_1390 : memref<32x200xi32, #tpu.memory_space<hbm>>) target(%dma_start3A_1388 : memref<32x200xi32, #tpu.memory_space<vmem>>) target_semaphore(%arg7 : memref<!tpu.dma_semaphore, #tpu.memory_space<semaphore_mem>>)
          } else {
          }
        } else {
        }
        %jit3A_1218 = arith.constant 32 : i32
        %div3A_1219 = arith.divsi %add3A_662, %jit3A_1218 : i32
        %sign3A_1220 = arith.constant 0 : i32
        %sign3A_1221 = arith.cmpi sgt, %add3A_662, %sign3A_1220 : i32
        %sign3A_1222 = arith.extui %sign3A_1221 : i1 to i32
        %sign3A_1223 = arith.constant 0 : i32
        %sign3A_1224 = arith.cmpi slt, %add3A_662, %sign3A_1223 : i32
        %sign3A_1225 = arith.extui %sign3A_1224 : i1 to i32
        %sign3A_1226 = arith.subi %sign3A_1222, %sign3A_1225 : i32
        %sign3A_1227 = arith.constant 0 : i32
        %sign3A_1228 = arith.cmpi sgt, %jit3A_1218, %sign3A_1227 : i32
        %sign3A_1229 = arith.extui %sign3A_1228 : i1 to i32
        %sign3A_1230 = arith.constant 0 : i32
        %sign3A_1231 = arith.cmpi slt, %jit3A_1218, %sign3A_1230 : i32
        %sign3A_1232 = arith.extui %sign3A_1231 : i1 to i32
        %sign3A_1233 = arith.subi %sign3A_1229, %sign3A_1232 : i32
        %ne3A_1234 = arith.cmpi ne, %sign3A_1226, %sign3A_1233 : i32
        %rem3A_1235 = arith.remsi %add3A_662, %jit3A_1218 : i32
        %ne3A_1236 = arith.constant 0 : i32
        %ne3A_1237 = arith.cmpi ne, %rem3A_1235, %ne3A_1236 : i32
        %and3A_1238 = arith.andi %ne3A_1234, %ne3A_1237 : i1
        %sub3A_1239 = arith.constant 1 : i32
        %sub3A_1240 = arith.subi %div3A_1219, %sub3A_1239 : i32
        %select_n3A_1241 = arith.select %and3A_1238, %sub3A_1240, %div3A_1219 : i32
        %jit3A_1242 = arith.constant 2 : i32
        %eq3A_1243 = arith.constant 0 : i32
        %eq3A_1244 = arith.cmpi eq, %jit3A_1242, %eq3A_1243 : i32
        %jit3A_1245 = arith.constant 1 : i32
        %select_n3A_1246 = arith.select %eq3A_1244, %jit3A_1245, %jit3A_1242 : i32
        %rem3A_1247 = arith.remsi %select_n3A_1241, %select_n3A_1246 : i32
        %ne3A_1248 = arith.constant 0 : i32
        %ne3A_1249 = arith.cmpi ne, %rem3A_1247, %ne3A_1248 : i32
        %lt3A_1250 = arith.constant 0 : i32
        %lt3A_1251 = arith.cmpi slt, %rem3A_1247, %lt3A_1250 : i32
        %lt3A_1252 = arith.constant 0 : i32
        %lt3A_1253 = arith.cmpi slt, %select_n3A_1246, %lt3A_1252 : i32
        %ne3A_1254 = arith.xori %lt3A_1251, %lt3A_1253 : i1
        %and3A_1255 = arith.andi %ne3A_1254, %ne3A_1249 : i1
        %add3A_1256 = arith.addi %rem3A_1247, %select_n3A_1246 : i32
        %select_n3A_1257 = arith.select %and3A_1255, %add3A_1256, %rem3A_1247 : i32
        %jit3A_1258 = arith.constant 32 : i32
        %eq3A_1259 = arith.constant 0 : i32
        %eq3A_1260 = arith.cmpi eq, %jit3A_1258, %eq3A_1259 : i32
        %jit3A_1261 = arith.constant 1 : i32
        %select_n3A_1262 = arith.select %eq3A_1260, %jit3A_1261, %jit3A_1258 : i32
        %rem3A_1263 = arith.remsi %add3A_662, %select_n3A_1262 : i32
        %ne3A_1264 = arith.constant 0 : i32
        %ne3A_1265 = arith.cmpi ne, %rem3A_1263, %ne3A_1264 : i32
        %lt3A_1266 = arith.constant 0 : i32
        %lt3A_1267 = arith.cmpi slt, %rem3A_1263, %lt3A_1266 : i32
        %lt3A_1268 = arith.constant 0 : i32
        %lt3A_1269 = arith.cmpi slt, %select_n3A_1262, %lt3A_1268 : i32
        %ne3A_1270 = arith.xori %lt3A_1267, %lt3A_1269 : i1
        %and3A_1271 = arith.andi %ne3A_1270, %ne3A_1265 : i1
        %add3A_1272 = arith.addi %rem3A_1263, %select_n3A_1262 : i32
        %select_n3A_1273 = arith.select %and3A_1271, %add3A_1272, %rem3A_1263 : i32
        %dma_start3A_1274 = arith.constant 0 : i32
        %dma_start3A_1275 = arith.constant 0 : i32
        %dma_start3A_1276 = arith.constant 0 : i32
        %dma_start3A_1277 = tpu.memref_slice %arg6[%dma_start3A_1274, %dma_start3A_1275, %dma_start3A_1276] : memref<8x200x64xf32, #tpu.memory_space<vmem>> -> memref<1x128x64xf32, #tpu.memory_space<vmem>>
        %dma_start3A_1278 = tpu.memref_squeeze %dma_start3A_1277 : memref<1x128x64xf32, #tpu.memory_space<vmem>> -> memref<128x64xf32, #tpu.memory_space<vmem>>
        %dma_start3A_1279 = arith.constant 0 : i32
        %dma_start3A_1280 = tpu.memref_slice %arg5[%select_n3A_1257, %select_n3A_1273, %dma_start3A_1279] : memref<2x32x200xi32, #tpu.memory_space<vmem>> -> memref<1x1x128xi32, #tpu.memory_space<vmem>>
        %dma_start3A_1281 = tpu.memref_squeeze %dma_start3A_1280 : memref<1x1x128xi32, #tpu.memory_space<vmem>> -> memref<128xi32, #tpu.memory_space<vmem>>
        %dma_start3A_1282 = arith.constant 0 : i32
        %dma_start3A_1283 = arith.constant 0 : i32
        %dma_start3A_1284 = tpu.memref_slice %arg2[%dma_start3A_1282, %dma_start3A_1283] : memref<1000000x64xf32, #tpu.memory_space<hbm>> -> memref<1000000x64xf32, #tpu.memory_space<hbm>>
        tpu.enqueue_indirect_dma source(%dma_start3A_1284 : memref<1000000x64xf32, #tpu.memory_space<hbm>>) target(%dma_start3A_1278 : memref<128x64xf32, #tpu.memory_space<vmem>>) offsets(%dma_start3A_1281 : memref<128xi32, #tpu.memory_space<vmem>>) semaphore(%arg8 : memref<!tpu.dma_semaphore, #tpu.memory_space<semaphore_mem>>)
        %dma_start3A_1285 = arith.constant 0 : i32
        %dma_start3A_1286 = arith.constant 128 : i32
        %dma_start3A_1287 = arith.constant 0 : i32
        %dma_start3A_1288 = tpu.memref_slice %arg6[%dma_start3A_1285, %dma_start3A_1286, %dma_start3A_1287] : memref<8x200x64xf32, #tpu.memory_space<vmem>> -> memref<1x72x64xf32, #tpu.memory_space<vmem>>
        %dma_start3A_1289 = tpu.memref_squeeze %dma_start3A_1288 : memref<1x72x64xf32, #tpu.memory_space<vmem>> -> memref<72x64xf32, #tpu.memory_space<vmem>>
        %dma_start3A_1290 = arith.constant 128 : i32
        %dma_start3A_1291 = tpu.memref_slice %arg5[%select_n3A_1257, %select_n3A_1273, %dma_start3A_1290] : memref<2x32x200xi32, #tpu.memory_space<vmem>> -> memref<1x1x72xi32, #tpu.memory_space<vmem>>
        %dma_start3A_1292 = tpu.memref_squeeze %dma_start3A_1291 : memref<1x1x72xi32, #tpu.memory_space<vmem>> -> memref<72xi32, #tpu.memory_space<vmem>>
        %dma_start3A_1293 = arith.constant 0 : i32
        %dma_start3A_1294 = arith.constant 0 : i32
        %dma_start3A_1295 = tpu.memref_slice %arg2[%dma_start3A_1293, %dma_start3A_1294] : memref<1000000x64xf32, #tpu.memory_space<hbm>> -> memref<1000000x64xf32, #tpu.memory_space<hbm>>
        tpu.enqueue_indirect_dma source(%dma_start3A_1295 : memref<1000000x64xf32, #tpu.memory_space<hbm>>) target(%dma_start3A_1289 : memref<72x64xf32, #tpu.memory_space<vmem>>) offsets(%dma_start3A_1292 : memref<72xi32, #tpu.memory_space<vmem>>) semaphore(%arg8 : memref<!tpu.dma_semaphore, #tpu.memory_space<semaphore_mem>>)
      } else {
      }
      %add3A_668 = arith.constant 3 : i32
      %add3A_669 = arith.addi %mul3A_364, %add3A_668 : i32
      %jit3A_670 = arith.constant 32 : i32
      %div3A_671 = arith.divsi %add3A_669, %jit3A_670 : i32
      %sign3A_672 = arith.constant 0 : i32
      %sign3A_673 = arith.cmpi sgt, %add3A_669, %sign3A_672 : i32
      %sign3A_674 = arith.extui %sign3A_673 : i1 to i32
      %sign3A_675 = arith.constant 0 : i32
      %sign3A_676 = arith.cmpi slt, %add3A_669, %sign3A_675 : i32
      %sign3A_677 = arith.extui %sign3A_676 : i1 to i32
      %sign3A_678 = arith.subi %sign3A_674, %sign3A_677 : i32
      %sign3A_679 = arith.constant 0 : i32
      %sign3A_680 = arith.cmpi sgt, %jit3A_670, %sign3A_679 : i32
      %sign3A_681 = arith.extui %sign3A_680 : i1 to i32
      %sign3A_682 = arith.constant 0 : i32
      %sign3A_683 = arith.cmpi slt, %jit3A_670, %sign3A_682 : i32
      %sign3A_684 = arith.extui %sign3A_683 : i1 to i32
      %sign3A_685 = arith.subi %sign3A_681, %sign3A_684 : i32
      %ne3A_686 = arith.cmpi ne, %sign3A_678, %sign3A_685 : i32
      %rem3A_687 = arith.remsi %add3A_669, %jit3A_670 : i32
      %ne3A_688 = arith.constant 0 : i32
      %ne3A_689 = arith.cmpi ne, %rem3A_687, %ne3A_688 : i32
      %and3A_690 = arith.andi %ne3A_686, %ne3A_689 : i1
      %sub3A_691 = arith.constant 1 : i32
      %sub3A_692 = arith.subi %div3A_671, %sub3A_691 : i32
      %select_n3A_693 = arith.select %and3A_690, %sub3A_692, %div3A_671 : i32
      %jit3A_694 = arith.constant 2 : i32
      %eq3A_695 = arith.constant 0 : i32
      %eq3A_696 = arith.cmpi eq, %jit3A_694, %eq3A_695 : i32
      %jit3A_697 = arith.constant 1 : i32
      %select_n3A_698 = arith.select %eq3A_696, %jit3A_697, %jit3A_694 : i32
      %rem3A_699 = arith.remsi %select_n3A_693, %select_n3A_698 : i32
      %ne3A_700 = arith.constant 0 : i32
      %ne3A_701 = arith.cmpi ne, %rem3A_699, %ne3A_700 : i32
      %lt3A_702 = arith.constant 0 : i32
      %lt3A_703 = arith.cmpi slt, %rem3A_699, %lt3A_702 : i32
      %lt3A_704 = arith.constant 0 : i32
      %lt3A_705 = arith.cmpi slt, %select_n3A_698, %lt3A_704 : i32
      %ne3A_706 = arith.xori %lt3A_703, %lt3A_705 : i1
      %and3A_707 = arith.andi %ne3A_706, %ne3A_701 : i1
      %add3A_708 = arith.addi %rem3A_699, %select_n3A_698 : i32
      %select_n3A_709 = arith.select %and3A_707, %add3A_708, %rem3A_699 : i32
      %jit3A_710 = arith.constant 32 : i32
      %eq3A_711 = arith.constant 0 : i32
      %eq3A_712 = arith.cmpi eq, %jit3A_710, %eq3A_711 : i32
      %jit3A_713 = arith.constant 1 : i32
      %select_n3A_714 = arith.select %eq3A_712, %jit3A_713, %jit3A_710 : i32
      %rem3A_715 = arith.remsi %add3A_669, %select_n3A_714 : i32
      %ne3A_716 = arith.constant 0 : i32
      %ne3A_717 = arith.cmpi ne, %rem3A_715, %ne3A_716 : i32
      %lt3A_718 = arith.constant 0 : i32
      %lt3A_719 = arith.cmpi slt, %rem3A_715, %lt3A_718 : i32
      %lt3A_720 = arith.constant 0 : i32
      %lt3A_721 = arith.cmpi slt, %select_n3A_714, %lt3A_720 : i32
      %ne3A_722 = arith.xori %lt3A_719, %lt3A_721 : i1
      %and3A_723 = arith.andi %ne3A_722, %ne3A_717 : i1
      %add3A_724 = arith.addi %rem3A_715, %select_n3A_714 : i32
      %select_n3A_725 = arith.select %and3A_723, %add3A_724, %rem3A_715 : i32
      %dma_wait3A_726 = arith.constant 3 : i32
      %dma_wait3A_727 = arith.constant 0 : i32
      %dma_wait3A_728 = arith.constant 0 : i32
      %dma_wait3A_729 = tpu.memref_slice %arg6[%dma_wait3A_726, %dma_wait3A_727, %dma_wait3A_728] : memref<8x200x64xf32, #tpu.memory_space<vmem>> -> memref<1x128x64xf32, #tpu.memory_space<vmem>>
      %dma_wait3A_730 = tpu.memref_squeeze %dma_wait3A_729 : memref<1x128x64xf32, #tpu.memory_space<vmem>> -> memref<128x64xf32, #tpu.memory_space<vmem>>
      %dma_wait3A_731 = arith.constant 0 : i32
      %dma_wait3A_732 = tpu.memref_slice %arg5[%select_n3A_709, %select_n3A_725, %dma_wait3A_731] : memref<2x32x200xi32, #tpu.memory_space<vmem>> -> memref<1x1x128xi32, #tpu.memory_space<vmem>>
      %dma_wait3A_733 = tpu.memref_squeeze %dma_wait3A_732 : memref<1x1x128xi32, #tpu.memory_space<vmem>> -> memref<128xi32, #tpu.memory_space<vmem>>
      %dma_wait3A_734 = arith.constant 0 : i32
      %dma_wait3A_735 = arith.constant 0 : i32
      %dma_wait3A_736 = tpu.memref_slice %arg2[%dma_wait3A_734, %dma_wait3A_735] : memref<1000000x64xf32, #tpu.memory_space<hbm>> -> memref<1000000x64xf32, #tpu.memory_space<hbm>>
      tpu.wait_indirect_dma semaphore(%arg11 : memref<!tpu.dma_semaphore, #tpu.memory_space<semaphore_mem>>) src(%dma_wait3A_736 : memref<1000000x64xf32, #tpu.memory_space<hbm>>) dst(%dma_wait3A_730 : memref<128x64xf32, #tpu.memory_space<vmem>>)
      %dma_wait3A_737 = arith.constant 3 : i32
      %dma_wait3A_738 = arith.constant 128 : i32
      %dma_wait3A_739 = arith.constant 0 : i32
      %dma_wait3A_740 = tpu.memref_slice %arg6[%dma_wait3A_737, %dma_wait3A_738, %dma_wait3A_739] : memref<8x200x64xf32, #tpu.memory_space<vmem>> -> memref<1x72x64xf32, #tpu.memory_space<vmem>>
      %dma_wait3A_741 = tpu.memref_squeeze %dma_wait3A_740 : memref<1x72x64xf32, #tpu.memory_space<vmem>> -> memref<72x64xf32, #tpu.memory_space<vmem>>
      %dma_wait3A_742 = arith.constant 128 : i32
      %dma_wait3A_743 = tpu.memref_slice %arg5[%select_n3A_709, %select_n3A_725, %dma_wait3A_742] : memref<2x32x200xi32, #tpu.memory_space<vmem>> -> memref<1x1x72xi32, #tpu.memory_space<vmem>>
      %dma_wait3A_744 = tpu.memref_squeeze %dma_wait3A_743 : memref<1x1x72xi32, #tpu.memory_space<vmem>> -> memref<72xi32, #tpu.memory_space<vmem>>
      %dma_wait3A_745 = arith.constant 0 : i32
      %dma_wait3A_746 = arith.constant 0 : i32
      %dma_wait3A_747 = tpu.memref_slice %arg2[%dma_wait3A_745, %dma_wait3A_746] : memref<1000000x64xf32, #tpu.memory_space<hbm>> -> memref<1000000x64xf32, #tpu.memory_space<hbm>>
      tpu.wait_indirect_dma semaphore(%arg11 : memref<!tpu.dma_semaphore, #tpu.memory_space<semaphore_mem>>) src(%dma_wait3A_747 : memref<1000000x64xf32, #tpu.memory_space<hbm>>) dst(%dma_wait3A_741 : memref<72x64xf32, #tpu.memory_space<vmem>>)
      %add3A_748 = arith.addi %mul3A_2, %add3A_669 : i32
      %dma_start3A_749 = arith.constant 3 : i32
      %dma_start3A_750 = arith.constant 0 : i32
      %dma_start3A_751 = arith.constant 0 : i32
      %dma_start3A_752 = tpu.memref_slice %arg6[%dma_start3A_749, %dma_start3A_750, %dma_start3A_751] : memref<8x200x64xf32, #tpu.memory_space<vmem>> -> memref<1x200x64xf32, #tpu.memory_space<vmem>>
      %dma_start3A_753 = tpu.memref_squeeze %dma_start3A_752 : memref<1x200x64xf32, #tpu.memory_space<vmem>> -> memref<200x64xf32, #tpu.memory_space<vmem>>
      %dma_start3A_754 = arith.constant 0 : i32
      %dma_start3A_755 = arith.constant 0 : i32
      %dma_start3A_756 = tpu.memref_slice %arg4[%add3A_748, %dma_start3A_754, %dma_start3A_755] : memref<16384x200x128xf32, #tpu.memory_space<hbm>> -> memref<1x200x64xf32, #tpu.memory_space<hbm>>
      %dma_start3A_757 = tpu.memref_squeeze %dma_start3A_756 : memref<1x200x64xf32, #tpu.memory_space<hbm>> -> memref<200x64xf32, #tpu.memory_space<hbm>>
      %dma_start3A_758 = arith.constant 0 : i32
      %dma_start3A_759 = arith.constant 0 : i32
      %dma_start3A_760 = tpu.memref_slice %arg4[%add3A_748, %dma_start3A_758, %dma_start3A_759] : memref<16384x200x128xf32, #tpu.memory_space<hbm>> -> memref<1x200x64xf32, #tpu.memory_space<hbm>>
      %dma_start3A_761 = tpu.memref_squeeze %dma_start3A_760 : memref<1x200x64xf32, #tpu.memory_space<hbm>> -> memref<200x64xf32, #tpu.memory_space<hbm>>
      %dma_start3A_762 = arith.constant 0 : i32
      %dma_start3A_763 = arith.constant 0 : i32
      %dma_start3A_764 = tpu.memref_slice %arg6[%dma_start3A_749, %dma_start3A_762, %dma_start3A_763] : memref<8x200x64xf32, #tpu.memory_space<vmem>> -> memref<1x200x64xf32, #tpu.memory_space<vmem>>
      %dma_start3A_765 = tpu.memref_squeeze %dma_start3A_764 : memref<1x200x64xf32, #tpu.memory_space<vmem>> -> memref<200x64xf32, #tpu.memory_space<vmem>>
      tpu.enqueue_dma source(%dma_start3A_765 : memref<200x64xf32, #tpu.memory_space<vmem>>) target(%dma_start3A_761 : memref<200x64xf32, #tpu.memory_space<hbm>>) target_semaphore(%arg19 : memref<!tpu.dma_semaphore, #tpu.memory_space<semaphore_mem>>)
      %add3A_766 = arith.constant 6 : i32
      %add3A_767 = arith.addi %add3A_669, %add3A_766 : i32
      %lt3A_768 = arith.constant 512 : i32
      %lt3A_769 = arith.cmpi slt, %add3A_767, %lt3A_768 : i32
      %convert_element_type3A_770 = arith.extui %lt3A_769 : i1 to i32
      %cond3A_771 = arith.constant 0 : i32
      %cond3A_772 = arith.cmpi ne, %convert_element_type3A_770, %cond3A_771 : i32
      scf.if %cond3A_772 {
        %ge3A = arith.constant 8 : i32
        %ge3A_1193 = arith.cmpi sge, %add3A_767, %ge3A : i32
        %convert_element_type3A_1194 = arith.extui %ge3A_1193 : i1 to i32
        %cond3A_1195 = arith.constant 0 : i32
        %cond3A_1196 = arith.cmpi ne, %convert_element_type3A_1194, %cond3A_1195 : i32
        scf.if %cond3A_1196 {
          %sub3A_1296 = arith.constant 8 : i32
          %sub3A_1297 = arith.subi %add3A_767, %sub3A_1296 : i32
          %add3A_1298 = arith.addi %mul3A_2, %sub3A_1297 : i32
          %dma_wait3A_1299 = arith.constant 1 : i32
          %dma_wait3A_1300 = arith.constant 0 : i32
          %dma_wait3A_1301 = arith.constant 0 : i32
          %dma_wait3A_1302 = tpu.memref_slice %arg6[%dma_wait3A_1299, %dma_wait3A_1300, %dma_wait3A_1301] : memref<8x200x64xf32, #tpu.memory_space<vmem>> -> memref<1x200x64xf32, #tpu.memory_space<vmem>>
          %dma_wait3A_1303 = tpu.memref_squeeze %dma_wait3A_1302 : memref<1x200x64xf32, #tpu.memory_space<vmem>> -> memref<200x64xf32, #tpu.memory_space<vmem>>
          %dma_wait3A_1304 = arith.constant 0 : i32
          %dma_wait3A_1305 = arith.constant 0 : i32
          %dma_wait3A_1306 = tpu.memref_slice %arg4[%add3A_1298, %dma_wait3A_1304, %dma_wait3A_1305] : memref<16384x200x128xf32, #tpu.memory_space<hbm>> -> memref<1x200x64xf32, #tpu.memory_space<hbm>>
          %dma_wait3A_1307 = tpu.memref_squeeze %dma_wait3A_1306 : memref<1x200x64xf32, #tpu.memory_space<hbm>> -> memref<200x64xf32, #tpu.memory_space<hbm>>
          %dma_wait3A_1308 = arith.constant 0 : i32
          %dma_wait3A_1309 = arith.constant 0 : i32
          %dma_wait3A_1310 = tpu.memref_slice %arg4[%add3A_1298, %dma_wait3A_1308, %dma_wait3A_1309] : memref<16384x200x128xf32, #tpu.memory_space<hbm>> -> memref<1x200x64xf32, #tpu.memory_space<hbm>>
          %dma_wait3A_1311 = tpu.memref_squeeze %dma_wait3A_1310 : memref<1x200x64xf32, #tpu.memory_space<hbm>> -> memref<200x64xf32, #tpu.memory_space<hbm>>
          %dma_wait3A_1312 = arith.constant 0 : i32
          %dma_wait3A_1313 = arith.constant 0 : i32
          %dma_wait3A_1314 = tpu.memref_slice %arg6[%dma_wait3A_1299, %dma_wait3A_1312, %dma_wait3A_1313] : memref<8x200x64xf32, #tpu.memory_space<vmem>> -> memref<1x200x64xf32, #tpu.memory_space<vmem>>
          %dma_wait3A_1315 = tpu.memref_squeeze %dma_wait3A_1314 : memref<1x200x64xf32, #tpu.memory_space<vmem>> -> memref<200x64xf32, #tpu.memory_space<vmem>>
          tpu.wait_dma2 semaphore(%arg17 : memref<!tpu.dma_semaphore, #tpu.memory_space<semaphore_mem>>) src(%dma_wait3A_1315 : memref<200x64xf32, #tpu.memory_space<vmem>>) dst(%dma_wait3A_1311 : memref<200x64xf32, #tpu.memory_space<hbm>>)
        } else {
        }
        %jit3A_1197 = arith.constant 32 : i32
        %eq3A_1198 = arith.constant 0 : i32
        %eq3A_1199 = arith.cmpi eq, %jit3A_1197, %eq3A_1198 : i32
        %jit3A_1200 = arith.constant 1 : i32
        %select_n3A_1201 = arith.select %eq3A_1199, %jit3A_1200, %jit3A_1197 : i32
        %rem3A_1202 = arith.remsi %add3A_767, %select_n3A_1201 : i32
        %ne3A_1203 = arith.constant 0 : i32
        %ne3A_1204 = arith.cmpi ne, %rem3A_1202, %ne3A_1203 : i32
        %lt3A_1205 = arith.constant 0 : i32
        %lt3A_1206 = arith.cmpi slt, %rem3A_1202, %lt3A_1205 : i32
        %lt3A_1207 = arith.constant 0 : i32
        %lt3A_1208 = arith.cmpi slt, %select_n3A_1201, %lt3A_1207 : i32
        %ne3A_1209 = arith.xori %lt3A_1206, %lt3A_1208 : i1
        %and3A_1210 = arith.andi %ne3A_1209, %ne3A_1204 : i1
        %add3A_1211 = arith.addi %rem3A_1202, %select_n3A_1201 : i32
        %select_n3A_1212 = arith.select %and3A_1210, %add3A_1211, %rem3A_1202 : i32
        %eq3A_1213 = arith.constant 0 : i32
        %eq3A_1214 = arith.cmpi eq, %select_n3A_1212, %eq3A_1213 : i32
        %convert_element_type3A_1215 = arith.extui %eq3A_1214 : i1 to i32
        %cond3A_1216 = arith.constant 0 : i32
        %cond3A_1217 = arith.cmpi ne, %convert_element_type3A_1215, %cond3A_1216 : i32
        scf.if %cond3A_1217 {
          %jit3A_1296 = arith.constant 32 : i32
          %div3A_1297 = arith.divsi %add3A_767, %jit3A_1296 : i32
          %sign3A_1298 = arith.constant 0 : i32
          %sign3A_1299 = arith.cmpi sgt, %add3A_767, %sign3A_1298 : i32
          %sign3A_1300 = arith.extui %sign3A_1299 : i1 to i32
          %sign3A_1301 = arith.constant 0 : i32
          %sign3A_1302 = arith.cmpi slt, %add3A_767, %sign3A_1301 : i32
          %sign3A_1303 = arith.extui %sign3A_1302 : i1 to i32
          %sign3A_1304 = arith.subi %sign3A_1300, %sign3A_1303 : i32
          %sign3A_1305 = arith.constant 0 : i32
          %sign3A_1306 = arith.cmpi sgt, %jit3A_1296, %sign3A_1305 : i32
          %sign3A_1307 = arith.extui %sign3A_1306 : i1 to i32
          %sign3A_1308 = arith.constant 0 : i32
          %sign3A_1309 = arith.cmpi slt, %jit3A_1296, %sign3A_1308 : i32
          %sign3A_1310 = arith.extui %sign3A_1309 : i1 to i32
          %sign3A_1311 = arith.subi %sign3A_1307, %sign3A_1310 : i32
          %ne3A_1312 = arith.cmpi ne, %sign3A_1304, %sign3A_1311 : i32
          %rem3A_1313 = arith.remsi %add3A_767, %jit3A_1296 : i32
          %ne3A_1314 = arith.constant 0 : i32
          %ne3A_1315 = arith.cmpi ne, %rem3A_1313, %ne3A_1314 : i32
          %and3A_1316 = arith.andi %ne3A_1312, %ne3A_1315 : i1
          %sub3A_1317 = arith.constant 1 : i32
          %sub3A_1318 = arith.subi %div3A_1297, %sub3A_1317 : i32
          %select_n3A_1319 = arith.select %and3A_1316, %sub3A_1318, %div3A_1297 : i32
          %mul3A_1320 = arith.constant 32 : i32
          %mul3A_1321 = arith.muli %select_n3A_1319, %mul3A_1320 : i32
          %add3A_1322 = arith.addi %mul3A_2, %mul3A_1321 : i32
          %jit3A_1323 = arith.constant 2 : i32
          %eq3A_1324 = arith.constant 0 : i32
          %eq3A_1325 = arith.cmpi eq, %jit3A_1323, %eq3A_1324 : i32
          %jit3A_1326 = arith.constant 1 : i32
          %select_n3A_1327 = arith.select %eq3A_1325, %jit3A_1326, %jit3A_1323 : i32
          %rem3A_1328 = arith.remsi %select_n3A_1319, %select_n3A_1327 : i32
          %ne3A_1329 = arith.constant 0 : i32
          %ne3A_1330 = arith.cmpi ne, %rem3A_1328, %ne3A_1329 : i32
          %lt3A_1331 = arith.constant 0 : i32
          %lt3A_1332 = arith.cmpi slt, %rem3A_1328, %lt3A_1331 : i32
          %lt3A_1333 = arith.constant 0 : i32
          %lt3A_1334 = arith.cmpi slt, %select_n3A_1327, %lt3A_1333 : i32
          %ne3A_1335 = arith.xori %lt3A_1332, %lt3A_1334 : i1
          %and3A_1336 = arith.andi %ne3A_1335, %ne3A_1330 : i1
          %add3A_1337 = arith.addi %rem3A_1328, %select_n3A_1327 : i32
          %select_n3A_1338 = arith.select %and3A_1336, %add3A_1337, %rem3A_1328 : i32
          %dma_wait3A_1339 = arith.constant 0 : i32
          %dma_wait3A_1340 = arith.constant 0 : i32
          %dma_wait3A_1341 = tpu.memref_slice %arg5[%select_n3A_1338, %dma_wait3A_1339, %dma_wait3A_1340] : memref<2x32x200xi32, #tpu.memory_space<vmem>> -> memref<1x32x200xi32, #tpu.memory_space<vmem>>
          %dma_wait3A_1342 = tpu.memref_squeeze %dma_wait3A_1341 : memref<1x32x200xi32, #tpu.memory_space<vmem>> -> memref<32x200xi32, #tpu.memory_space<vmem>>
          %dma_wait3A_1343 = arith.constant 0 : i32
          %dma_wait3A_1344 = tpu.memref_slice %arg3[%add3A_1322, %dma_wait3A_1343] : memref<16384x200xi32, #tpu.memory_space<hbm>> -> memref<32x200xi32, #tpu.memory_space<hbm>>
          %dma_wait3A_1345 = arith.constant 0 : i32
          %dma_wait3A_1346 = arith.constant 0 : i32
          %dma_wait3A_1347 = tpu.memref_slice %arg5[%select_n3A_1338, %dma_wait3A_1345, %dma_wait3A_1346] : memref<2x32x200xi32, #tpu.memory_space<vmem>> -> memref<1x32x200xi32, #tpu.memory_space<vmem>>
          %dma_wait3A_1348 = tpu.memref_squeeze %dma_wait3A_1347 : memref<1x32x200xi32, #tpu.memory_space<vmem>> -> memref<32x200xi32, #tpu.memory_space<vmem>>
          %dma_wait3A_1349 = arith.constant 0 : i32
          %dma_wait3A_1350 = tpu.memref_slice %arg3[%add3A_1322, %dma_wait3A_1349] : memref<16384x200xi32, #tpu.memory_space<hbm>> -> memref<32x200xi32, #tpu.memory_space<hbm>>
          tpu.wait_dma2 semaphore(%arg7 : memref<!tpu.dma_semaphore, #tpu.memory_space<semaphore_mem>>) src(%dma_wait3A_1350 : memref<32x200xi32, #tpu.memory_space<hbm>>) dst(%dma_wait3A_1348 : memref<32x200xi32, #tpu.memory_space<vmem>>)
          %add3A_1351 = arith.constant 1 : i32
          %add3A_1352 = arith.addi %select_n3A_1319, %add3A_1351 : i32
          %lt3A_1353 = arith.constant 16 : i32
          %lt3A_1354 = arith.cmpi slt, %add3A_1352, %lt3A_1353 : i32
          %convert_element_type3A_1355 = arith.extui %lt3A_1354 : i1 to i32
          %cond3A_1356 = arith.constant 0 : i32
          %cond3A_1357 = arith.cmpi ne, %convert_element_type3A_1355, %cond3A_1356 : i32
          scf.if %cond3A_1357 {
            %add3A_1358 = arith.constant 1 : i32
            %add3A_1359 = arith.addi %select_n3A_1319, %add3A_1358 : i32
            %mul3A_1360 = arith.constant 32 : i32
            %mul3A_1361 = arith.muli %add3A_1359, %mul3A_1360 : i32
            %add3A_1362 = arith.addi %mul3A_2, %mul3A_1361 : i32
            %jit3A_1363 = arith.constant 2 : i32
            %eq3A_1364 = arith.constant 0 : i32
            %eq3A_1365 = arith.cmpi eq, %jit3A_1363, %eq3A_1364 : i32
            %jit3A_1366 = arith.constant 1 : i32
            %select_n3A_1367 = arith.select %eq3A_1365, %jit3A_1366, %jit3A_1363 : i32
            %rem3A_1368 = arith.remsi %add3A_1359, %select_n3A_1367 : i32
            %ne3A_1369 = arith.constant 0 : i32
            %ne3A_1370 = arith.cmpi ne, %rem3A_1368, %ne3A_1369 : i32
            %lt3A_1371 = arith.constant 0 : i32
            %lt3A_1372 = arith.cmpi slt, %rem3A_1368, %lt3A_1371 : i32
            %lt3A_1373 = arith.constant 0 : i32
            %lt3A_1374 = arith.cmpi slt, %select_n3A_1367, %lt3A_1373 : i32
            %ne3A_1375 = arith.xori %lt3A_1372, %lt3A_1374 : i1
            %and3A_1376 = arith.andi %ne3A_1375, %ne3A_1370 : i1
            %add3A_1377 = arith.addi %rem3A_1368, %select_n3A_1367 : i32
            %select_n3A_1378 = arith.select %and3A_1376, %add3A_1377, %rem3A_1368 : i32
            %dma_start3A_1379 = arith.constant 0 : i32
            %dma_start3A_1380 = arith.constant 0 : i32
            %dma_start3A_1381 = tpu.memref_slice %arg5[%select_n3A_1378, %dma_start3A_1379, %dma_start3A_1380] : memref<2x32x200xi32, #tpu.memory_space<vmem>> -> memref<1x32x200xi32, #tpu.memory_space<vmem>>
            %dma_start3A_1382 = tpu.memref_squeeze %dma_start3A_1381 : memref<1x32x200xi32, #tpu.memory_space<vmem>> -> memref<32x200xi32, #tpu.memory_space<vmem>>
            %dma_start3A_1383 = arith.constant 0 : i32
            %dma_start3A_1384 = tpu.memref_slice %arg3[%add3A_1362, %dma_start3A_1383] : memref<16384x200xi32, #tpu.memory_space<hbm>> -> memref<32x200xi32, #tpu.memory_space<hbm>>
            %dma_start3A_1385 = arith.constant 0 : i32
            %dma_start3A_1386 = arith.constant 0 : i32
            %dma_start3A_1387 = tpu.memref_slice %arg5[%select_n3A_1378, %dma_start3A_1385, %dma_start3A_1386] : memref<2x32x200xi32, #tpu.memory_space<vmem>> -> memref<1x32x200xi32, #tpu.memory_space<vmem>>
            %dma_start3A_1388 = tpu.memref_squeeze %dma_start3A_1387 : memref<1x32x200xi32, #tpu.memory_space<vmem>> -> memref<32x200xi32, #tpu.memory_space<vmem>>
            %dma_start3A_1389 = arith.constant 0 : i32
            %dma_start3A_1390 = tpu.memref_slice %arg3[%add3A_1362, %dma_start3A_1389] : memref<16384x200xi32, #tpu.memory_space<hbm>> -> memref<32x200xi32, #tpu.memory_space<hbm>>
            tpu.enqueue_dma source(%dma_start3A_1390 : memref<32x200xi32, #tpu.memory_space<hbm>>) target(%dma_start3A_1388 : memref<32x200xi32, #tpu.memory_space<vmem>>) target_semaphore(%arg7 : memref<!tpu.dma_semaphore, #tpu.memory_space<semaphore_mem>>)
          } else {
          }
        } else {
        }
        %jit3A_1218 = arith.constant 32 : i32
        %div3A_1219 = arith.divsi %add3A_767, %jit3A_1218 : i32
        %sign3A_1220 = arith.constant 0 : i32
        %sign3A_1221 = arith.cmpi sgt, %add3A_767, %sign3A_1220 : i32
        %sign3A_1222 = arith.extui %sign3A_1221 : i1 to i32
        %sign3A_1223 = arith.constant 0 : i32
        %sign3A_1224 = arith.cmpi slt, %add3A_767, %sign3A_1223 : i32
        %sign3A_1225 = arith.extui %sign3A_1224 : i1 to i32
        %sign3A_1226 = arith.subi %sign3A_1222, %sign3A_1225 : i32
        %sign3A_1227 = arith.constant 0 : i32
        %sign3A_1228 = arith.cmpi sgt, %jit3A_1218, %sign3A_1227 : i32
        %sign3A_1229 = arith.extui %sign3A_1228 : i1 to i32
        %sign3A_1230 = arith.constant 0 : i32
        %sign3A_1231 = arith.cmpi slt, %jit3A_1218, %sign3A_1230 : i32
        %sign3A_1232 = arith.extui %sign3A_1231 : i1 to i32
        %sign3A_1233 = arith.subi %sign3A_1229, %sign3A_1232 : i32
        %ne3A_1234 = arith.cmpi ne, %sign3A_1226, %sign3A_1233 : i32
        %rem3A_1235 = arith.remsi %add3A_767, %jit3A_1218 : i32
        %ne3A_1236 = arith.constant 0 : i32
        %ne3A_1237 = arith.cmpi ne, %rem3A_1235, %ne3A_1236 : i32
        %and3A_1238 = arith.andi %ne3A_1234, %ne3A_1237 : i1
        %sub3A_1239 = arith.constant 1 : i32
        %sub3A_1240 = arith.subi %div3A_1219, %sub3A_1239 : i32
        %select_n3A_1241 = arith.select %and3A_1238, %sub3A_1240, %div3A_1219 : i32
        %jit3A_1242 = arith.constant 2 : i32
        %eq3A_1243 = arith.constant 0 : i32
        %eq3A_1244 = arith.cmpi eq, %jit3A_1242, %eq3A_1243 : i32
        %jit3A_1245 = arith.constant 1 : i32
        %select_n3A_1246 = arith.select %eq3A_1244, %jit3A_1245, %jit3A_1242 : i32
        %rem3A_1247 = arith.remsi %select_n3A_1241, %select_n3A_1246 : i32
        %ne3A_1248 = arith.constant 0 : i32
        %ne3A_1249 = arith.cmpi ne, %rem3A_1247, %ne3A_1248 : i32
        %lt3A_1250 = arith.constant 0 : i32
        %lt3A_1251 = arith.cmpi slt, %rem3A_1247, %lt3A_1250 : i32
        %lt3A_1252 = arith.constant 0 : i32
        %lt3A_1253 = arith.cmpi slt, %select_n3A_1246, %lt3A_1252 : i32
        %ne3A_1254 = arith.xori %lt3A_1251, %lt3A_1253 : i1
        %and3A_1255 = arith.andi %ne3A_1254, %ne3A_1249 : i1
        %add3A_1256 = arith.addi %rem3A_1247, %select_n3A_1246 : i32
        %select_n3A_1257 = arith.select %and3A_1255, %add3A_1256, %rem3A_1247 : i32
        %jit3A_1258 = arith.constant 32 : i32
        %eq3A_1259 = arith.constant 0 : i32
        %eq3A_1260 = arith.cmpi eq, %jit3A_1258, %eq3A_1259 : i32
        %jit3A_1261 = arith.constant 1 : i32
        %select_n3A_1262 = arith.select %eq3A_1260, %jit3A_1261, %jit3A_1258 : i32
        %rem3A_1263 = arith.remsi %add3A_767, %select_n3A_1262 : i32
        %ne3A_1264 = arith.constant 0 : i32
        %ne3A_1265 = arith.cmpi ne, %rem3A_1263, %ne3A_1264 : i32
        %lt3A_1266 = arith.constant 0 : i32
        %lt3A_1267 = arith.cmpi slt, %rem3A_1263, %lt3A_1266 : i32
        %lt3A_1268 = arith.constant 0 : i32
        %lt3A_1269 = arith.cmpi slt, %select_n3A_1262, %lt3A_1268 : i32
        %ne3A_1270 = arith.xori %lt3A_1267, %lt3A_1269 : i1
        %and3A_1271 = arith.andi %ne3A_1270, %ne3A_1265 : i1
        %add3A_1272 = arith.addi %rem3A_1263, %select_n3A_1262 : i32
        %select_n3A_1273 = arith.select %and3A_1271, %add3A_1272, %rem3A_1263 : i32
        %dma_start3A_1274 = arith.constant 1 : i32
        %dma_start3A_1275 = arith.constant 0 : i32
        %dma_start3A_1276 = arith.constant 0 : i32
        %dma_start3A_1277 = tpu.memref_slice %arg6[%dma_start3A_1274, %dma_start3A_1275, %dma_start3A_1276] : memref<8x200x64xf32, #tpu.memory_space<vmem>> -> memref<1x128x64xf32, #tpu.memory_space<vmem>>
        %dma_start3A_1278 = tpu.memref_squeeze %dma_start3A_1277 : memref<1x128x64xf32, #tpu.memory_space<vmem>> -> memref<128x64xf32, #tpu.memory_space<vmem>>
        %dma_start3A_1279 = arith.constant 0 : i32
        %dma_start3A_1280 = tpu.memref_slice %arg5[%select_n3A_1257, %select_n3A_1273, %dma_start3A_1279] : memref<2x32x200xi32, #tpu.memory_space<vmem>> -> memref<1x1x128xi32, #tpu.memory_space<vmem>>
        %dma_start3A_1281 = tpu.memref_squeeze %dma_start3A_1280 : memref<1x1x128xi32, #tpu.memory_space<vmem>> -> memref<128xi32, #tpu.memory_space<vmem>>
        %dma_start3A_1282 = arith.constant 0 : i32
        %dma_start3A_1283 = arith.constant 0 : i32
        %dma_start3A_1284 = tpu.memref_slice %arg2[%dma_start3A_1282, %dma_start3A_1283] : memref<1000000x64xf32, #tpu.memory_space<hbm>> -> memref<1000000x64xf32, #tpu.memory_space<hbm>>
        tpu.enqueue_indirect_dma source(%dma_start3A_1284 : memref<1000000x64xf32, #tpu.memory_space<hbm>>) target(%dma_start3A_1278 : memref<128x64xf32, #tpu.memory_space<vmem>>) offsets(%dma_start3A_1281 : memref<128xi32, #tpu.memory_space<vmem>>) semaphore(%arg9 : memref<!tpu.dma_semaphore, #tpu.memory_space<semaphore_mem>>)
        %dma_start3A_1285 = arith.constant 1 : i32
        %dma_start3A_1286 = arith.constant 128 : i32
        %dma_start3A_1287 = arith.constant 0 : i32
        %dma_start3A_1288 = tpu.memref_slice %arg6[%dma_start3A_1285, %dma_start3A_1286, %dma_start3A_1287] : memref<8x200x64xf32, #tpu.memory_space<vmem>> -> memref<1x72x64xf32, #tpu.memory_space<vmem>>
        %dma_start3A_1289 = tpu.memref_squeeze %dma_start3A_1288 : memref<1x72x64xf32, #tpu.memory_space<vmem>> -> memref<72x64xf32, #tpu.memory_space<vmem>>
        %dma_start3A_1290 = arith.constant 128 : i32
        %dma_start3A_1291 = tpu.memref_slice %arg5[%select_n3A_1257, %select_n3A_1273, %dma_start3A_1290] : memref<2x32x200xi32, #tpu.memory_space<vmem>> -> memref<1x1x72xi32, #tpu.memory_space<vmem>>
        %dma_start3A_1292 = tpu.memref_squeeze %dma_start3A_1291 : memref<1x1x72xi32, #tpu.memory_space<vmem>> -> memref<72xi32, #tpu.memory_space<vmem>>
        %dma_start3A_1293 = arith.constant 0 : i32
        %dma_start3A_1294 = arith.constant 0 : i32
        %dma_start3A_1295 = tpu.memref_slice %arg2[%dma_start3A_1293, %dma_start3A_1294] : memref<1000000x64xf32, #tpu.memory_space<hbm>> -> memref<1000000x64xf32, #tpu.memory_space<hbm>>
        tpu.enqueue_indirect_dma source(%dma_start3A_1295 : memref<1000000x64xf32, #tpu.memory_space<hbm>>) target(%dma_start3A_1289 : memref<72x64xf32, #tpu.memory_space<vmem>>) offsets(%dma_start3A_1292 : memref<72xi32, #tpu.memory_space<vmem>>) semaphore(%arg9 : memref<!tpu.dma_semaphore, #tpu.memory_space<semaphore_mem>>)
      } else {
      }
      %add3A_773 = arith.constant 4 : i32
      %add3A_774 = arith.addi %mul3A_364, %add3A_773 : i32
      %jit3A_775 = arith.constant 32 : i32
      %div3A_776 = arith.divsi %add3A_774, %jit3A_775 : i32
      %sign3A_777 = arith.constant 0 : i32
      %sign3A_778 = arith.cmpi sgt, %add3A_774, %sign3A_777 : i32
      %sign3A_779 = arith.extui %sign3A_778 : i1 to i32
      %sign3A_780 = arith.constant 0 : i32
      %sign3A_781 = arith.cmpi slt, %add3A_774, %sign3A_780 : i32
      %sign3A_782 = arith.extui %sign3A_781 : i1 to i32
      %sign3A_783 = arith.subi %sign3A_779, %sign3A_782 : i32
      %sign3A_784 = arith.constant 0 : i32
      %sign3A_785 = arith.cmpi sgt, %jit3A_775, %sign3A_784 : i32
      %sign3A_786 = arith.extui %sign3A_785 : i1 to i32
      %sign3A_787 = arith.constant 0 : i32
      %sign3A_788 = arith.cmpi slt, %jit3A_775, %sign3A_787 : i32
      %sign3A_789 = arith.extui %sign3A_788 : i1 to i32
      %sign3A_790 = arith.subi %sign3A_786, %sign3A_789 : i32
      %ne3A_791 = arith.cmpi ne, %sign3A_783, %sign3A_790 : i32
      %rem3A_792 = arith.remsi %add3A_774, %jit3A_775 : i32
      %ne3A_793 = arith.constant 0 : i32
      %ne3A_794 = arith.cmpi ne, %rem3A_792, %ne3A_793 : i32
      %and3A_795 = arith.andi %ne3A_791, %ne3A_794 : i1
      %sub3A_796 = arith.constant 1 : i32
      %sub3A_797 = arith.subi %div3A_776, %sub3A_796 : i32
      %select_n3A_798 = arith.select %and3A_795, %sub3A_797, %div3A_776 : i32
      %jit3A_799 = arith.constant 2 : i32
      %eq3A_800 = arith.constant 0 : i32
      %eq3A_801 = arith.cmpi eq, %jit3A_799, %eq3A_800 : i32
      %jit3A_802 = arith.constant 1 : i32
      %select_n3A_803 = arith.select %eq3A_801, %jit3A_802, %jit3A_799 : i32
      %rem3A_804 = arith.remsi %select_n3A_798, %select_n3A_803 : i32
      %ne3A_805 = arith.constant 0 : i32
      %ne3A_806 = arith.cmpi ne, %rem3A_804, %ne3A_805 : i32
      %lt3A_807 = arith.constant 0 : i32
      %lt3A_808 = arith.cmpi slt, %rem3A_804, %lt3A_807 : i32
      %lt3A_809 = arith.constant 0 : i32
      %lt3A_810 = arith.cmpi slt, %select_n3A_803, %lt3A_809 : i32
      %ne3A_811 = arith.xori %lt3A_808, %lt3A_810 : i1
      %and3A_812 = arith.andi %ne3A_811, %ne3A_806 : i1
      %add3A_813 = arith.addi %rem3A_804, %select_n3A_803 : i32
      %select_n3A_814 = arith.select %and3A_812, %add3A_813, %rem3A_804 : i32
      %jit3A_815 = arith.constant 32 : i32
      %eq3A_816 = arith.constant 0 : i32
      %eq3A_817 = arith.cmpi eq, %jit3A_815, %eq3A_816 : i32
      %jit3A_818 = arith.constant 1 : i32
      %select_n3A_819 = arith.select %eq3A_817, %jit3A_818, %jit3A_815 : i32
      %rem3A_820 = arith.remsi %add3A_774, %select_n3A_819 : i32
      %ne3A_821 = arith.constant 0 : i32
      %ne3A_822 = arith.cmpi ne, %rem3A_820, %ne3A_821 : i32
      %lt3A_823 = arith.constant 0 : i32
      %lt3A_824 = arith.cmpi slt, %rem3A_820, %lt3A_823 : i32
      %lt3A_825 = arith.constant 0 : i32
      %lt3A_826 = arith.cmpi slt, %select_n3A_819, %lt3A_825 : i32
      %ne3A_827 = arith.xori %lt3A_824, %lt3A_826 : i1
      %and3A_828 = arith.andi %ne3A_827, %ne3A_822 : i1
      %add3A_829 = arith.addi %rem3A_820, %select_n3A_819 : i32
      %select_n3A_830 = arith.select %and3A_828, %add3A_829, %rem3A_820 : i32
      %dma_wait3A_831 = arith.constant 4 : i32
      %dma_wait3A_832 = arith.constant 0 : i32
      %dma_wait3A_833 = arith.constant 0 : i32
      %dma_wait3A_834 = tpu.memref_slice %arg6[%dma_wait3A_831, %dma_wait3A_832, %dma_wait3A_833] : memref<8x200x64xf32, #tpu.memory_space<vmem>> -> memref<1x128x64xf32, #tpu.memory_space<vmem>>
      %dma_wait3A_835 = tpu.memref_squeeze %dma_wait3A_834 : memref<1x128x64xf32, #tpu.memory_space<vmem>> -> memref<128x64xf32, #tpu.memory_space<vmem>>
      %dma_wait3A_836 = arith.constant 0 : i32
      %dma_wait3A_837 = tpu.memref_slice %arg5[%select_n3A_814, %select_n3A_830, %dma_wait3A_836] : memref<2x32x200xi32, #tpu.memory_space<vmem>> -> memref<1x1x128xi32, #tpu.memory_space<vmem>>
      %dma_wait3A_838 = tpu.memref_squeeze %dma_wait3A_837 : memref<1x1x128xi32, #tpu.memory_space<vmem>> -> memref<128xi32, #tpu.memory_space<vmem>>
      %dma_wait3A_839 = arith.constant 0 : i32
      %dma_wait3A_840 = arith.constant 0 : i32
      %dma_wait3A_841 = tpu.memref_slice %arg2[%dma_wait3A_839, %dma_wait3A_840] : memref<1000000x64xf32, #tpu.memory_space<hbm>> -> memref<1000000x64xf32, #tpu.memory_space<hbm>>
      tpu.wait_indirect_dma semaphore(%arg12 : memref<!tpu.dma_semaphore, #tpu.memory_space<semaphore_mem>>) src(%dma_wait3A_841 : memref<1000000x64xf32, #tpu.memory_space<hbm>>) dst(%dma_wait3A_835 : memref<128x64xf32, #tpu.memory_space<vmem>>)
      %dma_wait3A_842 = arith.constant 4 : i32
      %dma_wait3A_843 = arith.constant 128 : i32
      %dma_wait3A_844 = arith.constant 0 : i32
      %dma_wait3A_845 = tpu.memref_slice %arg6[%dma_wait3A_842, %dma_wait3A_843, %dma_wait3A_844] : memref<8x200x64xf32, #tpu.memory_space<vmem>> -> memref<1x72x64xf32, #tpu.memory_space<vmem>>
      %dma_wait3A_846 = tpu.memref_squeeze %dma_wait3A_845 : memref<1x72x64xf32, #tpu.memory_space<vmem>> -> memref<72x64xf32, #tpu.memory_space<vmem>>
      %dma_wait3A_847 = arith.constant 128 : i32
      %dma_wait3A_848 = tpu.memref_slice %arg5[%select_n3A_814, %select_n3A_830, %dma_wait3A_847] : memref<2x32x200xi32, #tpu.memory_space<vmem>> -> memref<1x1x72xi32, #tpu.memory_space<vmem>>
      %dma_wait3A_849 = tpu.memref_squeeze %dma_wait3A_848 : memref<1x1x72xi32, #tpu.memory_space<vmem>> -> memref<72xi32, #tpu.memory_space<vmem>>
      %dma_wait3A_850 = arith.constant 0 : i32
      %dma_wait3A_851 = arith.constant 0 : i32
      %dma_wait3A_852 = tpu.memref_slice %arg2[%dma_wait3A_850, %dma_wait3A_851] : memref<1000000x64xf32, #tpu.memory_space<hbm>> -> memref<1000000x64xf32, #tpu.memory_space<hbm>>
      tpu.wait_indirect_dma semaphore(%arg12 : memref<!tpu.dma_semaphore, #tpu.memory_space<semaphore_mem>>) src(%dma_wait3A_852 : memref<1000000x64xf32, #tpu.memory_space<hbm>>) dst(%dma_wait3A_846 : memref<72x64xf32, #tpu.memory_space<vmem>>)
      %add3A_853 = arith.addi %mul3A_2, %add3A_774 : i32
      %dma_start3A_854 = arith.constant 4 : i32
      %dma_start3A_855 = arith.constant 0 : i32
      %dma_start3A_856 = arith.constant 0 : i32
      %dma_start3A_857 = tpu.memref_slice %arg6[%dma_start3A_854, %dma_start3A_855, %dma_start3A_856] : memref<8x200x64xf32, #tpu.memory_space<vmem>> -> memref<1x200x64xf32, #tpu.memory_space<vmem>>
      %dma_start3A_858 = tpu.memref_squeeze %dma_start3A_857 : memref<1x200x64xf32, #tpu.memory_space<vmem>> -> memref<200x64xf32, #tpu.memory_space<vmem>>
      %dma_start3A_859 = arith.constant 0 : i32
      %dma_start3A_860 = arith.constant 0 : i32
      %dma_start3A_861 = tpu.memref_slice %arg4[%add3A_853, %dma_start3A_859, %dma_start3A_860] : memref<16384x200x128xf32, #tpu.memory_space<hbm>> -> memref<1x200x64xf32, #tpu.memory_space<hbm>>
      %dma_start3A_862 = tpu.memref_squeeze %dma_start3A_861 : memref<1x200x64xf32, #tpu.memory_space<hbm>> -> memref<200x64xf32, #tpu.memory_space<hbm>>
      %dma_start3A_863 = arith.constant 0 : i32
      %dma_start3A_864 = arith.constant 0 : i32
      %dma_start3A_865 = tpu.memref_slice %arg4[%add3A_853, %dma_start3A_863, %dma_start3A_864] : memref<16384x200x128xf32, #tpu.memory_space<hbm>> -> memref<1x200x64xf32, #tpu.memory_space<hbm>>
      %dma_start3A_866 = tpu.memref_squeeze %dma_start3A_865 : memref<1x200x64xf32, #tpu.memory_space<hbm>> -> memref<200x64xf32, #tpu.memory_space<hbm>>
      %dma_start3A_867 = arith.constant 0 : i32
      %dma_start3A_868 = arith.constant 0 : i32
      %dma_start3A_869 = tpu.memref_slice %arg6[%dma_start3A_854, %dma_start3A_867, %dma_start3A_868] : memref<8x200x64xf32, #tpu.memory_space<vmem>> -> memref<1x200x64xf32, #tpu.memory_space<vmem>>
      %dma_start3A_870 = tpu.memref_squeeze %dma_start3A_869 : memref<1x200x64xf32, #tpu.memory_space<vmem>> -> memref<200x64xf32, #tpu.memory_space<vmem>>
      tpu.enqueue_dma source(%dma_start3A_870 : memref<200x64xf32, #tpu.memory_space<vmem>>) target(%dma_start3A_866 : memref<200x64xf32, #tpu.memory_space<hbm>>) target_semaphore(%arg20 : memref<!tpu.dma_semaphore, #tpu.memory_space<semaphore_mem>>)
      %add3A_871 = arith.constant 6 : i32
      %add3A_872 = arith.addi %add3A_774, %add3A_871 : i32
      %lt3A_873 = arith.constant 512 : i32
      %lt3A_874 = arith.cmpi slt, %add3A_872, %lt3A_873 : i32
      %convert_element_type3A_875 = arith.extui %lt3A_874 : i1 to i32
      %cond3A_876 = arith.constant 0 : i32
      %cond3A_877 = arith.cmpi ne, %convert_element_type3A_875, %cond3A_876 : i32
      scf.if %cond3A_877 {
        %ge3A = arith.constant 8 : i32
        %ge3A_1193 = arith.cmpi sge, %add3A_872, %ge3A : i32
        %convert_element_type3A_1194 = arith.extui %ge3A_1193 : i1 to i32
        %cond3A_1195 = arith.constant 0 : i32
        %cond3A_1196 = arith.cmpi ne, %convert_element_type3A_1194, %cond3A_1195 : i32
        scf.if %cond3A_1196 {
          %sub3A_1296 = arith.constant 8 : i32
          %sub3A_1297 = arith.subi %add3A_872, %sub3A_1296 : i32
          %add3A_1298 = arith.addi %mul3A_2, %sub3A_1297 : i32
          %dma_wait3A_1299 = arith.constant 2 : i32
          %dma_wait3A_1300 = arith.constant 0 : i32
          %dma_wait3A_1301 = arith.constant 0 : i32
          %dma_wait3A_1302 = tpu.memref_slice %arg6[%dma_wait3A_1299, %dma_wait3A_1300, %dma_wait3A_1301] : memref<8x200x64xf32, #tpu.memory_space<vmem>> -> memref<1x200x64xf32, #tpu.memory_space<vmem>>
          %dma_wait3A_1303 = tpu.memref_squeeze %dma_wait3A_1302 : memref<1x200x64xf32, #tpu.memory_space<vmem>> -> memref<200x64xf32, #tpu.memory_space<vmem>>
          %dma_wait3A_1304 = arith.constant 0 : i32
          %dma_wait3A_1305 = arith.constant 0 : i32
          %dma_wait3A_1306 = tpu.memref_slice %arg4[%add3A_1298, %dma_wait3A_1304, %dma_wait3A_1305] : memref<16384x200x128xf32, #tpu.memory_space<hbm>> -> memref<1x200x64xf32, #tpu.memory_space<hbm>>
          %dma_wait3A_1307 = tpu.memref_squeeze %dma_wait3A_1306 : memref<1x200x64xf32, #tpu.memory_space<hbm>> -> memref<200x64xf32, #tpu.memory_space<hbm>>
          %dma_wait3A_1308 = arith.constant 0 : i32
          %dma_wait3A_1309 = arith.constant 0 : i32
          %dma_wait3A_1310 = tpu.memref_slice %arg4[%add3A_1298, %dma_wait3A_1308, %dma_wait3A_1309] : memref<16384x200x128xf32, #tpu.memory_space<hbm>> -> memref<1x200x64xf32, #tpu.memory_space<hbm>>
          %dma_wait3A_1311 = tpu.memref_squeeze %dma_wait3A_1310 : memref<1x200x64xf32, #tpu.memory_space<hbm>> -> memref<200x64xf32, #tpu.memory_space<hbm>>
          %dma_wait3A_1312 = arith.constant 0 : i32
          %dma_wait3A_1313 = arith.constant 0 : i32
          %dma_wait3A_1314 = tpu.memref_slice %arg6[%dma_wait3A_1299, %dma_wait3A_1312, %dma_wait3A_1313] : memref<8x200x64xf32, #tpu.memory_space<vmem>> -> memref<1x200x64xf32, #tpu.memory_space<vmem>>
          %dma_wait3A_1315 = tpu.memref_squeeze %dma_wait3A_1314 : memref<1x200x64xf32, #tpu.memory_space<vmem>> -> memref<200x64xf32, #tpu.memory_space<vmem>>
          tpu.wait_dma2 semaphore(%arg18 : memref<!tpu.dma_semaphore, #tpu.memory_space<semaphore_mem>>) src(%dma_wait3A_1315 : memref<200x64xf32, #tpu.memory_space<vmem>>) dst(%dma_wait3A_1311 : memref<200x64xf32, #tpu.memory_space<hbm>>)
        } else {
        }
        %jit3A_1197 = arith.constant 32 : i32
        %eq3A_1198 = arith.constant 0 : i32
        %eq3A_1199 = arith.cmpi eq, %jit3A_1197, %eq3A_1198 : i32
        %jit3A_1200 = arith.constant 1 : i32
        %select_n3A_1201 = arith.select %eq3A_1199, %jit3A_1200, %jit3A_1197 : i32
        %rem3A_1202 = arith.remsi %add3A_872, %select_n3A_1201 : i32
        %ne3A_1203 = arith.constant 0 : i32
        %ne3A_1204 = arith.cmpi ne, %rem3A_1202, %ne3A_1203 : i32
        %lt3A_1205 = arith.constant 0 : i32
        %lt3A_1206 = arith.cmpi slt, %rem3A_1202, %lt3A_1205 : i32
        %lt3A_1207 = arith.constant 0 : i32
        %lt3A_1208 = arith.cmpi slt, %select_n3A_1201, %lt3A_1207 : i32
        %ne3A_1209 = arith.xori %lt3A_1206, %lt3A_1208 : i1
        %and3A_1210 = arith.andi %ne3A_1209, %ne3A_1204 : i1
        %add3A_1211 = arith.addi %rem3A_1202, %select_n3A_1201 : i32
        %select_n3A_1212 = arith.select %and3A_1210, %add3A_1211, %rem3A_1202 : i32
        %eq3A_1213 = arith.constant 0 : i32
        %eq3A_1214 = arith.cmpi eq, %select_n3A_1212, %eq3A_1213 : i32
        %convert_element_type3A_1215 = arith.extui %eq3A_1214 : i1 to i32
        %cond3A_1216 = arith.constant 0 : i32
        %cond3A_1217 = arith.cmpi ne, %convert_element_type3A_1215, %cond3A_1216 : i32
        scf.if %cond3A_1217 {
          %jit3A_1296 = arith.constant 32 : i32
          %div3A_1297 = arith.divsi %add3A_872, %jit3A_1296 : i32
          %sign3A_1298 = arith.constant 0 : i32
          %sign3A_1299 = arith.cmpi sgt, %add3A_872, %sign3A_1298 : i32
          %sign3A_1300 = arith.extui %sign3A_1299 : i1 to i32
          %sign3A_1301 = arith.constant 0 : i32
          %sign3A_1302 = arith.cmpi slt, %add3A_872, %sign3A_1301 : i32
          %sign3A_1303 = arith.extui %sign3A_1302 : i1 to i32
          %sign3A_1304 = arith.subi %sign3A_1300, %sign3A_1303 : i32
          %sign3A_1305 = arith.constant 0 : i32
          %sign3A_1306 = arith.cmpi sgt, %jit3A_1296, %sign3A_1305 : i32
          %sign3A_1307 = arith.extui %sign3A_1306 : i1 to i32
          %sign3A_1308 = arith.constant 0 : i32
          %sign3A_1309 = arith.cmpi slt, %jit3A_1296, %sign3A_1308 : i32
          %sign3A_1310 = arith.extui %sign3A_1309 : i1 to i32
          %sign3A_1311 = arith.subi %sign3A_1307, %sign3A_1310 : i32
          %ne3A_1312 = arith.cmpi ne, %sign3A_1304, %sign3A_1311 : i32
          %rem3A_1313 = arith.remsi %add3A_872, %jit3A_1296 : i32
          %ne3A_1314 = arith.constant 0 : i32
          %ne3A_1315 = arith.cmpi ne, %rem3A_1313, %ne3A_1314 : i32
          %and3A_1316 = arith.andi %ne3A_1312, %ne3A_1315 : i1
          %sub3A_1317 = arith.constant 1 : i32
          %sub3A_1318 = arith.subi %div3A_1297, %sub3A_1317 : i32
          %select_n3A_1319 = arith.select %and3A_1316, %sub3A_1318, %div3A_1297 : i32
          %mul3A_1320 = arith.constant 32 : i32
          %mul3A_1321 = arith.muli %select_n3A_1319, %mul3A_1320 : i32
          %add3A_1322 = arith.addi %mul3A_2, %mul3A_1321 : i32
          %jit3A_1323 = arith.constant 2 : i32
          %eq3A_1324 = arith.constant 0 : i32
          %eq3A_1325 = arith.cmpi eq, %jit3A_1323, %eq3A_1324 : i32
          %jit3A_1326 = arith.constant 1 : i32
          %select_n3A_1327 = arith.select %eq3A_1325, %jit3A_1326, %jit3A_1323 : i32
          %rem3A_1328 = arith.remsi %select_n3A_1319, %select_n3A_1327 : i32
          %ne3A_1329 = arith.constant 0 : i32
          %ne3A_1330 = arith.cmpi ne, %rem3A_1328, %ne3A_1329 : i32
          %lt3A_1331 = arith.constant 0 : i32
          %lt3A_1332 = arith.cmpi slt, %rem3A_1328, %lt3A_1331 : i32
          %lt3A_1333 = arith.constant 0 : i32
          %lt3A_1334 = arith.cmpi slt, %select_n3A_1327, %lt3A_1333 : i32
          %ne3A_1335 = arith.xori %lt3A_1332, %lt3A_1334 : i1
          %and3A_1336 = arith.andi %ne3A_1335, %ne3A_1330 : i1
          %add3A_1337 = arith.addi %rem3A_1328, %select_n3A_1327 : i32
          %select_n3A_1338 = arith.select %and3A_1336, %add3A_1337, %rem3A_1328 : i32
          %dma_wait3A_1339 = arith.constant 0 : i32
          %dma_wait3A_1340 = arith.constant 0 : i32
          %dma_wait3A_1341 = tpu.memref_slice %arg5[%select_n3A_1338, %dma_wait3A_1339, %dma_wait3A_1340] : memref<2x32x200xi32, #tpu.memory_space<vmem>> -> memref<1x32x200xi32, #tpu.memory_space<vmem>>
          %dma_wait3A_1342 = tpu.memref_squeeze %dma_wait3A_1341 : memref<1x32x200xi32, #tpu.memory_space<vmem>> -> memref<32x200xi32, #tpu.memory_space<vmem>>
          %dma_wait3A_1343 = arith.constant 0 : i32
          %dma_wait3A_1344 = tpu.memref_slice %arg3[%add3A_1322, %dma_wait3A_1343] : memref<16384x200xi32, #tpu.memory_space<hbm>> -> memref<32x200xi32, #tpu.memory_space<hbm>>
          %dma_wait3A_1345 = arith.constant 0 : i32
          %dma_wait3A_1346 = arith.constant 0 : i32
          %dma_wait3A_1347 = tpu.memref_slice %arg5[%select_n3A_1338, %dma_wait3A_1345, %dma_wait3A_1346] : memref<2x32x200xi32, #tpu.memory_space<vmem>> -> memref<1x32x200xi32, #tpu.memory_space<vmem>>
          %dma_wait3A_1348 = tpu.memref_squeeze %dma_wait3A_1347 : memref<1x32x200xi32, #tpu.memory_space<vmem>> -> memref<32x200xi32, #tpu.memory_space<vmem>>
          %dma_wait3A_1349 = arith.constant 0 : i32
          %dma_wait3A_1350 = tpu.memref_slice %arg3[%add3A_1322, %dma_wait3A_1349] : memref<16384x200xi32, #tpu.memory_space<hbm>> -> memref<32x200xi32, #tpu.memory_space<hbm>>
          tpu.wait_dma2 semaphore(%arg7 : memref<!tpu.dma_semaphore, #tpu.memory_space<semaphore_mem>>) src(%dma_wait3A_1350 : memref<32x200xi32, #tpu.memory_space<hbm>>) dst(%dma_wait3A_1348 : memref<32x200xi32, #tpu.memory_space<vmem>>)
          %add3A_1351 = arith.constant 1 : i32
          %add3A_1352 = arith.addi %select_n3A_1319, %add3A_1351 : i32
          %lt3A_1353 = arith.constant 16 : i32
          %lt3A_1354 = arith.cmpi slt, %add3A_1352, %lt3A_1353 : i32
          %convert_element_type3A_1355 = arith.extui %lt3A_1354 : i1 to i32
          %cond3A_1356 = arith.constant 0 : i32
          %cond3A_1357 = arith.cmpi ne, %convert_element_type3A_1355, %cond3A_1356 : i32
          scf.if %cond3A_1357 {
            %add3A_1358 = arith.constant 1 : i32
            %add3A_1359 = arith.addi %select_n3A_1319, %add3A_1358 : i32
            %mul3A_1360 = arith.constant 32 : i32
            %mul3A_1361 = arith.muli %add3A_1359, %mul3A_1360 : i32
            %add3A_1362 = arith.addi %mul3A_2, %mul3A_1361 : i32
            %jit3A_1363 = arith.constant 2 : i32
            %eq3A_1364 = arith.constant 0 : i32
            %eq3A_1365 = arith.cmpi eq, %jit3A_1363, %eq3A_1364 : i32
            %jit3A_1366 = arith.constant 1 : i32
            %select_n3A_1367 = arith.select %eq3A_1365, %jit3A_1366, %jit3A_1363 : i32
            %rem3A_1368 = arith.remsi %add3A_1359, %select_n3A_1367 : i32
            %ne3A_1369 = arith.constant 0 : i32
            %ne3A_1370 = arith.cmpi ne, %rem3A_1368, %ne3A_1369 : i32
            %lt3A_1371 = arith.constant 0 : i32
            %lt3A_1372 = arith.cmpi slt, %rem3A_1368, %lt3A_1371 : i32
            %lt3A_1373 = arith.constant 0 : i32
            %lt3A_1374 = arith.cmpi slt, %select_n3A_1367, %lt3A_1373 : i32
            %ne3A_1375 = arith.xori %lt3A_1372, %lt3A_1374 : i1
            %and3A_1376 = arith.andi %ne3A_1375, %ne3A_1370 : i1
            %add3A_1377 = arith.addi %rem3A_1368, %select_n3A_1367 : i32
            %select_n3A_1378 = arith.select %and3A_1376, %add3A_1377, %rem3A_1368 : i32
            %dma_start3A_1379 = arith.constant 0 : i32
            %dma_start3A_1380 = arith.constant 0 : i32
            %dma_start3A_1381 = tpu.memref_slice %arg5[%select_n3A_1378, %dma_start3A_1379, %dma_start3A_1380] : memref<2x32x200xi32, #tpu.memory_space<vmem>> -> memref<1x32x200xi32, #tpu.memory_space<vmem>>
            %dma_start3A_1382 = tpu.memref_squeeze %dma_start3A_1381 : memref<1x32x200xi32, #tpu.memory_space<vmem>> -> memref<32x200xi32, #tpu.memory_space<vmem>>
            %dma_start3A_1383 = arith.constant 0 : i32
            %dma_start3A_1384 = tpu.memref_slice %arg3[%add3A_1362, %dma_start3A_1383] : memref<16384x200xi32, #tpu.memory_space<hbm>> -> memref<32x200xi32, #tpu.memory_space<hbm>>
            %dma_start3A_1385 = arith.constant 0 : i32
            %dma_start3A_1386 = arith.constant 0 : i32
            %dma_start3A_1387 = tpu.memref_slice %arg5[%select_n3A_1378, %dma_start3A_1385, %dma_start3A_1386] : memref<2x32x200xi32, #tpu.memory_space<vmem>> -> memref<1x32x200xi32, #tpu.memory_space<vmem>>
            %dma_start3A_1388 = tpu.memref_squeeze %dma_start3A_1387 : memref<1x32x200xi32, #tpu.memory_space<vmem>> -> memref<32x200xi32, #tpu.memory_space<vmem>>
            %dma_start3A_1389 = arith.constant 0 : i32
            %dma_start3A_1390 = tpu.memref_slice %arg3[%add3A_1362, %dma_start3A_1389] : memref<16384x200xi32, #tpu.memory_space<hbm>> -> memref<32x200xi32, #tpu.memory_space<hbm>>
            tpu.enqueue_dma source(%dma_start3A_1390 : memref<32x200xi32, #tpu.memory_space<hbm>>) target(%dma_start3A_1388 : memref<32x200xi32, #tpu.memory_space<vmem>>) target_semaphore(%arg7 : memref<!tpu.dma_semaphore, #tpu.memory_space<semaphore_mem>>)
          } else {
          }
        } else {
        }
        %jit3A_1218 = arith.constant 32 : i32
        %div3A_1219 = arith.divsi %add3A_872, %jit3A_1218 : i32
        %sign3A_1220 = arith.constant 0 : i32
        %sign3A_1221 = arith.cmpi sgt, %add3A_872, %sign3A_1220 : i32
        %sign3A_1222 = arith.extui %sign3A_1221 : i1 to i32
        %sign3A_1223 = arith.constant 0 : i32
        %sign3A_1224 = arith.cmpi slt, %add3A_872, %sign3A_1223 : i32
        %sign3A_1225 = arith.extui %sign3A_1224 : i1 to i32
        %sign3A_1226 = arith.subi %sign3A_1222, %sign3A_1225 : i32
        %sign3A_1227 = arith.constant 0 : i32
        %sign3A_1228 = arith.cmpi sgt, %jit3A_1218, %sign3A_1227 : i32
        %sign3A_1229 = arith.extui %sign3A_1228 : i1 to i32
        %sign3A_1230 = arith.constant 0 : i32
        %sign3A_1231 = arith.cmpi slt, %jit3A_1218, %sign3A_1230 : i32
        %sign3A_1232 = arith.extui %sign3A_1231 : i1 to i32
        %sign3A_1233 = arith.subi %sign3A_1229, %sign3A_1232 : i32
        %ne3A_1234 = arith.cmpi ne, %sign3A_1226, %sign3A_1233 : i32
        %rem3A_1235 = arith.remsi %add3A_872, %jit3A_1218 : i32
        %ne3A_1236 = arith.constant 0 : i32
        %ne3A_1237 = arith.cmpi ne, %rem3A_1235, %ne3A_1236 : i32
        %and3A_1238 = arith.andi %ne3A_1234, %ne3A_1237 : i1
        %sub3A_1239 = arith.constant 1 : i32
        %sub3A_1240 = arith.subi %div3A_1219, %sub3A_1239 : i32
        %select_n3A_1241 = arith.select %and3A_1238, %sub3A_1240, %div3A_1219 : i32
        %jit3A_1242 = arith.constant 2 : i32
        %eq3A_1243 = arith.constant 0 : i32
        %eq3A_1244 = arith.cmpi eq, %jit3A_1242, %eq3A_1243 : i32
        %jit3A_1245 = arith.constant 1 : i32
        %select_n3A_1246 = arith.select %eq3A_1244, %jit3A_1245, %jit3A_1242 : i32
        %rem3A_1247 = arith.remsi %select_n3A_1241, %select_n3A_1246 : i32
        %ne3A_1248 = arith.constant 0 : i32
        %ne3A_1249 = arith.cmpi ne, %rem3A_1247, %ne3A_1248 : i32
        %lt3A_1250 = arith.constant 0 : i32
        %lt3A_1251 = arith.cmpi slt, %rem3A_1247, %lt3A_1250 : i32
        %lt3A_1252 = arith.constant 0 : i32
        %lt3A_1253 = arith.cmpi slt, %select_n3A_1246, %lt3A_1252 : i32
        %ne3A_1254 = arith.xori %lt3A_1251, %lt3A_1253 : i1
        %and3A_1255 = arith.andi %ne3A_1254, %ne3A_1249 : i1
        %add3A_1256 = arith.addi %rem3A_1247, %select_n3A_1246 : i32
        %select_n3A_1257 = arith.select %and3A_1255, %add3A_1256, %rem3A_1247 : i32
        %jit3A_1258 = arith.constant 32 : i32
        %eq3A_1259 = arith.constant 0 : i32
        %eq3A_1260 = arith.cmpi eq, %jit3A_1258, %eq3A_1259 : i32
        %jit3A_1261 = arith.constant 1 : i32
        %select_n3A_1262 = arith.select %eq3A_1260, %jit3A_1261, %jit3A_1258 : i32
        %rem3A_1263 = arith.remsi %add3A_872, %select_n3A_1262 : i32
        %ne3A_1264 = arith.constant 0 : i32
        %ne3A_1265 = arith.cmpi ne, %rem3A_1263, %ne3A_1264 : i32
        %lt3A_1266 = arith.constant 0 : i32
        %lt3A_1267 = arith.cmpi slt, %rem3A_1263, %lt3A_1266 : i32
        %lt3A_1268 = arith.constant 0 : i32
        %lt3A_1269 = arith.cmpi slt, %select_n3A_1262, %lt3A_1268 : i32
        %ne3A_1270 = arith.xori %lt3A_1267, %lt3A_1269 : i1
        %and3A_1271 = arith.andi %ne3A_1270, %ne3A_1265 : i1
        %add3A_1272 = arith.addi %rem3A_1263, %select_n3A_1262 : i32
        %select_n3A_1273 = arith.select %and3A_1271, %add3A_1272, %rem3A_1263 : i32
        %dma_start3A_1274 = arith.constant 2 : i32
        %dma_start3A_1275 = arith.constant 0 : i32
        %dma_start3A_1276 = arith.constant 0 : i32
        %dma_start3A_1277 = tpu.memref_slice %arg6[%dma_start3A_1274, %dma_start3A_1275, %dma_start3A_1276] : memref<8x200x64xf32, #tpu.memory_space<vmem>> -> memref<1x128x64xf32, #tpu.memory_space<vmem>>
        %dma_start3A_1278 = tpu.memref_squeeze %dma_start3A_1277 : memref<1x128x64xf32, #tpu.memory_space<vmem>> -> memref<128x64xf32, #tpu.memory_space<vmem>>
        %dma_start3A_1279 = arith.constant 0 : i32
        %dma_start3A_1280 = tpu.memref_slice %arg5[%select_n3A_1257, %select_n3A_1273, %dma_start3A_1279] : memref<2x32x200xi32, #tpu.memory_space<vmem>> -> memref<1x1x128xi32, #tpu.memory_space<vmem>>
        %dma_start3A_1281 = tpu.memref_squeeze %dma_start3A_1280 : memref<1x1x128xi32, #tpu.memory_space<vmem>> -> memref<128xi32, #tpu.memory_space<vmem>>
        %dma_start3A_1282 = arith.constant 0 : i32
        %dma_start3A_1283 = arith.constant 0 : i32
        %dma_start3A_1284 = tpu.memref_slice %arg2[%dma_start3A_1282, %dma_start3A_1283] : memref<1000000x64xf32, #tpu.memory_space<hbm>> -> memref<1000000x64xf32, #tpu.memory_space<hbm>>
        tpu.enqueue_indirect_dma source(%dma_start3A_1284 : memref<1000000x64xf32, #tpu.memory_space<hbm>>) target(%dma_start3A_1278 : memref<128x64xf32, #tpu.memory_space<vmem>>) offsets(%dma_start3A_1281 : memref<128xi32, #tpu.memory_space<vmem>>) semaphore(%arg10 : memref<!tpu.dma_semaphore, #tpu.memory_space<semaphore_mem>>)
        %dma_start3A_1285 = arith.constant 2 : i32
        %dma_start3A_1286 = arith.constant 128 : i32
        %dma_start3A_1287 = arith.constant 0 : i32
        %dma_start3A_1288 = tpu.memref_slice %arg6[%dma_start3A_1285, %dma_start3A_1286, %dma_start3A_1287] : memref<8x200x64xf32, #tpu.memory_space<vmem>> -> memref<1x72x64xf32, #tpu.memory_space<vmem>>
        %dma_start3A_1289 = tpu.memref_squeeze %dma_start3A_1288 : memref<1x72x64xf32, #tpu.memory_space<vmem>> -> memref<72x64xf32, #tpu.memory_space<vmem>>
        %dma_start3A_1290 = arith.constant 128 : i32
        %dma_start3A_1291 = tpu.memref_slice %arg5[%select_n3A_1257, %select_n3A_1273, %dma_start3A_1290] : memref<2x32x200xi32, #tpu.memory_space<vmem>> -> memref<1x1x72xi32, #tpu.memory_space<vmem>>
        %dma_start3A_1292 = tpu.memref_squeeze %dma_start3A_1291 : memref<1x1x72xi32, #tpu.memory_space<vmem>> -> memref<72xi32, #tpu.memory_space<vmem>>
        %dma_start3A_1293 = arith.constant 0 : i32
        %dma_start3A_1294 = arith.constant 0 : i32
        %dma_start3A_1295 = tpu.memref_slice %arg2[%dma_start3A_1293, %dma_start3A_1294] : memref<1000000x64xf32, #tpu.memory_space<hbm>> -> memref<1000000x64xf32, #tpu.memory_space<hbm>>
        tpu.enqueue_indirect_dma source(%dma_start3A_1295 : memref<1000000x64xf32, #tpu.memory_space<hbm>>) target(%dma_start3A_1289 : memref<72x64xf32, #tpu.memory_space<vmem>>) offsets(%dma_start3A_1292 : memref<72xi32, #tpu.memory_space<vmem>>) semaphore(%arg10 : memref<!tpu.dma_semaphore, #tpu.memory_space<semaphore_mem>>)
      } else {
      }
      %add3A_878 = arith.constant 5 : i32
      %add3A_879 = arith.addi %mul3A_364, %add3A_878 : i32
      %jit3A_880 = arith.constant 32 : i32
      %div3A_881 = arith.divsi %add3A_879, %jit3A_880 : i32
      %sign3A_882 = arith.constant 0 : i32
      %sign3A_883 = arith.cmpi sgt, %add3A_879, %sign3A_882 : i32
      %sign3A_884 = arith.extui %sign3A_883 : i1 to i32
      %sign3A_885 = arith.constant 0 : i32
      %sign3A_886 = arith.cmpi slt, %add3A_879, %sign3A_885 : i32
      %sign3A_887 = arith.extui %sign3A_886 : i1 to i32
      %sign3A_888 = arith.subi %sign3A_884, %sign3A_887 : i32
      %sign3A_889 = arith.constant 0 : i32
      %sign3A_890 = arith.cmpi sgt, %jit3A_880, %sign3A_889 : i32
      %sign3A_891 = arith.extui %sign3A_890 : i1 to i32
      %sign3A_892 = arith.constant 0 : i32
      %sign3A_893 = arith.cmpi slt, %jit3A_880, %sign3A_892 : i32
      %sign3A_894 = arith.extui %sign3A_893 : i1 to i32
      %sign3A_895 = arith.subi %sign3A_891, %sign3A_894 : i32
      %ne3A_896 = arith.cmpi ne, %sign3A_888, %sign3A_895 : i32
      %rem3A_897 = arith.remsi %add3A_879, %jit3A_880 : i32
      %ne3A_898 = arith.constant 0 : i32
      %ne3A_899 = arith.cmpi ne, %rem3A_897, %ne3A_898 : i32
      %and3A_900 = arith.andi %ne3A_896, %ne3A_899 : i1
      %sub3A_901 = arith.constant 1 : i32
      %sub3A_902 = arith.subi %div3A_881, %sub3A_901 : i32
      %select_n3A_903 = arith.select %and3A_900, %sub3A_902, %div3A_881 : i32
      %jit3A_904 = arith.constant 2 : i32
      %eq3A_905 = arith.constant 0 : i32
      %eq3A_906 = arith.cmpi eq, %jit3A_904, %eq3A_905 : i32
      %jit3A_907 = arith.constant 1 : i32
      %select_n3A_908 = arith.select %eq3A_906, %jit3A_907, %jit3A_904 : i32
      %rem3A_909 = arith.remsi %select_n3A_903, %select_n3A_908 : i32
      %ne3A_910 = arith.constant 0 : i32
      %ne3A_911 = arith.cmpi ne, %rem3A_909, %ne3A_910 : i32
      %lt3A_912 = arith.constant 0 : i32
      %lt3A_913 = arith.cmpi slt, %rem3A_909, %lt3A_912 : i32
      %lt3A_914 = arith.constant 0 : i32
      %lt3A_915 = arith.cmpi slt, %select_n3A_908, %lt3A_914 : i32
      %ne3A_916 = arith.xori %lt3A_913, %lt3A_915 : i1
      %and3A_917 = arith.andi %ne3A_916, %ne3A_911 : i1
      %add3A_918 = arith.addi %rem3A_909, %select_n3A_908 : i32
      %select_n3A_919 = arith.select %and3A_917, %add3A_918, %rem3A_909 : i32
      %jit3A_920 = arith.constant 32 : i32
      %eq3A_921 = arith.constant 0 : i32
      %eq3A_922 = arith.cmpi eq, %jit3A_920, %eq3A_921 : i32
      %jit3A_923 = arith.constant 1 : i32
      %select_n3A_924 = arith.select %eq3A_922, %jit3A_923, %jit3A_920 : i32
      %rem3A_925 = arith.remsi %add3A_879, %select_n3A_924 : i32
      %ne3A_926 = arith.constant 0 : i32
      %ne3A_927 = arith.cmpi ne, %rem3A_925, %ne3A_926 : i32
      %lt3A_928 = arith.constant 0 : i32
      %lt3A_929 = arith.cmpi slt, %rem3A_925, %lt3A_928 : i32
      %lt3A_930 = arith.constant 0 : i32
      %lt3A_931 = arith.cmpi slt, %select_n3A_924, %lt3A_930 : i32
      %ne3A_932 = arith.xori %lt3A_929, %lt3A_931 : i1
      %and3A_933 = arith.andi %ne3A_932, %ne3A_927 : i1
      %add3A_934 = arith.addi %rem3A_925, %select_n3A_924 : i32
      %select_n3A_935 = arith.select %and3A_933, %add3A_934, %rem3A_925 : i32
      %dma_wait3A_936 = arith.constant 5 : i32
      %dma_wait3A_937 = arith.constant 0 : i32
      %dma_wait3A_938 = arith.constant 0 : i32
      %dma_wait3A_939 = tpu.memref_slice %arg6[%dma_wait3A_936, %dma_wait3A_937, %dma_wait3A_938] : memref<8x200x64xf32, #tpu.memory_space<vmem>> -> memref<1x128x64xf32, #tpu.memory_space<vmem>>
      %dma_wait3A_940 = tpu.memref_squeeze %dma_wait3A_939 : memref<1x128x64xf32, #tpu.memory_space<vmem>> -> memref<128x64xf32, #tpu.memory_space<vmem>>
      %dma_wait3A_941 = arith.constant 0 : i32
      %dma_wait3A_942 = tpu.memref_slice %arg5[%select_n3A_919, %select_n3A_935, %dma_wait3A_941] : memref<2x32x200xi32, #tpu.memory_space<vmem>> -> memref<1x1x128xi32, #tpu.memory_space<vmem>>
      %dma_wait3A_943 = tpu.memref_squeeze %dma_wait3A_942 : memref<1x1x128xi32, #tpu.memory_space<vmem>> -> memref<128xi32, #tpu.memory_space<vmem>>
      %dma_wait3A_944 = arith.constant 0 : i32
      %dma_wait3A_945 = arith.constant 0 : i32
      %dma_wait3A_946 = tpu.memref_slice %arg2[%dma_wait3A_944, %dma_wait3A_945] : memref<1000000x64xf32, #tpu.memory_space<hbm>> -> memref<1000000x64xf32, #tpu.memory_space<hbm>>
      tpu.wait_indirect_dma semaphore(%arg13 : memref<!tpu.dma_semaphore, #tpu.memory_space<semaphore_mem>>) src(%dma_wait3A_946 : memref<1000000x64xf32, #tpu.memory_space<hbm>>) dst(%dma_wait3A_940 : memref<128x64xf32, #tpu.memory_space<vmem>>)
      %dma_wait3A_947 = arith.constant 5 : i32
      %dma_wait3A_948 = arith.constant 128 : i32
      %dma_wait3A_949 = arith.constant 0 : i32
      %dma_wait3A_950 = tpu.memref_slice %arg6[%dma_wait3A_947, %dma_wait3A_948, %dma_wait3A_949] : memref<8x200x64xf32, #tpu.memory_space<vmem>> -> memref<1x72x64xf32, #tpu.memory_space<vmem>>
      %dma_wait3A_951 = tpu.memref_squeeze %dma_wait3A_950 : memref<1x72x64xf32, #tpu.memory_space<vmem>> -> memref<72x64xf32, #tpu.memory_space<vmem>>
      %dma_wait3A_952 = arith.constant 128 : i32
      %dma_wait3A_953 = tpu.memref_slice %arg5[%select_n3A_919, %select_n3A_935, %dma_wait3A_952] : memref<2x32x200xi32, #tpu.memory_space<vmem>> -> memref<1x1x72xi32, #tpu.memory_space<vmem>>
      %dma_wait3A_954 = tpu.memref_squeeze %dma_wait3A_953 : memref<1x1x72xi32, #tpu.memory_space<vmem>> -> memref<72xi32, #tpu.memory_space<vmem>>
      %dma_wait3A_955 = arith.constant 0 : i32
      %dma_wait3A_956 = arith.constant 0 : i32
      %dma_wait3A_957 = tpu.memref_slice %arg2[%dma_wait3A_955, %dma_wait3A_956] : memref<1000000x64xf32, #tpu.memory_space<hbm>> -> memref<1000000x64xf32, #tpu.memory_space<hbm>>
      tpu.wait_indirect_dma semaphore(%arg13 : memref<!tpu.dma_semaphore, #tpu.memory_space<semaphore_mem>>) src(%dma_wait3A_957 : memref<1000000x64xf32, #tpu.memory_space<hbm>>) dst(%dma_wait3A_951 : memref<72x64xf32, #tpu.memory_space<vmem>>)
      %add3A_958 = arith.addi %mul3A_2, %add3A_879 : i32
      %dma_start3A_959 = arith.constant 5 : i32
      %dma_start3A_960 = arith.constant 0 : i32
      %dma_start3A_961 = arith.constant 0 : i32
      %dma_start3A_962 = tpu.memref_slice %arg6[%dma_start3A_959, %dma_start3A_960, %dma_start3A_961] : memref<8x200x64xf32, #tpu.memory_space<vmem>> -> memref<1x200x64xf32, #tpu.memory_space<vmem>>
      %dma_start3A_963 = tpu.memref_squeeze %dma_start3A_962 : memref<1x200x64xf32, #tpu.memory_space<vmem>> -> memref<200x64xf32, #tpu.memory_space<vmem>>
      %dma_start3A_964 = arith.constant 0 : i32
      %dma_start3A_965 = arith.constant 0 : i32
      %dma_start3A_966 = tpu.memref_slice %arg4[%add3A_958, %dma_start3A_964, %dma_start3A_965] : memref<16384x200x128xf32, #tpu.memory_space<hbm>> -> memref<1x200x64xf32, #tpu.memory_space<hbm>>
      %dma_start3A_967 = tpu.memref_squeeze %dma_start3A_966 : memref<1x200x64xf32, #tpu.memory_space<hbm>> -> memref<200x64xf32, #tpu.memory_space<hbm>>
      %dma_start3A_968 = arith.constant 0 : i32
      %dma_start3A_969 = arith.constant 0 : i32
      %dma_start3A_970 = tpu.memref_slice %arg4[%add3A_958, %dma_start3A_968, %dma_start3A_969] : memref<16384x200x128xf32, #tpu.memory_space<hbm>> -> memref<1x200x64xf32, #tpu.memory_space<hbm>>
      %dma_start3A_971 = tpu.memref_squeeze %dma_start3A_970 : memref<1x200x64xf32, #tpu.memory_space<hbm>> -> memref<200x64xf32, #tpu.memory_space<hbm>>
      %dma_start3A_972 = arith.constant 0 : i32
      %dma_start3A_973 = arith.constant 0 : i32
      %dma_start3A_974 = tpu.memref_slice %arg6[%dma_start3A_959, %dma_start3A_972, %dma_start3A_973] : memref<8x200x64xf32, #tpu.memory_space<vmem>> -> memref<1x200x64xf32, #tpu.memory_space<vmem>>
      %dma_start3A_975 = tpu.memref_squeeze %dma_start3A_974 : memref<1x200x64xf32, #tpu.memory_space<vmem>> -> memref<200x64xf32, #tpu.memory_space<vmem>>
      tpu.enqueue_dma source(%dma_start3A_975 : memref<200x64xf32, #tpu.memory_space<vmem>>) target(%dma_start3A_971 : memref<200x64xf32, #tpu.memory_space<hbm>>) target_semaphore(%arg21 : memref<!tpu.dma_semaphore, #tpu.memory_space<semaphore_mem>>)
      %add3A_976 = arith.constant 6 : i32
      %add3A_977 = arith.addi %add3A_879, %add3A_976 : i32
      %lt3A_978 = arith.constant 512 : i32
      %lt3A_979 = arith.cmpi slt, %add3A_977, %lt3A_978 : i32
      %convert_element_type3A_980 = arith.extui %lt3A_979 : i1 to i32
      %cond3A_981 = arith.constant 0 : i32
      %cond3A_982 = arith.cmpi ne, %convert_element_type3A_980, %cond3A_981 : i32
      scf.if %cond3A_982 {
        %ge3A = arith.constant 8 : i32
        %ge3A_1193 = arith.cmpi sge, %add3A_977, %ge3A : i32
        %convert_element_type3A_1194 = arith.extui %ge3A_1193 : i1 to i32
        %cond3A_1195 = arith.constant 0 : i32
        %cond3A_1196 = arith.cmpi ne, %convert_element_type3A_1194, %cond3A_1195 : i32
        scf.if %cond3A_1196 {
          %sub3A_1296 = arith.constant 8 : i32
          %sub3A_1297 = arith.subi %add3A_977, %sub3A_1296 : i32
          %add3A_1298 = arith.addi %mul3A_2, %sub3A_1297 : i32
          %dma_wait3A_1299 = arith.constant 3 : i32
          %dma_wait3A_1300 = arith.constant 0 : i32
          %dma_wait3A_1301 = arith.constant 0 : i32
          %dma_wait3A_1302 = tpu.memref_slice %arg6[%dma_wait3A_1299, %dma_wait3A_1300, %dma_wait3A_1301] : memref<8x200x64xf32, #tpu.memory_space<vmem>> -> memref<1x200x64xf32, #tpu.memory_space<vmem>>
          %dma_wait3A_1303 = tpu.memref_squeeze %dma_wait3A_1302 : memref<1x200x64xf32, #tpu.memory_space<vmem>> -> memref<200x64xf32, #tpu.memory_space<vmem>>
          %dma_wait3A_1304 = arith.constant 0 : i32
          %dma_wait3A_1305 = arith.constant 0 : i32
          %dma_wait3A_1306 = tpu.memref_slice %arg4[%add3A_1298, %dma_wait3A_1304, %dma_wait3A_1305] : memref<16384x200x128xf32, #tpu.memory_space<hbm>> -> memref<1x200x64xf32, #tpu.memory_space<hbm>>
          %dma_wait3A_1307 = tpu.memref_squeeze %dma_wait3A_1306 : memref<1x200x64xf32, #tpu.memory_space<hbm>> -> memref<200x64xf32, #tpu.memory_space<hbm>>
          %dma_wait3A_1308 = arith.constant 0 : i32
          %dma_wait3A_1309 = arith.constant 0 : i32
          %dma_wait3A_1310 = tpu.memref_slice %arg4[%add3A_1298, %dma_wait3A_1308, %dma_wait3A_1309] : memref<16384x200x128xf32, #tpu.memory_space<hbm>> -> memref<1x200x64xf32, #tpu.memory_space<hbm>>
          %dma_wait3A_1311 = tpu.memref_squeeze %dma_wait3A_1310 : memref<1x200x64xf32, #tpu.memory_space<hbm>> -> memref<200x64xf32, #tpu.memory_space<hbm>>
          %dma_wait3A_1312 = arith.constant 0 : i32
          %dma_wait3A_1313 = arith.constant 0 : i32
          %dma_wait3A_1314 = tpu.memref_slice %arg6[%dma_wait3A_1299, %dma_wait3A_1312, %dma_wait3A_1313] : memref<8x200x64xf32, #tpu.memory_space<vmem>> -> memref<1x200x64xf32, #tpu.memory_space<vmem>>
          %dma_wait3A_1315 = tpu.memref_squeeze %dma_wait3A_1314 : memref<1x200x64xf32, #tpu.memory_space<vmem>> -> memref<200x64xf32, #tpu.memory_space<vmem>>
          tpu.wait_dma2 semaphore(%arg19 : memref<!tpu.dma_semaphore, #tpu.memory_space<semaphore_mem>>) src(%dma_wait3A_1315 : memref<200x64xf32, #tpu.memory_space<vmem>>) dst(%dma_wait3A_1311 : memref<200x64xf32, #tpu.memory_space<hbm>>)
        } else {
        }
        %jit3A_1197 = arith.constant 32 : i32
        %eq3A_1198 = arith.constant 0 : i32
        %eq3A_1199 = arith.cmpi eq, %jit3A_1197, %eq3A_1198 : i32
        %jit3A_1200 = arith.constant 1 : i32
        %select_n3A_1201 = arith.select %eq3A_1199, %jit3A_1200, %jit3A_1197 : i32
        %rem3A_1202 = arith.remsi %add3A_977, %select_n3A_1201 : i32
        %ne3A_1203 = arith.constant 0 : i32
        %ne3A_1204 = arith.cmpi ne, %rem3A_1202, %ne3A_1203 : i32
        %lt3A_1205 = arith.constant 0 : i32
        %lt3A_1206 = arith.cmpi slt, %rem3A_1202, %lt3A_1205 : i32
        %lt3A_1207 = arith.constant 0 : i32
        %lt3A_1208 = arith.cmpi slt, %select_n3A_1201, %lt3A_1207 : i32
        %ne3A_1209 = arith.xori %lt3A_1206, %lt3A_1208 : i1
        %and3A_1210 = arith.andi %ne3A_1209, %ne3A_1204 : i1
        %add3A_1211 = arith.addi %rem3A_1202, %select_n3A_1201 : i32
        %select_n3A_1212 = arith.select %and3A_1210, %add3A_1211, %rem3A_1202 : i32
        %eq3A_1213 = arith.constant 0 : i32
        %eq3A_1214 = arith.cmpi eq, %select_n3A_1212, %eq3A_1213 : i32
        %convert_element_type3A_1215 = arith.extui %eq3A_1214 : i1 to i32
        %cond3A_1216 = arith.constant 0 : i32
        %cond3A_1217 = arith.cmpi ne, %convert_element_type3A_1215, %cond3A_1216 : i32
        scf.if %cond3A_1217 {
          %jit3A_1296 = arith.constant 32 : i32
          %div3A_1297 = arith.divsi %add3A_977, %jit3A_1296 : i32
          %sign3A_1298 = arith.constant 0 : i32
          %sign3A_1299 = arith.cmpi sgt, %add3A_977, %sign3A_1298 : i32
          %sign3A_1300 = arith.extui %sign3A_1299 : i1 to i32
          %sign3A_1301 = arith.constant 0 : i32
          %sign3A_1302 = arith.cmpi slt, %add3A_977, %sign3A_1301 : i32
          %sign3A_1303 = arith.extui %sign3A_1302 : i1 to i32
          %sign3A_1304 = arith.subi %sign3A_1300, %sign3A_1303 : i32
          %sign3A_1305 = arith.constant 0 : i32
          %sign3A_1306 = arith.cmpi sgt, %jit3A_1296, %sign3A_1305 : i32
          %sign3A_1307 = arith.extui %sign3A_1306 : i1 to i32
          %sign3A_1308 = arith.constant 0 : i32
          %sign3A_1309 = arith.cmpi slt, %jit3A_1296, %sign3A_1308 : i32
          %sign3A_1310 = arith.extui %sign3A_1309 : i1 to i32
          %sign3A_1311 = arith.subi %sign3A_1307, %sign3A_1310 : i32
          %ne3A_1312 = arith.cmpi ne, %sign3A_1304, %sign3A_1311 : i32
          %rem3A_1313 = arith.remsi %add3A_977, %jit3A_1296 : i32
          %ne3A_1314 = arith.constant 0 : i32
          %ne3A_1315 = arith.cmpi ne, %rem3A_1313, %ne3A_1314 : i32
          %and3A_1316 = arith.andi %ne3A_1312, %ne3A_1315 : i1
          %sub3A_1317 = arith.constant 1 : i32
          %sub3A_1318 = arith.subi %div3A_1297, %sub3A_1317 : i32
          %select_n3A_1319 = arith.select %and3A_1316, %sub3A_1318, %div3A_1297 : i32
          %mul3A_1320 = arith.constant 32 : i32
          %mul3A_1321 = arith.muli %select_n3A_1319, %mul3A_1320 : i32
          %add3A_1322 = arith.addi %mul3A_2, %mul3A_1321 : i32
          %jit3A_1323 = arith.constant 2 : i32
          %eq3A_1324 = arith.constant 0 : i32
          %eq3A_1325 = arith.cmpi eq, %jit3A_1323, %eq3A_1324 : i32
          %jit3A_1326 = arith.constant 1 : i32
          %select_n3A_1327 = arith.select %eq3A_1325, %jit3A_1326, %jit3A_1323 : i32
          %rem3A_1328 = arith.remsi %select_n3A_1319, %select_n3A_1327 : i32
          %ne3A_1329 = arith.constant 0 : i32
          %ne3A_1330 = arith.cmpi ne, %rem3A_1328, %ne3A_1329 : i32
          %lt3A_1331 = arith.constant 0 : i32
          %lt3A_1332 = arith.cmpi slt, %rem3A_1328, %lt3A_1331 : i32
          %lt3A_1333 = arith.constant 0 : i32
          %lt3A_1334 = arith.cmpi slt, %select_n3A_1327, %lt3A_1333 : i32
          %ne3A_1335 = arith.xori %lt3A_1332, %lt3A_1334 : i1
          %and3A_1336 = arith.andi %ne3A_1335, %ne3A_1330 : i1
          %add3A_1337 = arith.addi %rem3A_1328, %select_n3A_1327 : i32
          %select_n3A_1338 = arith.select %and3A_1336, %add3A_1337, %rem3A_1328 : i32
          %dma_wait3A_1339 = arith.constant 0 : i32
          %dma_wait3A_1340 = arith.constant 0 : i32
          %dma_wait3A_1341 = tpu.memref_slice %arg5[%select_n3A_1338, %dma_wait3A_1339, %dma_wait3A_1340] : memref<2x32x200xi32, #tpu.memory_space<vmem>> -> memref<1x32x200xi32, #tpu.memory_space<vmem>>
          %dma_wait3A_1342 = tpu.memref_squeeze %dma_wait3A_1341 : memref<1x32x200xi32, #tpu.memory_space<vmem>> -> memref<32x200xi32, #tpu.memory_space<vmem>>
          %dma_wait3A_1343 = arith.constant 0 : i32
          %dma_wait3A_1344 = tpu.memref_slice %arg3[%add3A_1322, %dma_wait3A_1343] : memref<16384x200xi32, #tpu.memory_space<hbm>> -> memref<32x200xi32, #tpu.memory_space<hbm>>
          %dma_wait3A_1345 = arith.constant 0 : i32
          %dma_wait3A_1346 = arith.constant 0 : i32
          %dma_wait3A_1347 = tpu.memref_slice %arg5[%select_n3A_1338, %dma_wait3A_1345, %dma_wait3A_1346] : memref<2x32x200xi32, #tpu.memory_space<vmem>> -> memref<1x32x200xi32, #tpu.memory_space<vmem>>
          %dma_wait3A_1348 = tpu.memref_squeeze %dma_wait3A_1347 : memref<1x32x200xi32, #tpu.memory_space<vmem>> -> memref<32x200xi32, #tpu.memory_space<vmem>>
          %dma_wait3A_1349 = arith.constant 0 : i32
          %dma_wait3A_1350 = tpu.memref_slice %arg3[%add3A_1322, %dma_wait3A_1349] : memref<16384x200xi32, #tpu.memory_space<hbm>> -> memref<32x200xi32, #tpu.memory_space<hbm>>
          tpu.wait_dma2 semaphore(%arg7 : memref<!tpu.dma_semaphore, #tpu.memory_space<semaphore_mem>>) src(%dma_wait3A_1350 : memref<32x200xi32, #tpu.memory_space<hbm>>) dst(%dma_wait3A_1348 : memref<32x200xi32, #tpu.memory_space<vmem>>)
          %add3A_1351 = arith.constant 1 : i32
          %add3A_1352 = arith.addi %select_n3A_1319, %add3A_1351 : i32
          %lt3A_1353 = arith.constant 16 : i32
          %lt3A_1354 = arith.cmpi slt, %add3A_1352, %lt3A_1353 : i32
          %convert_element_type3A_1355 = arith.extui %lt3A_1354 : i1 to i32
          %cond3A_1356 = arith.constant 0 : i32
          %cond3A_1357 = arith.cmpi ne, %convert_element_type3A_1355, %cond3A_1356 : i32
          scf.if %cond3A_1357 {
            %add3A_1358 = arith.constant 1 : i32
            %add3A_1359 = arith.addi %select_n3A_1319, %add3A_1358 : i32
            %mul3A_1360 = arith.constant 32 : i32
            %mul3A_1361 = arith.muli %add3A_1359, %mul3A_1360 : i32
            %add3A_1362 = arith.addi %mul3A_2, %mul3A_1361 : i32
            %jit3A_1363 = arith.constant 2 : i32
            %eq3A_1364 = arith.constant 0 : i32
            %eq3A_1365 = arith.cmpi eq, %jit3A_1363, %eq3A_1364 : i32
            %jit3A_1366 = arith.constant 1 : i32
            %select_n3A_1367 = arith.select %eq3A_1365, %jit3A_1366, %jit3A_1363 : i32
            %rem3A_1368 = arith.remsi %add3A_1359, %select_n3A_1367 : i32
            %ne3A_1369 = arith.constant 0 : i32
            %ne3A_1370 = arith.cmpi ne, %rem3A_1368, %ne3A_1369 : i32
            %lt3A_1371 = arith.constant 0 : i32
            %lt3A_1372 = arith.cmpi slt, %rem3A_1368, %lt3A_1371 : i32
            %lt3A_1373 = arith.constant 0 : i32
            %lt3A_1374 = arith.cmpi slt, %select_n3A_1367, %lt3A_1373 : i32
            %ne3A_1375 = arith.xori %lt3A_1372, %lt3A_1374 : i1
            %and3A_1376 = arith.andi %ne3A_1375, %ne3A_1370 : i1
            %add3A_1377 = arith.addi %rem3A_1368, %select_n3A_1367 : i32
            %select_n3A_1378 = arith.select %and3A_1376, %add3A_1377, %rem3A_1368 : i32
            %dma_start3A_1379 = arith.constant 0 : i32
            %dma_start3A_1380 = arith.constant 0 : i32
            %dma_start3A_1381 = tpu.memref_slice %arg5[%select_n3A_1378, %dma_start3A_1379, %dma_start3A_1380] : memref<2x32x200xi32, #tpu.memory_space<vmem>> -> memref<1x32x200xi32, #tpu.memory_space<vmem>>
            %dma_start3A_1382 = tpu.memref_squeeze %dma_start3A_1381 : memref<1x32x200xi32, #tpu.memory_space<vmem>> -> memref<32x200xi32, #tpu.memory_space<vmem>>
            %dma_start3A_1383 = arith.constant 0 : i32
            %dma_start3A_1384 = tpu.memref_slice %arg3[%add3A_1362, %dma_start3A_1383] : memref<16384x200xi32, #tpu.memory_space<hbm>> -> memref<32x200xi32, #tpu.memory_space<hbm>>
            %dma_start3A_1385 = arith.constant 0 : i32
            %dma_start3A_1386 = arith.constant 0 : i32
            %dma_start3A_1387 = tpu.memref_slice %arg5[%select_n3A_1378, %dma_start3A_1385, %dma_start3A_1386] : memref<2x32x200xi32, #tpu.memory_space<vmem>> -> memref<1x32x200xi32, #tpu.memory_space<vmem>>
            %dma_start3A_1388 = tpu.memref_squeeze %dma_start3A_1387 : memref<1x32x200xi32, #tpu.memory_space<vmem>> -> memref<32x200xi32, #tpu.memory_space<vmem>>
            %dma_start3A_1389 = arith.constant 0 : i32
            %dma_start3A_1390 = tpu.memref_slice %arg3[%add3A_1362, %dma_start3A_1389] : memref<16384x200xi32, #tpu.memory_space<hbm>> -> memref<32x200xi32, #tpu.memory_space<hbm>>
            tpu.enqueue_dma source(%dma_start3A_1390 : memref<32x200xi32, #tpu.memory_space<hbm>>) target(%dma_start3A_1388 : memref<32x200xi32, #tpu.memory_space<vmem>>) target_semaphore(%arg7 : memref<!tpu.dma_semaphore, #tpu.memory_space<semaphore_mem>>)
          } else {
          }
        } else {
        }
        %jit3A_1218 = arith.constant 32 : i32
        %div3A_1219 = arith.divsi %add3A_977, %jit3A_1218 : i32
        %sign3A_1220 = arith.constant 0 : i32
        %sign3A_1221 = arith.cmpi sgt, %add3A_977, %sign3A_1220 : i32
        %sign3A_1222 = arith.extui %sign3A_1221 : i1 to i32
        %sign3A_1223 = arith.constant 0 : i32
        %sign3A_1224 = arith.cmpi slt, %add3A_977, %sign3A_1223 : i32
        %sign3A_1225 = arith.extui %sign3A_1224 : i1 to i32
        %sign3A_1226 = arith.subi %sign3A_1222, %sign3A_1225 : i32
        %sign3A_1227 = arith.constant 0 : i32
        %sign3A_1228 = arith.cmpi sgt, %jit3A_1218, %sign3A_1227 : i32
        %sign3A_1229 = arith.extui %sign3A_1228 : i1 to i32
        %sign3A_1230 = arith.constant 0 : i32
        %sign3A_1231 = arith.cmpi slt, %jit3A_1218, %sign3A_1230 : i32
        %sign3A_1232 = arith.extui %sign3A_1231 : i1 to i32
        %sign3A_1233 = arith.subi %sign3A_1229, %sign3A_1232 : i32
        %ne3A_1234 = arith.cmpi ne, %sign3A_1226, %sign3A_1233 : i32
        %rem3A_1235 = arith.remsi %add3A_977, %jit3A_1218 : i32
        %ne3A_1236 = arith.constant 0 : i32
        %ne3A_1237 = arith.cmpi ne, %rem3A_1235, %ne3A_1236 : i32
        %and3A_1238 = arith.andi %ne3A_1234, %ne3A_1237 : i1
        %sub3A_1239 = arith.constant 1 : i32
        %sub3A_1240 = arith.subi %div3A_1219, %sub3A_1239 : i32
        %select_n3A_1241 = arith.select %and3A_1238, %sub3A_1240, %div3A_1219 : i32
        %jit3A_1242 = arith.constant 2 : i32
        %eq3A_1243 = arith.constant 0 : i32
        %eq3A_1244 = arith.cmpi eq, %jit3A_1242, %eq3A_1243 : i32
        %jit3A_1245 = arith.constant 1 : i32
        %select_n3A_1246 = arith.select %eq3A_1244, %jit3A_1245, %jit3A_1242 : i32
        %rem3A_1247 = arith.remsi %select_n3A_1241, %select_n3A_1246 : i32
        %ne3A_1248 = arith.constant 0 : i32
        %ne3A_1249 = arith.cmpi ne, %rem3A_1247, %ne3A_1248 : i32
        %lt3A_1250 = arith.constant 0 : i32
        %lt3A_1251 = arith.cmpi slt, %rem3A_1247, %lt3A_1250 : i32
        %lt3A_1252 = arith.constant 0 : i32
        %lt3A_1253 = arith.cmpi slt, %select_n3A_1246, %lt3A_1252 : i32
        %ne3A_1254 = arith.xori %lt3A_1251, %lt3A_1253 : i1
        %and3A_1255 = arith.andi %ne3A_1254, %ne3A_1249 : i1
        %add3A_1256 = arith.addi %rem3A_1247, %select_n3A_1246 : i32
        %select_n3A_1257 = arith.select %and3A_1255, %add3A_1256, %rem3A_1247 : i32
        %jit3A_1258 = arith.constant 32 : i32
        %eq3A_1259 = arith.constant 0 : i32
        %eq3A_1260 = arith.cmpi eq, %jit3A_1258, %eq3A_1259 : i32
        %jit3A_1261 = arith.constant 1 : i32
        %select_n3A_1262 = arith.select %eq3A_1260, %jit3A_1261, %jit3A_1258 : i32
        %rem3A_1263 = arith.remsi %add3A_977, %select_n3A_1262 : i32
        %ne3A_1264 = arith.constant 0 : i32
        %ne3A_1265 = arith.cmpi ne, %rem3A_1263, %ne3A_1264 : i32
        %lt3A_1266 = arith.constant 0 : i32
        %lt3A_1267 = arith.cmpi slt, %rem3A_1263, %lt3A_1266 : i32
        %lt3A_1268 = arith.constant 0 : i32
        %lt3A_1269 = arith.cmpi slt, %select_n3A_1262, %lt3A_1268 : i32
        %ne3A_1270 = arith.xori %lt3A_1267, %lt3A_1269 : i1
        %and3A_1271 = arith.andi %ne3A_1270, %ne3A_1265 : i1
        %add3A_1272 = arith.addi %rem3A_1263, %select_n3A_1262 : i32
        %select_n3A_1273 = arith.select %and3A_1271, %add3A_1272, %rem3A_1263 : i32
        %dma_start3A_1274 = arith.constant 3 : i32
        %dma_start3A_1275 = arith.constant 0 : i32
        %dma_start3A_1276 = arith.constant 0 : i32
        %dma_start3A_1277 = tpu.memref_slice %arg6[%dma_start3A_1274, %dma_start3A_1275, %dma_start3A_1276] : memref<8x200x64xf32, #tpu.memory_space<vmem>> -> memref<1x128x64xf32, #tpu.memory_space<vmem>>
        %dma_start3A_1278 = tpu.memref_squeeze %dma_start3A_1277 : memref<1x128x64xf32, #tpu.memory_space<vmem>> -> memref<128x64xf32, #tpu.memory_space<vmem>>
        %dma_start3A_1279 = arith.constant 0 : i32
        %dma_start3A_1280 = tpu.memref_slice %arg5[%select_n3A_1257, %select_n3A_1273, %dma_start3A_1279] : memref<2x32x200xi32, #tpu.memory_space<vmem>> -> memref<1x1x128xi32, #tpu.memory_space<vmem>>
        %dma_start3A_1281 = tpu.memref_squeeze %dma_start3A_1280 : memref<1x1x128xi32, #tpu.memory_space<vmem>> -> memref<128xi32, #tpu.memory_space<vmem>>
        %dma_start3A_1282 = arith.constant 0 : i32
        %dma_start3A_1283 = arith.constant 0 : i32
        %dma_start3A_1284 = tpu.memref_slice %arg2[%dma_start3A_1282, %dma_start3A_1283] : memref<1000000x64xf32, #tpu.memory_space<hbm>> -> memref<1000000x64xf32, #tpu.memory_space<hbm>>
        tpu.enqueue_indirect_dma source(%dma_start3A_1284 : memref<1000000x64xf32, #tpu.memory_space<hbm>>) target(%dma_start3A_1278 : memref<128x64xf32, #tpu.memory_space<vmem>>) offsets(%dma_start3A_1281 : memref<128xi32, #tpu.memory_space<vmem>>) semaphore(%arg11 : memref<!tpu.dma_semaphore, #tpu.memory_space<semaphore_mem>>)
        %dma_start3A_1285 = arith.constant 3 : i32
        %dma_start3A_1286 = arith.constant 128 : i32
        %dma_start3A_1287 = arith.constant 0 : i32
        %dma_start3A_1288 = tpu.memref_slice %arg6[%dma_start3A_1285, %dma_start3A_1286, %dma_start3A_1287] : memref<8x200x64xf32, #tpu.memory_space<vmem>> -> memref<1x72x64xf32, #tpu.memory_space<vmem>>
        %dma_start3A_1289 = tpu.memref_squeeze %dma_start3A_1288 : memref<1x72x64xf32, #tpu.memory_space<vmem>> -> memref<72x64xf32, #tpu.memory_space<vmem>>
        %dma_start3A_1290 = arith.constant 128 : i32
        %dma_start3A_1291 = tpu.memref_slice %arg5[%select_n3A_1257, %select_n3A_1273, %dma_start3A_1290] : memref<2x32x200xi32, #tpu.memory_space<vmem>> -> memref<1x1x72xi32, #tpu.memory_space<vmem>>
        %dma_start3A_1292 = tpu.memref_squeeze %dma_start3A_1291 : memref<1x1x72xi32, #tpu.memory_space<vmem>> -> memref<72xi32, #tpu.memory_space<vmem>>
        %dma_start3A_1293 = arith.constant 0 : i32
        %dma_start3A_1294 = arith.constant 0 : i32
        %dma_start3A_1295 = tpu.memref_slice %arg2[%dma_start3A_1293, %dma_start3A_1294] : memref<1000000x64xf32, #tpu.memory_space<hbm>> -> memref<1000000x64xf32, #tpu.memory_space<hbm>>
        tpu.enqueue_indirect_dma source(%dma_start3A_1295 : memref<1000000x64xf32, #tpu.memory_space<hbm>>) target(%dma_start3A_1289 : memref<72x64xf32, #tpu.memory_space<vmem>>) offsets(%dma_start3A_1292 : memref<72xi32, #tpu.memory_space<vmem>>) semaphore(%arg11 : memref<!tpu.dma_semaphore, #tpu.memory_space<semaphore_mem>>)
      } else {
      }
      %add3A_983 = arith.constant 6 : i32
      %add3A_984 = arith.addi %mul3A_364, %add3A_983 : i32
      %jit3A_985 = arith.constant 32 : i32
      %div3A_986 = arith.divsi %add3A_984, %jit3A_985 : i32
      %sign3A_987 = arith.constant 0 : i32
      %sign3A_988 = arith.cmpi sgt, %add3A_984, %sign3A_987 : i32
      %sign3A_989 = arith.extui %sign3A_988 : i1 to i32
      %sign3A_990 = arith.constant 0 : i32
      %sign3A_991 = arith.cmpi slt, %add3A_984, %sign3A_990 : i32
      %sign3A_992 = arith.extui %sign3A_991 : i1 to i32
      %sign3A_993 = arith.subi %sign3A_989, %sign3A_992 : i32
      %sign3A_994 = arith.constant 0 : i32
      %sign3A_995 = arith.cmpi sgt, %jit3A_985, %sign3A_994 : i32
      %sign3A_996 = arith.extui %sign3A_995 : i1 to i32
      %sign3A_997 = arith.constant 0 : i32
      %sign3A_998 = arith.cmpi slt, %jit3A_985, %sign3A_997 : i32
      %sign3A_999 = arith.extui %sign3A_998 : i1 to i32
      %sign3A_1000 = arith.subi %sign3A_996, %sign3A_999 : i32
      %ne3A_1001 = arith.cmpi ne, %sign3A_993, %sign3A_1000 : i32
      %rem3A_1002 = arith.remsi %add3A_984, %jit3A_985 : i32
      %ne3A_1003 = arith.constant 0 : i32
      %ne3A_1004 = arith.cmpi ne, %rem3A_1002, %ne3A_1003 : i32
      %and3A_1005 = arith.andi %ne3A_1001, %ne3A_1004 : i1
      %sub3A_1006 = arith.constant 1 : i32
      %sub3A_1007 = arith.subi %div3A_986, %sub3A_1006 : i32
      %select_n3A_1008 = arith.select %and3A_1005, %sub3A_1007, %div3A_986 : i32
      %jit3A_1009 = arith.constant 2 : i32
      %eq3A_1010 = arith.constant 0 : i32
      %eq3A_1011 = arith.cmpi eq, %jit3A_1009, %eq3A_1010 : i32
      %jit3A_1012 = arith.constant 1 : i32
      %select_n3A_1013 = arith.select %eq3A_1011, %jit3A_1012, %jit3A_1009 : i32
      %rem3A_1014 = arith.remsi %select_n3A_1008, %select_n3A_1013 : i32
      %ne3A_1015 = arith.constant 0 : i32
      %ne3A_1016 = arith.cmpi ne, %rem3A_1014, %ne3A_1015 : i32
      %lt3A_1017 = arith.constant 0 : i32
      %lt3A_1018 = arith.cmpi slt, %rem3A_1014, %lt3A_1017 : i32
      %lt3A_1019 = arith.constant 0 : i32
      %lt3A_1020 = arith.cmpi slt, %select_n3A_1013, %lt3A_1019 : i32
      %ne3A_1021 = arith.xori %lt3A_1018, %lt3A_1020 : i1
      %and3A_1022 = arith.andi %ne3A_1021, %ne3A_1016 : i1
      %add3A_1023 = arith.addi %rem3A_1014, %select_n3A_1013 : i32
      %select_n3A_1024 = arith.select %and3A_1022, %add3A_1023, %rem3A_1014 : i32
      %jit3A_1025 = arith.constant 32 : i32
      %eq3A_1026 = arith.constant 0 : i32
      %eq3A_1027 = arith.cmpi eq, %jit3A_1025, %eq3A_1026 : i32
      %jit3A_1028 = arith.constant 1 : i32
      %select_n3A_1029 = arith.select %eq3A_1027, %jit3A_1028, %jit3A_1025 : i32
      %rem3A_1030 = arith.remsi %add3A_984, %select_n3A_1029 : i32
      %ne3A_1031 = arith.constant 0 : i32
      %ne3A_1032 = arith.cmpi ne, %rem3A_1030, %ne3A_1031 : i32
      %lt3A_1033 = arith.constant 0 : i32
      %lt3A_1034 = arith.cmpi slt, %rem3A_1030, %lt3A_1033 : i32
      %lt3A_1035 = arith.constant 0 : i32
      %lt3A_1036 = arith.cmpi slt, %select_n3A_1029, %lt3A_1035 : i32
      %ne3A_1037 = arith.xori %lt3A_1034, %lt3A_1036 : i1
      %and3A_1038 = arith.andi %ne3A_1037, %ne3A_1032 : i1
      %add3A_1039 = arith.addi %rem3A_1030, %select_n3A_1029 : i32
      %select_n3A_1040 = arith.select %and3A_1038, %add3A_1039, %rem3A_1030 : i32
      %dma_wait3A_1041 = arith.constant 6 : i32
      %dma_wait3A_1042 = arith.constant 0 : i32
      %dma_wait3A_1043 = arith.constant 0 : i32
      %dma_wait3A_1044 = tpu.memref_slice %arg6[%dma_wait3A_1041, %dma_wait3A_1042, %dma_wait3A_1043] : memref<8x200x64xf32, #tpu.memory_space<vmem>> -> memref<1x128x64xf32, #tpu.memory_space<vmem>>
      %dma_wait3A_1045 = tpu.memref_squeeze %dma_wait3A_1044 : memref<1x128x64xf32, #tpu.memory_space<vmem>> -> memref<128x64xf32, #tpu.memory_space<vmem>>
      %dma_wait3A_1046 = arith.constant 0 : i32
      %dma_wait3A_1047 = tpu.memref_slice %arg5[%select_n3A_1024, %select_n3A_1040, %dma_wait3A_1046] : memref<2x32x200xi32, #tpu.memory_space<vmem>> -> memref<1x1x128xi32, #tpu.memory_space<vmem>>
      %dma_wait3A_1048 = tpu.memref_squeeze %dma_wait3A_1047 : memref<1x1x128xi32, #tpu.memory_space<vmem>> -> memref<128xi32, #tpu.memory_space<vmem>>
      %dma_wait3A_1049 = arith.constant 0 : i32
      %dma_wait3A_1050 = arith.constant 0 : i32
      %dma_wait3A_1051 = tpu.memref_slice %arg2[%dma_wait3A_1049, %dma_wait3A_1050] : memref<1000000x64xf32, #tpu.memory_space<hbm>> -> memref<1000000x64xf32, #tpu.memory_space<hbm>>
      tpu.wait_indirect_dma semaphore(%arg14 : memref<!tpu.dma_semaphore, #tpu.memory_space<semaphore_mem>>) src(%dma_wait3A_1051 : memref<1000000x64xf32, #tpu.memory_space<hbm>>) dst(%dma_wait3A_1045 : memref<128x64xf32, #tpu.memory_space<vmem>>)
      %dma_wait3A_1052 = arith.constant 6 : i32
      %dma_wait3A_1053 = arith.constant 128 : i32
      %dma_wait3A_1054 = arith.constant 0 : i32
      %dma_wait3A_1055 = tpu.memref_slice %arg6[%dma_wait3A_1052, %dma_wait3A_1053, %dma_wait3A_1054] : memref<8x200x64xf32, #tpu.memory_space<vmem>> -> memref<1x72x64xf32, #tpu.memory_space<vmem>>
      %dma_wait3A_1056 = tpu.memref_squeeze %dma_wait3A_1055 : memref<1x72x64xf32, #tpu.memory_space<vmem>> -> memref<72x64xf32, #tpu.memory_space<vmem>>
      %dma_wait3A_1057 = arith.constant 128 : i32
      %dma_wait3A_1058 = tpu.memref_slice %arg5[%select_n3A_1024, %select_n3A_1040, %dma_wait3A_1057] : memref<2x32x200xi32, #tpu.memory_space<vmem>> -> memref<1x1x72xi32, #tpu.memory_space<vmem>>
      %dma_wait3A_1059 = tpu.memref_squeeze %dma_wait3A_1058 : memref<1x1x72xi32, #tpu.memory_space<vmem>> -> memref<72xi32, #tpu.memory_space<vmem>>
      %dma_wait3A_1060 = arith.constant 0 : i32
      %dma_wait3A_1061 = arith.constant 0 : i32
      %dma_wait3A_1062 = tpu.memref_slice %arg2[%dma_wait3A_1060, %dma_wait3A_1061] : memref<1000000x64xf32, #tpu.memory_space<hbm>> -> memref<1000000x64xf32, #tpu.memory_space<hbm>>
      tpu.wait_indirect_dma semaphore(%arg14 : memref<!tpu.dma_semaphore, #tpu.memory_space<semaphore_mem>>) src(%dma_wait3A_1062 : memref<1000000x64xf32, #tpu.memory_space<hbm>>) dst(%dma_wait3A_1056 : memref<72x64xf32, #tpu.memory_space<vmem>>)
      %add3A_1063 = arith.addi %mul3A_2, %add3A_984 : i32
      %dma_start3A_1064 = arith.constant 6 : i32
      %dma_start3A_1065 = arith.constant 0 : i32
      %dma_start3A_1066 = arith.constant 0 : i32
      %dma_start3A_1067 = tpu.memref_slice %arg6[%dma_start3A_1064, %dma_start3A_1065, %dma_start3A_1066] : memref<8x200x64xf32, #tpu.memory_space<vmem>> -> memref<1x200x64xf32, #tpu.memory_space<vmem>>
      %dma_start3A_1068 = tpu.memref_squeeze %dma_start3A_1067 : memref<1x200x64xf32, #tpu.memory_space<vmem>> -> memref<200x64xf32, #tpu.memory_space<vmem>>
      %dma_start3A_1069 = arith.constant 0 : i32
      %dma_start3A_1070 = arith.constant 0 : i32
      %dma_start3A_1071 = tpu.memref_slice %arg4[%add3A_1063, %dma_start3A_1069, %dma_start3A_1070] : memref<16384x200x128xf32, #tpu.memory_space<hbm>> -> memref<1x200x64xf32, #tpu.memory_space<hbm>>
      %dma_start3A_1072 = tpu.memref_squeeze %dma_start3A_1071 : memref<1x200x64xf32, #tpu.memory_space<hbm>> -> memref<200x64xf32, #tpu.memory_space<hbm>>
      %dma_start3A_1073 = arith.constant 0 : i32
      %dma_start3A_1074 = arith.constant 0 : i32
      %dma_start3A_1075 = tpu.memref_slice %arg4[%add3A_1063, %dma_start3A_1073, %dma_start3A_1074] : memref<16384x200x128xf32, #tpu.memory_space<hbm>> -> memref<1x200x64xf32, #tpu.memory_space<hbm>>
      %dma_start3A_1076 = tpu.memref_squeeze %dma_start3A_1075 : memref<1x200x64xf32, #tpu.memory_space<hbm>> -> memref<200x64xf32, #tpu.memory_space<hbm>>
      %dma_start3A_1077 = arith.constant 0 : i32
      %dma_start3A_1078 = arith.constant 0 : i32
      %dma_start3A_1079 = tpu.memref_slice %arg6[%dma_start3A_1064, %dma_start3A_1077, %dma_start3A_1078] : memref<8x200x64xf32, #tpu.memory_space<vmem>> -> memref<1x200x64xf32, #tpu.memory_space<vmem>>
      %dma_start3A_1080 = tpu.memref_squeeze %dma_start3A_1079 : memref<1x200x64xf32, #tpu.memory_space<vmem>> -> memref<200x64xf32, #tpu.memory_space<vmem>>
      tpu.enqueue_dma source(%dma_start3A_1080 : memref<200x64xf32, #tpu.memory_space<vmem>>) target(%dma_start3A_1076 : memref<200x64xf32, #tpu.memory_space<hbm>>) target_semaphore(%arg22 : memref<!tpu.dma_semaphore, #tpu.memory_space<semaphore_mem>>)
      %add3A_1081 = arith.constant 6 : i32
      %add3A_1082 = arith.addi %add3A_984, %add3A_1081 : i32
      %lt3A_1083 = arith.constant 512 : i32
      %lt3A_1084 = arith.cmpi slt, %add3A_1082, %lt3A_1083 : i32
      %convert_element_type3A_1085 = arith.extui %lt3A_1084 : i1 to i32
      %cond3A_1086 = arith.constant 0 : i32
      %cond3A_1087 = arith.cmpi ne, %convert_element_type3A_1085, %cond3A_1086 : i32
      scf.if %cond3A_1087 {
        %ge3A = arith.constant 8 : i32
        %ge3A_1193 = arith.cmpi sge, %add3A_1082, %ge3A : i32
        %convert_element_type3A_1194 = arith.extui %ge3A_1193 : i1 to i32
        %cond3A_1195 = arith.constant 0 : i32
        %cond3A_1196 = arith.cmpi ne, %convert_element_type3A_1194, %cond3A_1195 : i32
        scf.if %cond3A_1196 {
          %sub3A_1296 = arith.constant 8 : i32
          %sub3A_1297 = arith.subi %add3A_1082, %sub3A_1296 : i32
          %add3A_1298 = arith.addi %mul3A_2, %sub3A_1297 : i32
          %dma_wait3A_1299 = arith.constant 4 : i32
          %dma_wait3A_1300 = arith.constant 0 : i32
          %dma_wait3A_1301 = arith.constant 0 : i32
          %dma_wait3A_1302 = tpu.memref_slice %arg6[%dma_wait3A_1299, %dma_wait3A_1300, %dma_wait3A_1301] : memref<8x200x64xf32, #tpu.memory_space<vmem>> -> memref<1x200x64xf32, #tpu.memory_space<vmem>>
          %dma_wait3A_1303 = tpu.memref_squeeze %dma_wait3A_1302 : memref<1x200x64xf32, #tpu.memory_space<vmem>> -> memref<200x64xf32, #tpu.memory_space<vmem>>
          %dma_wait3A_1304 = arith.constant 0 : i32
          %dma_wait3A_1305 = arith.constant 0 : i32
          %dma_wait3A_1306 = tpu.memref_slice %arg4[%add3A_1298, %dma_wait3A_1304, %dma_wait3A_1305] : memref<16384x200x128xf32, #tpu.memory_space<hbm>> -> memref<1x200x64xf32, #tpu.memory_space<hbm>>
          %dma_wait3A_1307 = tpu.memref_squeeze %dma_wait3A_1306 : memref<1x200x64xf32, #tpu.memory_space<hbm>> -> memref<200x64xf32, #tpu.memory_space<hbm>>
          %dma_wait3A_1308 = arith.constant 0 : i32
          %dma_wait3A_1309 = arith.constant 0 : i32
          %dma_wait3A_1310 = tpu.memref_slice %arg4[%add3A_1298, %dma_wait3A_1308, %dma_wait3A_1309] : memref<16384x200x128xf32, #tpu.memory_space<hbm>> -> memref<1x200x64xf32, #tpu.memory_space<hbm>>
          %dma_wait3A_1311 = tpu.memref_squeeze %dma_wait3A_1310 : memref<1x200x64xf32, #tpu.memory_space<hbm>> -> memref<200x64xf32, #tpu.memory_space<hbm>>
          %dma_wait3A_1312 = arith.constant 0 : i32
          %dma_wait3A_1313 = arith.constant 0 : i32
          %dma_wait3A_1314 = tpu.memref_slice %arg6[%dma_wait3A_1299, %dma_wait3A_1312, %dma_wait3A_1313] : memref<8x200x64xf32, #tpu.memory_space<vmem>> -> memref<1x200x64xf32, #tpu.memory_space<vmem>>
          %dma_wait3A_1315 = tpu.memref_squeeze %dma_wait3A_1314 : memref<1x200x64xf32, #tpu.memory_space<vmem>> -> memref<200x64xf32, #tpu.memory_space<vmem>>
          tpu.wait_dma2 semaphore(%arg20 : memref<!tpu.dma_semaphore, #tpu.memory_space<semaphore_mem>>) src(%dma_wait3A_1315 : memref<200x64xf32, #tpu.memory_space<vmem>>) dst(%dma_wait3A_1311 : memref<200x64xf32, #tpu.memory_space<hbm>>)
        } else {
        }
        %jit3A_1197 = arith.constant 32 : i32
        %eq3A_1198 = arith.constant 0 : i32
        %eq3A_1199 = arith.cmpi eq, %jit3A_1197, %eq3A_1198 : i32
        %jit3A_1200 = arith.constant 1 : i32
        %select_n3A_1201 = arith.select %eq3A_1199, %jit3A_1200, %jit3A_1197 : i32
        %rem3A_1202 = arith.remsi %add3A_1082, %select_n3A_1201 : i32
        %ne3A_1203 = arith.constant 0 : i32
        %ne3A_1204 = arith.cmpi ne, %rem3A_1202, %ne3A_1203 : i32
        %lt3A_1205 = arith.constant 0 : i32
        %lt3A_1206 = arith.cmpi slt, %rem3A_1202, %lt3A_1205 : i32
        %lt3A_1207 = arith.constant 0 : i32
        %lt3A_1208 = arith.cmpi slt, %select_n3A_1201, %lt3A_1207 : i32
        %ne3A_1209 = arith.xori %lt3A_1206, %lt3A_1208 : i1
        %and3A_1210 = arith.andi %ne3A_1209, %ne3A_1204 : i1
        %add3A_1211 = arith.addi %rem3A_1202, %select_n3A_1201 : i32
        %select_n3A_1212 = arith.select %and3A_1210, %add3A_1211, %rem3A_1202 : i32
        %eq3A_1213 = arith.constant 0 : i32
        %eq3A_1214 = arith.cmpi eq, %select_n3A_1212, %eq3A_1213 : i32
        %convert_element_type3A_1215 = arith.extui %eq3A_1214 : i1 to i32
        %cond3A_1216 = arith.constant 0 : i32
        %cond3A_1217 = arith.cmpi ne, %convert_element_type3A_1215, %cond3A_1216 : i32
        scf.if %cond3A_1217 {
          %jit3A_1296 = arith.constant 32 : i32
          %div3A_1297 = arith.divsi %add3A_1082, %jit3A_1296 : i32
          %sign3A_1298 = arith.constant 0 : i32
          %sign3A_1299 = arith.cmpi sgt, %add3A_1082, %sign3A_1298 : i32
          %sign3A_1300 = arith.extui %sign3A_1299 : i1 to i32
          %sign3A_1301 = arith.constant 0 : i32
          %sign3A_1302 = arith.cmpi slt, %add3A_1082, %sign3A_1301 : i32
          %sign3A_1303 = arith.extui %sign3A_1302 : i1 to i32
          %sign3A_1304 = arith.subi %sign3A_1300, %sign3A_1303 : i32
          %sign3A_1305 = arith.constant 0 : i32
          %sign3A_1306 = arith.cmpi sgt, %jit3A_1296, %sign3A_1305 : i32
          %sign3A_1307 = arith.extui %sign3A_1306 : i1 to i32
          %sign3A_1308 = arith.constant 0 : i32
          %sign3A_1309 = arith.cmpi slt, %jit3A_1296, %sign3A_1308 : i32
          %sign3A_1310 = arith.extui %sign3A_1309 : i1 to i32
          %sign3A_1311 = arith.subi %sign3A_1307, %sign3A_1310 : i32
          %ne3A_1312 = arith.cmpi ne, %sign3A_1304, %sign3A_1311 : i32
          %rem3A_1313 = arith.remsi %add3A_1082, %jit3A_1296 : i32
          %ne3A_1314 = arith.constant 0 : i32
          %ne3A_1315 = arith.cmpi ne, %rem3A_1313, %ne3A_1314 : i32
          %and3A_1316 = arith.andi %ne3A_1312, %ne3A_1315 : i1
          %sub3A_1317 = arith.constant 1 : i32
          %sub3A_1318 = arith.subi %div3A_1297, %sub3A_1317 : i32
          %select_n3A_1319 = arith.select %and3A_1316, %sub3A_1318, %div3A_1297 : i32
          %mul3A_1320 = arith.constant 32 : i32
          %mul3A_1321 = arith.muli %select_n3A_1319, %mul3A_1320 : i32
          %add3A_1322 = arith.addi %mul3A_2, %mul3A_1321 : i32
          %jit3A_1323 = arith.constant 2 : i32
          %eq3A_1324 = arith.constant 0 : i32
          %eq3A_1325 = arith.cmpi eq, %jit3A_1323, %eq3A_1324 : i32
          %jit3A_1326 = arith.constant 1 : i32
          %select_n3A_1327 = arith.select %eq3A_1325, %jit3A_1326, %jit3A_1323 : i32
          %rem3A_1328 = arith.remsi %select_n3A_1319, %select_n3A_1327 : i32
          %ne3A_1329 = arith.constant 0 : i32
          %ne3A_1330 = arith.cmpi ne, %rem3A_1328, %ne3A_1329 : i32
          %lt3A_1331 = arith.constant 0 : i32
          %lt3A_1332 = arith.cmpi slt, %rem3A_1328, %lt3A_1331 : i32
          %lt3A_1333 = arith.constant 0 : i32
          %lt3A_1334 = arith.cmpi slt, %select_n3A_1327, %lt3A_1333 : i32
          %ne3A_1335 = arith.xori %lt3A_1332, %lt3A_1334 : i1
          %and3A_1336 = arith.andi %ne3A_1335, %ne3A_1330 : i1
          %add3A_1337 = arith.addi %rem3A_1328, %select_n3A_1327 : i32
          %select_n3A_1338 = arith.select %and3A_1336, %add3A_1337, %rem3A_1328 : i32
          %dma_wait3A_1339 = arith.constant 0 : i32
          %dma_wait3A_1340 = arith.constant 0 : i32
          %dma_wait3A_1341 = tpu.memref_slice %arg5[%select_n3A_1338, %dma_wait3A_1339, %dma_wait3A_1340] : memref<2x32x200xi32, #tpu.memory_space<vmem>> -> memref<1x32x200xi32, #tpu.memory_space<vmem>>
          %dma_wait3A_1342 = tpu.memref_squeeze %dma_wait3A_1341 : memref<1x32x200xi32, #tpu.memory_space<vmem>> -> memref<32x200xi32, #tpu.memory_space<vmem>>
          %dma_wait3A_1343 = arith.constant 0 : i32
          %dma_wait3A_1344 = tpu.memref_slice %arg3[%add3A_1322, %dma_wait3A_1343] : memref<16384x200xi32, #tpu.memory_space<hbm>> -> memref<32x200xi32, #tpu.memory_space<hbm>>
          %dma_wait3A_1345 = arith.constant 0 : i32
          %dma_wait3A_1346 = arith.constant 0 : i32
          %dma_wait3A_1347 = tpu.memref_slice %arg5[%select_n3A_1338, %dma_wait3A_1345, %dma_wait3A_1346] : memref<2x32x200xi32, #tpu.memory_space<vmem>> -> memref<1x32x200xi32, #tpu.memory_space<vmem>>
          %dma_wait3A_1348 = tpu.memref_squeeze %dma_wait3A_1347 : memref<1x32x200xi32, #tpu.memory_space<vmem>> -> memref<32x200xi32, #tpu.memory_space<vmem>>
          %dma_wait3A_1349 = arith.constant 0 : i32
          %dma_wait3A_1350 = tpu.memref_slice %arg3[%add3A_1322, %dma_wait3A_1349] : memref<16384x200xi32, #tpu.memory_space<hbm>> -> memref<32x200xi32, #tpu.memory_space<hbm>>
          tpu.wait_dma2 semaphore(%arg7 : memref<!tpu.dma_semaphore, #tpu.memory_space<semaphore_mem>>) src(%dma_wait3A_1350 : memref<32x200xi32, #tpu.memory_space<hbm>>) dst(%dma_wait3A_1348 : memref<32x200xi32, #tpu.memory_space<vmem>>)
          %add3A_1351 = arith.constant 1 : i32
          %add3A_1352 = arith.addi %select_n3A_1319, %add3A_1351 : i32
          %lt3A_1353 = arith.constant 16 : i32
          %lt3A_1354 = arith.cmpi slt, %add3A_1352, %lt3A_1353 : i32
          %convert_element_type3A_1355 = arith.extui %lt3A_1354 : i1 to i32
          %cond3A_1356 = arith.constant 0 : i32
          %cond3A_1357 = arith.cmpi ne, %convert_element_type3A_1355, %cond3A_1356 : i32
          scf.if %cond3A_1357 {
            %add3A_1358 = arith.constant 1 : i32
            %add3A_1359 = arith.addi %select_n3A_1319, %add3A_1358 : i32
            %mul3A_1360 = arith.constant 32 : i32
            %mul3A_1361 = arith.muli %add3A_1359, %mul3A_1360 : i32
            %add3A_1362 = arith.addi %mul3A_2, %mul3A_1361 : i32
            %jit3A_1363 = arith.constant 2 : i32
            %eq3A_1364 = arith.constant 0 : i32
            %eq3A_1365 = arith.cmpi eq, %jit3A_1363, %eq3A_1364 : i32
            %jit3A_1366 = arith.constant 1 : i32
            %select_n3A_1367 = arith.select %eq3A_1365, %jit3A_1366, %jit3A_1363 : i32
            %rem3A_1368 = arith.remsi %add3A_1359, %select_n3A_1367 : i32
            %ne3A_1369 = arith.constant 0 : i32
            %ne3A_1370 = arith.cmpi ne, %rem3A_1368, %ne3A_1369 : i32
            %lt3A_1371 = arith.constant 0 : i32
            %lt3A_1372 = arith.cmpi slt, %rem3A_1368, %lt3A_1371 : i32
            %lt3A_1373 = arith.constant 0 : i32
            %lt3A_1374 = arith.cmpi slt, %select_n3A_1367, %lt3A_1373 : i32
            %ne3A_1375 = arith.xori %lt3A_1372, %lt3A_1374 : i1
            %and3A_1376 = arith.andi %ne3A_1375, %ne3A_1370 : i1
            %add3A_1377 = arith.addi %rem3A_1368, %select_n3A_1367 : i32
            %select_n3A_1378 = arith.select %and3A_1376, %add3A_1377, %rem3A_1368 : i32
            %dma_start3A_1379 = arith.constant 0 : i32
            %dma_start3A_1380 = arith.constant 0 : i32
            %dma_start3A_1381 = tpu.memref_slice %arg5[%select_n3A_1378, %dma_start3A_1379, %dma_start3A_1380] : memref<2x32x200xi32, #tpu.memory_space<vmem>> -> memref<1x32x200xi32, #tpu.memory_space<vmem>>
            %dma_start3A_1382 = tpu.memref_squeeze %dma_start3A_1381 : memref<1x32x200xi32, #tpu.memory_space<vmem>> -> memref<32x200xi32, #tpu.memory_space<vmem>>
            %dma_start3A_1383 = arith.constant 0 : i32
            %dma_start3A_1384 = tpu.memref_slice %arg3[%add3A_1362, %dma_start3A_1383] : memref<16384x200xi32, #tpu.memory_space<hbm>> -> memref<32x200xi32, #tpu.memory_space<hbm>>
            %dma_start3A_1385 = arith.constant 0 : i32
            %dma_start3A_1386 = arith.constant 0 : i32
            %dma_start3A_1387 = tpu.memref_slice %arg5[%select_n3A_1378, %dma_start3A_1385, %dma_start3A_1386] : memref<2x32x200xi32, #tpu.memory_space<vmem>> -> memref<1x32x200xi32, #tpu.memory_space<vmem>>
            %dma_start3A_1388 = tpu.memref_squeeze %dma_start3A_1387 : memref<1x32x200xi32, #tpu.memory_space<vmem>> -> memref<32x200xi32, #tpu.memory_space<vmem>>
            %dma_start3A_1389 = arith.constant 0 : i32
            %dma_start3A_1390 = tpu.memref_slice %arg3[%add3A_1362, %dma_start3A_1389] : memref<16384x200xi32, #tpu.memory_space<hbm>> -> memref<32x200xi32, #tpu.memory_space<hbm>>
            tpu.enqueue_dma source(%dma_start3A_1390 : memref<32x200xi32, #tpu.memory_space<hbm>>) target(%dma_start3A_1388 : memref<32x200xi32, #tpu.memory_space<vmem>>) target_semaphore(%arg7 : memref<!tpu.dma_semaphore, #tpu.memory_space<semaphore_mem>>)
          } else {
          }
        } else {
        }
        %jit3A_1218 = arith.constant 32 : i32
        %div3A_1219 = arith.divsi %add3A_1082, %jit3A_1218 : i32
        %sign3A_1220 = arith.constant 0 : i32
        %sign3A_1221 = arith.cmpi sgt, %add3A_1082, %sign3A_1220 : i32
        %sign3A_1222 = arith.extui %sign3A_1221 : i1 to i32
        %sign3A_1223 = arith.constant 0 : i32
        %sign3A_1224 = arith.cmpi slt, %add3A_1082, %sign3A_1223 : i32
        %sign3A_1225 = arith.extui %sign3A_1224 : i1 to i32
        %sign3A_1226 = arith.subi %sign3A_1222, %sign3A_1225 : i32
        %sign3A_1227 = arith.constant 0 : i32
        %sign3A_1228 = arith.cmpi sgt, %jit3A_1218, %sign3A_1227 : i32
        %sign3A_1229 = arith.extui %sign3A_1228 : i1 to i32
        %sign3A_1230 = arith.constant 0 : i32
        %sign3A_1231 = arith.cmpi slt, %jit3A_1218, %sign3A_1230 : i32
        %sign3A_1232 = arith.extui %sign3A_1231 : i1 to i32
        %sign3A_1233 = arith.subi %sign3A_1229, %sign3A_1232 : i32
        %ne3A_1234 = arith.cmpi ne, %sign3A_1226, %sign3A_1233 : i32
        %rem3A_1235 = arith.remsi %add3A_1082, %jit3A_1218 : i32
        %ne3A_1236 = arith.constant 0 : i32
        %ne3A_1237 = arith.cmpi ne, %rem3A_1235, %ne3A_1236 : i32
        %and3A_1238 = arith.andi %ne3A_1234, %ne3A_1237 : i1
        %sub3A_1239 = arith.constant 1 : i32
        %sub3A_1240 = arith.subi %div3A_1219, %sub3A_1239 : i32
        %select_n3A_1241 = arith.select %and3A_1238, %sub3A_1240, %div3A_1219 : i32
        %jit3A_1242 = arith.constant 2 : i32
        %eq3A_1243 = arith.constant 0 : i32
        %eq3A_1244 = arith.cmpi eq, %jit3A_1242, %eq3A_1243 : i32
        %jit3A_1245 = arith.constant 1 : i32
        %select_n3A_1246 = arith.select %eq3A_1244, %jit3A_1245, %jit3A_1242 : i32
        %rem3A_1247 = arith.remsi %select_n3A_1241, %select_n3A_1246 : i32
        %ne3A_1248 = arith.constant 0 : i32
        %ne3A_1249 = arith.cmpi ne, %rem3A_1247, %ne3A_1248 : i32
        %lt3A_1250 = arith.constant 0 : i32
        %lt3A_1251 = arith.cmpi slt, %rem3A_1247, %lt3A_1250 : i32
        %lt3A_1252 = arith.constant 0 : i32
        %lt3A_1253 = arith.cmpi slt, %select_n3A_1246, %lt3A_1252 : i32
        %ne3A_1254 = arith.xori %lt3A_1251, %lt3A_1253 : i1
        %and3A_1255 = arith.andi %ne3A_1254, %ne3A_1249 : i1
        %add3A_1256 = arith.addi %rem3A_1247, %select_n3A_1246 : i32
        %select_n3A_1257 = arith.select %and3A_1255, %add3A_1256, %rem3A_1247 : i32
        %jit3A_1258 = arith.constant 32 : i32
        %eq3A_1259 = arith.constant 0 : i32
        %eq3A_1260 = arith.cmpi eq, %jit3A_1258, %eq3A_1259 : i32
        %jit3A_1261 = arith.constant 1 : i32
        %select_n3A_1262 = arith.select %eq3A_1260, %jit3A_1261, %jit3A_1258 : i32
        %rem3A_1263 = arith.remsi %add3A_1082, %select_n3A_1262 : i32
        %ne3A_1264 = arith.constant 0 : i32
        %ne3A_1265 = arith.cmpi ne, %rem3A_1263, %ne3A_1264 : i32
        %lt3A_1266 = arith.constant 0 : i32
        %lt3A_1267 = arith.cmpi slt, %rem3A_1263, %lt3A_1266 : i32
        %lt3A_1268 = arith.constant 0 : i32
        %lt3A_1269 = arith.cmpi slt, %select_n3A_1262, %lt3A_1268 : i32
        %ne3A_1270 = arith.xori %lt3A_1267, %lt3A_1269 : i1
        %and3A_1271 = arith.andi %ne3A_1270, %ne3A_1265 : i1
        %add3A_1272 = arith.addi %rem3A_1263, %select_n3A_1262 : i32
        %select_n3A_1273 = arith.select %and3A_1271, %add3A_1272, %rem3A_1263 : i32
        %dma_start3A_1274 = arith.constant 4 : i32
        %dma_start3A_1275 = arith.constant 0 : i32
        %dma_start3A_1276 = arith.constant 0 : i32
        %dma_start3A_1277 = tpu.memref_slice %arg6[%dma_start3A_1274, %dma_start3A_1275, %dma_start3A_1276] : memref<8x200x64xf32, #tpu.memory_space<vmem>> -> memref<1x128x64xf32, #tpu.memory_space<vmem>>
        %dma_start3A_1278 = tpu.memref_squeeze %dma_start3A_1277 : memref<1x128x64xf32, #tpu.memory_space<vmem>> -> memref<128x64xf32, #tpu.memory_space<vmem>>
        %dma_start3A_1279 = arith.constant 0 : i32
        %dma_start3A_1280 = tpu.memref_slice %arg5[%select_n3A_1257, %select_n3A_1273, %dma_start3A_1279] : memref<2x32x200xi32, #tpu.memory_space<vmem>> -> memref<1x1x128xi32, #tpu.memory_space<vmem>>
        %dma_start3A_1281 = tpu.memref_squeeze %dma_start3A_1280 : memref<1x1x128xi32, #tpu.memory_space<vmem>> -> memref<128xi32, #tpu.memory_space<vmem>>
        %dma_start3A_1282 = arith.constant 0 : i32
        %dma_start3A_1283 = arith.constant 0 : i32
        %dma_start3A_1284 = tpu.memref_slice %arg2[%dma_start3A_1282, %dma_start3A_1283] : memref<1000000x64xf32, #tpu.memory_space<hbm>> -> memref<1000000x64xf32, #tpu.memory_space<hbm>>
        tpu.enqueue_indirect_dma source(%dma_start3A_1284 : memref<1000000x64xf32, #tpu.memory_space<hbm>>) target(%dma_start3A_1278 : memref<128x64xf32, #tpu.memory_space<vmem>>) offsets(%dma_start3A_1281 : memref<128xi32, #tpu.memory_space<vmem>>) semaphore(%arg12 : memref<!tpu.dma_semaphore, #tpu.memory_space<semaphore_mem>>)
        %dma_start3A_1285 = arith.constant 4 : i32
        %dma_start3A_1286 = arith.constant 128 : i32
        %dma_start3A_1287 = arith.constant 0 : i32
        %dma_start3A_1288 = tpu.memref_slice %arg6[%dma_start3A_1285, %dma_start3A_1286, %dma_start3A_1287] : memref<8x200x64xf32, #tpu.memory_space<vmem>> -> memref<1x72x64xf32, #tpu.memory_space<vmem>>
        %dma_start3A_1289 = tpu.memref_squeeze %dma_start3A_1288 : memref<1x72x64xf32, #tpu.memory_space<vmem>> -> memref<72x64xf32, #tpu.memory_space<vmem>>
        %dma_start3A_1290 = arith.constant 128 : i32
        %dma_start3A_1291 = tpu.memref_slice %arg5[%select_n3A_1257, %select_n3A_1273, %dma_start3A_1290] : memref<2x32x200xi32, #tpu.memory_space<vmem>> -> memref<1x1x72xi32, #tpu.memory_space<vmem>>
        %dma_start3A_1292 = tpu.memref_squeeze %dma_start3A_1291 : memref<1x1x72xi32, #tpu.memory_space<vmem>> -> memref<72xi32, #tpu.memory_space<vmem>>
        %dma_start3A_1293 = arith.constant 0 : i32
        %dma_start3A_1294 = arith.constant 0 : i32
        %dma_start3A_1295 = tpu.memref_slice %arg2[%dma_start3A_1293, %dma_start3A_1294] : memref<1000000x64xf32, #tpu.memory_space<hbm>> -> memref<1000000x64xf32, #tpu.memory_space<hbm>>
        tpu.enqueue_indirect_dma source(%dma_start3A_1295 : memref<1000000x64xf32, #tpu.memory_space<hbm>>) target(%dma_start3A_1289 : memref<72x64xf32, #tpu.memory_space<vmem>>) offsets(%dma_start3A_1292 : memref<72xi32, #tpu.memory_space<vmem>>) semaphore(%arg12 : memref<!tpu.dma_semaphore, #tpu.memory_space<semaphore_mem>>)
      } else {
      }
      %add3A_1088 = arith.constant 7 : i32
      %add3A_1089 = arith.addi %mul3A_364, %add3A_1088 : i32
      %jit3A_1090 = arith.constant 32 : i32
      %div3A_1091 = arith.divsi %add3A_1089, %jit3A_1090 : i32
      %sign3A_1092 = arith.constant 0 : i32
      %sign3A_1093 = arith.cmpi sgt, %add3A_1089, %sign3A_1092 : i32
      %sign3A_1094 = arith.extui %sign3A_1093 : i1 to i32
      %sign3A_1095 = arith.constant 0 : i32
      %sign3A_1096 = arith.cmpi slt, %add3A_1089, %sign3A_1095 : i32
      %sign3A_1097 = arith.extui %sign3A_1096 : i1 to i32
      %sign3A_1098 = arith.subi %sign3A_1094, %sign3A_1097 : i32
      %sign3A_1099 = arith.constant 0 : i32
      %sign3A_1100 = arith.cmpi sgt, %jit3A_1090, %sign3A_1099 : i32
      %sign3A_1101 = arith.extui %sign3A_1100 : i1 to i32
      %sign3A_1102 = arith.constant 0 : i32
      %sign3A_1103 = arith.cmpi slt, %jit3A_1090, %sign3A_1102 : i32
      %sign3A_1104 = arith.extui %sign3A_1103 : i1 to i32
      %sign3A_1105 = arith.subi %sign3A_1101, %sign3A_1104 : i32
      %ne3A_1106 = arith.cmpi ne, %sign3A_1098, %sign3A_1105 : i32
      %rem3A_1107 = arith.remsi %add3A_1089, %jit3A_1090 : i32
      %ne3A_1108 = arith.constant 0 : i32
      %ne3A_1109 = arith.cmpi ne, %rem3A_1107, %ne3A_1108 : i32
      %and3A_1110 = arith.andi %ne3A_1106, %ne3A_1109 : i1
      %sub3A_1111 = arith.constant 1 : i32
      %sub3A_1112 = arith.subi %div3A_1091, %sub3A_1111 : i32
      %select_n3A_1113 = arith.select %and3A_1110, %sub3A_1112, %div3A_1091 : i32
      %jit3A_1114 = arith.constant 2 : i32
      %eq3A_1115 = arith.constant 0 : i32
      %eq3A_1116 = arith.cmpi eq, %jit3A_1114, %eq3A_1115 : i32
      %jit3A_1117 = arith.constant 1 : i32
      %select_n3A_1118 = arith.select %eq3A_1116, %jit3A_1117, %jit3A_1114 : i32
      %rem3A_1119 = arith.remsi %select_n3A_1113, %select_n3A_1118 : i32
      %ne3A_1120 = arith.constant 0 : i32
      %ne3A_1121 = arith.cmpi ne, %rem3A_1119, %ne3A_1120 : i32
      %lt3A_1122 = arith.constant 0 : i32
      %lt3A_1123 = arith.cmpi slt, %rem3A_1119, %lt3A_1122 : i32
      %lt3A_1124 = arith.constant 0 : i32
      %lt3A_1125 = arith.cmpi slt, %select_n3A_1118, %lt3A_1124 : i32
      %ne3A_1126 = arith.xori %lt3A_1123, %lt3A_1125 : i1
      %and3A_1127 = arith.andi %ne3A_1126, %ne3A_1121 : i1
      %add3A_1128 = arith.addi %rem3A_1119, %select_n3A_1118 : i32
      %select_n3A_1129 = arith.select %and3A_1127, %add3A_1128, %rem3A_1119 : i32
      %jit3A_1130 = arith.constant 32 : i32
      %eq3A_1131 = arith.constant 0 : i32
      %eq3A_1132 = arith.cmpi eq, %jit3A_1130, %eq3A_1131 : i32
      %jit3A_1133 = arith.constant 1 : i32
      %select_n3A_1134 = arith.select %eq3A_1132, %jit3A_1133, %jit3A_1130 : i32
      %rem3A_1135 = arith.remsi %add3A_1089, %select_n3A_1134 : i32
      %ne3A_1136 = arith.constant 0 : i32
      %ne3A_1137 = arith.cmpi ne, %rem3A_1135, %ne3A_1136 : i32
      %lt3A_1138 = arith.constant 0 : i32
      %lt3A_1139 = arith.cmpi slt, %rem3A_1135, %lt3A_1138 : i32
      %lt3A_1140 = arith.constant 0 : i32
      %lt3A_1141 = arith.cmpi slt, %select_n3A_1134, %lt3A_1140 : i32
      %ne3A_1142 = arith.xori %lt3A_1139, %lt3A_1141 : i1
      %and3A_1143 = arith.andi %ne3A_1142, %ne3A_1137 : i1
      %add3A_1144 = arith.addi %rem3A_1135, %select_n3A_1134 : i32
      %select_n3A_1145 = arith.select %and3A_1143, %add3A_1144, %rem3A_1135 : i32
      %dma_wait3A_1146 = arith.constant 7 : i32
      %dma_wait3A_1147 = arith.constant 0 : i32
      %dma_wait3A_1148 = arith.constant 0 : i32
      %dma_wait3A_1149 = tpu.memref_slice %arg6[%dma_wait3A_1146, %dma_wait3A_1147, %dma_wait3A_1148] : memref<8x200x64xf32, #tpu.memory_space<vmem>> -> memref<1x128x64xf32, #tpu.memory_space<vmem>>
      %dma_wait3A_1150 = tpu.memref_squeeze %dma_wait3A_1149 : memref<1x128x64xf32, #tpu.memory_space<vmem>> -> memref<128x64xf32, #tpu.memory_space<vmem>>
      %dma_wait3A_1151 = arith.constant 0 : i32
      %dma_wait3A_1152 = tpu.memref_slice %arg5[%select_n3A_1129, %select_n3A_1145, %dma_wait3A_1151] : memref<2x32x200xi32, #tpu.memory_space<vmem>> -> memref<1x1x128xi32, #tpu.memory_space<vmem>>
      %dma_wait3A_1153 = tpu.memref_squeeze %dma_wait3A_1152 : memref<1x1x128xi32, #tpu.memory_space<vmem>> -> memref<128xi32, #tpu.memory_space<vmem>>
      %dma_wait3A_1154 = arith.constant 0 : i32
      %dma_wait3A_1155 = arith.constant 0 : i32
      %dma_wait3A_1156 = tpu.memref_slice %arg2[%dma_wait3A_1154, %dma_wait3A_1155] : memref<1000000x64xf32, #tpu.memory_space<hbm>> -> memref<1000000x64xf32, #tpu.memory_space<hbm>>
      tpu.wait_indirect_dma semaphore(%arg15 : memref<!tpu.dma_semaphore, #tpu.memory_space<semaphore_mem>>) src(%dma_wait3A_1156 : memref<1000000x64xf32, #tpu.memory_space<hbm>>) dst(%dma_wait3A_1150 : memref<128x64xf32, #tpu.memory_space<vmem>>)
      %dma_wait3A_1157 = arith.constant 7 : i32
      %dma_wait3A_1158 = arith.constant 128 : i32
      %dma_wait3A_1159 = arith.constant 0 : i32
      %dma_wait3A_1160 = tpu.memref_slice %arg6[%dma_wait3A_1157, %dma_wait3A_1158, %dma_wait3A_1159] : memref<8x200x64xf32, #tpu.memory_space<vmem>> -> memref<1x72x64xf32, #tpu.memory_space<vmem>>
      %dma_wait3A_1161 = tpu.memref_squeeze %dma_wait3A_1160 : memref<1x72x64xf32, #tpu.memory_space<vmem>> -> memref<72x64xf32, #tpu.memory_space<vmem>>
      %dma_wait3A_1162 = arith.constant 128 : i32
      %dma_wait3A_1163 = tpu.memref_slice %arg5[%select_n3A_1129, %select_n3A_1145, %dma_wait3A_1162] : memref<2x32x200xi32, #tpu.memory_space<vmem>> -> memref<1x1x72xi32, #tpu.memory_space<vmem>>
      %dma_wait3A_1164 = tpu.memref_squeeze %dma_wait3A_1163 : memref<1x1x72xi32, #tpu.memory_space<vmem>> -> memref<72xi32, #tpu.memory_space<vmem>>
      %dma_wait3A_1165 = arith.constant 0 : i32
      %dma_wait3A_1166 = arith.constant 0 : i32
      %dma_wait3A_1167 = tpu.memref_slice %arg2[%dma_wait3A_1165, %dma_wait3A_1166] : memref<1000000x64xf32, #tpu.memory_space<hbm>> -> memref<1000000x64xf32, #tpu.memory_space<hbm>>
      tpu.wait_indirect_dma semaphore(%arg15 : memref<!tpu.dma_semaphore, #tpu.memory_space<semaphore_mem>>) src(%dma_wait3A_1167 : memref<1000000x64xf32, #tpu.memory_space<hbm>>) dst(%dma_wait3A_1161 : memref<72x64xf32, #tpu.memory_space<vmem>>)
      %add3A_1168 = arith.addi %mul3A_2, %add3A_1089 : i32
      %dma_start3A_1169 = arith.constant 7 : i32
      %dma_start3A_1170 = arith.constant 0 : i32
      %dma_start3A_1171 = arith.constant 0 : i32
      %dma_start3A_1172 = tpu.memref_slice %arg6[%dma_start3A_1169, %dma_start3A_1170, %dma_start3A_1171] : memref<8x200x64xf32, #tpu.memory_space<vmem>> -> memref<1x200x64xf32, #tpu.memory_space<vmem>>
      %dma_start3A_1173 = tpu.memref_squeeze %dma_start3A_1172 : memref<1x200x64xf32, #tpu.memory_space<vmem>> -> memref<200x64xf32, #tpu.memory_space<vmem>>
      %dma_start3A_1174 = arith.constant 0 : i32
      %dma_start3A_1175 = arith.constant 0 : i32
      %dma_start3A_1176 = tpu.memref_slice %arg4[%add3A_1168, %dma_start3A_1174, %dma_start3A_1175] : memref<16384x200x128xf32, #tpu.memory_space<hbm>> -> memref<1x200x64xf32, #tpu.memory_space<hbm>>
      %dma_start3A_1177 = tpu.memref_squeeze %dma_start3A_1176 : memref<1x200x64xf32, #tpu.memory_space<hbm>> -> memref<200x64xf32, #tpu.memory_space<hbm>>
      %dma_start3A_1178 = arith.constant 0 : i32
      %dma_start3A_1179 = arith.constant 0 : i32
      %dma_start3A_1180 = tpu.memref_slice %arg4[%add3A_1168, %dma_start3A_1178, %dma_start3A_1179] : memref<16384x200x128xf32, #tpu.memory_space<hbm>> -> memref<1x200x64xf32, #tpu.memory_space<hbm>>
      %dma_start3A_1181 = tpu.memref_squeeze %dma_start3A_1180 : memref<1x200x64xf32, #tpu.memory_space<hbm>> -> memref<200x64xf32, #tpu.memory_space<hbm>>
      %dma_start3A_1182 = arith.constant 0 : i32
      %dma_start3A_1183 = arith.constant 0 : i32
      %dma_start3A_1184 = tpu.memref_slice %arg6[%dma_start3A_1169, %dma_start3A_1182, %dma_start3A_1183] : memref<8x200x64xf32, #tpu.memory_space<vmem>> -> memref<1x200x64xf32, #tpu.memory_space<vmem>>
      %dma_start3A_1185 = tpu.memref_squeeze %dma_start3A_1184 : memref<1x200x64xf32, #tpu.memory_space<vmem>> -> memref<200x64xf32, #tpu.memory_space<vmem>>
      tpu.enqueue_dma source(%dma_start3A_1185 : memref<200x64xf32, #tpu.memory_space<vmem>>) target(%dma_start3A_1181 : memref<200x64xf32, #tpu.memory_space<hbm>>) target_semaphore(%arg23 : memref<!tpu.dma_semaphore, #tpu.memory_space<semaphore_mem>>)
      %add3A_1186 = arith.constant 6 : i32
      %add3A_1187 = arith.addi %add3A_1089, %add3A_1186 : i32
      %lt3A_1188 = arith.constant 512 : i32
      %lt3A_1189 = arith.cmpi slt, %add3A_1187, %lt3A_1188 : i32
      %convert_element_type3A_1190 = arith.extui %lt3A_1189 : i1 to i32
      %cond3A_1191 = arith.constant 0 : i32
      %cond3A_1192 = arith.cmpi ne, %convert_element_type3A_1190, %cond3A_1191 : i32
      scf.if %cond3A_1192 {
        %ge3A = arith.constant 8 : i32
        %ge3A_1193 = arith.cmpi sge, %add3A_1187, %ge3A : i32
        %convert_element_type3A_1194 = arith.extui %ge3A_1193 : i1 to i32
        %cond3A_1195 = arith.constant 0 : i32
        %cond3A_1196 = arith.cmpi ne, %convert_element_type3A_1194, %cond3A_1195 : i32
        scf.if %cond3A_1196 {
          %sub3A_1296 = arith.constant 8 : i32
          %sub3A_1297 = arith.subi %add3A_1187, %sub3A_1296 : i32
          %add3A_1298 = arith.addi %mul3A_2, %sub3A_1297 : i32
          %dma_wait3A_1299 = arith.constant 5 : i32
          %dma_wait3A_1300 = arith.constant 0 : i32
          %dma_wait3A_1301 = arith.constant 0 : i32
          %dma_wait3A_1302 = tpu.memref_slice %arg6[%dma_wait3A_1299, %dma_wait3A_1300, %dma_wait3A_1301] : memref<8x200x64xf32, #tpu.memory_space<vmem>> -> memref<1x200x64xf32, #tpu.memory_space<vmem>>
          %dma_wait3A_1303 = tpu.memref_squeeze %dma_wait3A_1302 : memref<1x200x64xf32, #tpu.memory_space<vmem>> -> memref<200x64xf32, #tpu.memory_space<vmem>>
          %dma_wait3A_1304 = arith.constant 0 : i32
          %dma_wait3A_1305 = arith.constant 0 : i32
          %dma_wait3A_1306 = tpu.memref_slice %arg4[%add3A_1298, %dma_wait3A_1304, %dma_wait3A_1305] : memref<16384x200x128xf32, #tpu.memory_space<hbm>> -> memref<1x200x64xf32, #tpu.memory_space<hbm>>
          %dma_wait3A_1307 = tpu.memref_squeeze %dma_wait3A_1306 : memref<1x200x64xf32, #tpu.memory_space<hbm>> -> memref<200x64xf32, #tpu.memory_space<hbm>>
          %dma_wait3A_1308 = arith.constant 0 : i32
          %dma_wait3A_1309 = arith.constant 0 : i32
          %dma_wait3A_1310 = tpu.memref_slice %arg4[%add3A_1298, %dma_wait3A_1308, %dma_wait3A_1309] : memref<16384x200x128xf32, #tpu.memory_space<hbm>> -> memref<1x200x64xf32, #tpu.memory_space<hbm>>
          %dma_wait3A_1311 = tpu.memref_squeeze %dma_wait3A_1310 : memref<1x200x64xf32, #tpu.memory_space<hbm>> -> memref<200x64xf32, #tpu.memory_space<hbm>>
          %dma_wait3A_1312 = arith.constant 0 : i32
          %dma_wait3A_1313 = arith.constant 0 : i32
          %dma_wait3A_1314 = tpu.memref_slice %arg6[%dma_wait3A_1299, %dma_wait3A_1312, %dma_wait3A_1313] : memref<8x200x64xf32, #tpu.memory_space<vmem>> -> memref<1x200x64xf32, #tpu.memory_space<vmem>>
          %dma_wait3A_1315 = tpu.memref_squeeze %dma_wait3A_1314 : memref<1x200x64xf32, #tpu.memory_space<vmem>> -> memref<200x64xf32, #tpu.memory_space<vmem>>
          tpu.wait_dma2 semaphore(%arg21 : memref<!tpu.dma_semaphore, #tpu.memory_space<semaphore_mem>>) src(%dma_wait3A_1315 : memref<200x64xf32, #tpu.memory_space<vmem>>) dst(%dma_wait3A_1311 : memref<200x64xf32, #tpu.memory_space<hbm>>)
        } else {
        }
        %jit3A_1197 = arith.constant 32 : i32
        %eq3A_1198 = arith.constant 0 : i32
        %eq3A_1199 = arith.cmpi eq, %jit3A_1197, %eq3A_1198 : i32
        %jit3A_1200 = arith.constant 1 : i32
        %select_n3A_1201 = arith.select %eq3A_1199, %jit3A_1200, %jit3A_1197 : i32
        %rem3A_1202 = arith.remsi %add3A_1187, %select_n3A_1201 : i32
        %ne3A_1203 = arith.constant 0 : i32
        %ne3A_1204 = arith.cmpi ne, %rem3A_1202, %ne3A_1203 : i32
        %lt3A_1205 = arith.constant 0 : i32
        %lt3A_1206 = arith.cmpi slt, %rem3A_1202, %lt3A_1205 : i32
        %lt3A_1207 = arith.constant 0 : i32
        %lt3A_1208 = arith.cmpi slt, %select_n3A_1201, %lt3A_1207 : i32
        %ne3A_1209 = arith.xori %lt3A_1206, %lt3A_1208 : i1
        %and3A_1210 = arith.andi %ne3A_1209, %ne3A_1204 : i1
        %add3A_1211 = arith.addi %rem3A_1202, %select_n3A_1201 : i32
        %select_n3A_1212 = arith.select %and3A_1210, %add3A_1211, %rem3A_1202 : i32
        %eq3A_1213 = arith.constant 0 : i32
        %eq3A_1214 = arith.cmpi eq, %select_n3A_1212, %eq3A_1213 : i32
        %convert_element_type3A_1215 = arith.extui %eq3A_1214 : i1 to i32
        %cond3A_1216 = arith.constant 0 : i32
        %cond3A_1217 = arith.cmpi ne, %convert_element_type3A_1215, %cond3A_1216 : i32
        scf.if %cond3A_1217 {
          %jit3A_1296 = arith.constant 32 : i32
          %div3A_1297 = arith.divsi %add3A_1187, %jit3A_1296 : i32
          %sign3A_1298 = arith.constant 0 : i32
          %sign3A_1299 = arith.cmpi sgt, %add3A_1187, %sign3A_1298 : i32
          %sign3A_1300 = arith.extui %sign3A_1299 : i1 to i32
          %sign3A_1301 = arith.constant 0 : i32
          %sign3A_1302 = arith.cmpi slt, %add3A_1187, %sign3A_1301 : i32
          %sign3A_1303 = arith.extui %sign3A_1302 : i1 to i32
          %sign3A_1304 = arith.subi %sign3A_1300, %sign3A_1303 : i32
          %sign3A_1305 = arith.constant 0 : i32
          %sign3A_1306 = arith.cmpi sgt, %jit3A_1296, %sign3A_1305 : i32
          %sign3A_1307 = arith.extui %sign3A_1306 : i1 to i32
          %sign3A_1308 = arith.constant 0 : i32
          %sign3A_1309 = arith.cmpi slt, %jit3A_1296, %sign3A_1308 : i32
          %sign3A_1310 = arith.extui %sign3A_1309 : i1 to i32
          %sign3A_1311 = arith.subi %sign3A_1307, %sign3A_1310 : i32
          %ne3A_1312 = arith.cmpi ne, %sign3A_1304, %sign3A_1311 : i32
          %rem3A_1313 = arith.remsi %add3A_1187, %jit3A_1296 : i32
          %ne3A_1314 = arith.constant 0 : i32
          %ne3A_1315 = arith.cmpi ne, %rem3A_1313, %ne3A_1314 : i32
          %and3A_1316 = arith.andi %ne3A_1312, %ne3A_1315 : i1
          %sub3A_1317 = arith.constant 1 : i32
          %sub3A_1318 = arith.subi %div3A_1297, %sub3A_1317 : i32
          %select_n3A_1319 = arith.select %and3A_1316, %sub3A_1318, %div3A_1297 : i32
          %mul3A_1320 = arith.constant 32 : i32
          %mul3A_1321 = arith.muli %select_n3A_1319, %mul3A_1320 : i32
          %add3A_1322 = arith.addi %mul3A_2, %mul3A_1321 : i32
          %jit3A_1323 = arith.constant 2 : i32
          %eq3A_1324 = arith.constant 0 : i32
          %eq3A_1325 = arith.cmpi eq, %jit3A_1323, %eq3A_1324 : i32
          %jit3A_1326 = arith.constant 1 : i32
          %select_n3A_1327 = arith.select %eq3A_1325, %jit3A_1326, %jit3A_1323 : i32
          %rem3A_1328 = arith.remsi %select_n3A_1319, %select_n3A_1327 : i32
          %ne3A_1329 = arith.constant 0 : i32
          %ne3A_1330 = arith.cmpi ne, %rem3A_1328, %ne3A_1329 : i32
          %lt3A_1331 = arith.constant 0 : i32
          %lt3A_1332 = arith.cmpi slt, %rem3A_1328, %lt3A_1331 : i32
          %lt3A_1333 = arith.constant 0 : i32
          %lt3A_1334 = arith.cmpi slt, %select_n3A_1327, %lt3A_1333 : i32
          %ne3A_1335 = arith.xori %lt3A_1332, %lt3A_1334 : i1
          %and3A_1336 = arith.andi %ne3A_1335, %ne3A_1330 : i1
          %add3A_1337 = arith.addi %rem3A_1328, %select_n3A_1327 : i32
          %select_n3A_1338 = arith.select %and3A_1336, %add3A_1337, %rem3A_1328 : i32
          %dma_wait3A_1339 = arith.constant 0 : i32
          %dma_wait3A_1340 = arith.constant 0 : i32
          %dma_wait3A_1341 = tpu.memref_slice %arg5[%select_n3A_1338, %dma_wait3A_1339, %dma_wait3A_1340] : memref<2x32x200xi32, #tpu.memory_space<vmem>> -> memref<1x32x200xi32, #tpu.memory_space<vmem>>
          %dma_wait3A_1342 = tpu.memref_squeeze %dma_wait3A_1341 : memref<1x32x200xi32, #tpu.memory_space<vmem>> -> memref<32x200xi32, #tpu.memory_space<vmem>>
          %dma_wait3A_1343 = arith.constant 0 : i32
          %dma_wait3A_1344 = tpu.memref_slice %arg3[%add3A_1322, %dma_wait3A_1343] : memref<16384x200xi32, #tpu.memory_space<hbm>> -> memref<32x200xi32, #tpu.memory_space<hbm>>
          %dma_wait3A_1345 = arith.constant 0 : i32
          %dma_wait3A_1346 = arith.constant 0 : i32
          %dma_wait3A_1347 = tpu.memref_slice %arg5[%select_n3A_1338, %dma_wait3A_1345, %dma_wait3A_1346] : memref<2x32x200xi32, #tpu.memory_space<vmem>> -> memref<1x32x200xi32, #tpu.memory_space<vmem>>
          %dma_wait3A_1348 = tpu.memref_squeeze %dma_wait3A_1347 : memref<1x32x200xi32, #tpu.memory_space<vmem>> -> memref<32x200xi32, #tpu.memory_space<vmem>>
          %dma_wait3A_1349 = arith.constant 0 : i32
          %dma_wait3A_1350 = tpu.memref_slice %arg3[%add3A_1322, %dma_wait3A_1349] : memref<16384x200xi32, #tpu.memory_space<hbm>> -> memref<32x200xi32, #tpu.memory_space<hbm>>
          tpu.wait_dma2 semaphore(%arg7 : memref<!tpu.dma_semaphore, #tpu.memory_space<semaphore_mem>>) src(%dma_wait3A_1350 : memref<32x200xi32, #tpu.memory_space<hbm>>) dst(%dma_wait3A_1348 : memref<32x200xi32, #tpu.memory_space<vmem>>)
          %add3A_1351 = arith.constant 1 : i32
          %add3A_1352 = arith.addi %select_n3A_1319, %add3A_1351 : i32
          %lt3A_1353 = arith.constant 16 : i32
          %lt3A_1354 = arith.cmpi slt, %add3A_1352, %lt3A_1353 : i32
          %convert_element_type3A_1355 = arith.extui %lt3A_1354 : i1 to i32
          %cond3A_1356 = arith.constant 0 : i32
          %cond3A_1357 = arith.cmpi ne, %convert_element_type3A_1355, %cond3A_1356 : i32
          scf.if %cond3A_1357 {
            %add3A_1358 = arith.constant 1 : i32
            %add3A_1359 = arith.addi %select_n3A_1319, %add3A_1358 : i32
            %mul3A_1360 = arith.constant 32 : i32
            %mul3A_1361 = arith.muli %add3A_1359, %mul3A_1360 : i32
            %add3A_1362 = arith.addi %mul3A_2, %mul3A_1361 : i32
            %jit3A_1363 = arith.constant 2 : i32
            %eq3A_1364 = arith.constant 0 : i32
            %eq3A_1365 = arith.cmpi eq, %jit3A_1363, %eq3A_1364 : i32
            %jit3A_1366 = arith.constant 1 : i32
            %select_n3A_1367 = arith.select %eq3A_1365, %jit3A_1366, %jit3A_1363 : i32
            %rem3A_1368 = arith.remsi %add3A_1359, %select_n3A_1367 : i32
            %ne3A_1369 = arith.constant 0 : i32
            %ne3A_1370 = arith.cmpi ne, %rem3A_1368, %ne3A_1369 : i32
            %lt3A_1371 = arith.constant 0 : i32
            %lt3A_1372 = arith.cmpi slt, %rem3A_1368, %lt3A_1371 : i32
            %lt3A_1373 = arith.constant 0 : i32
            %lt3A_1374 = arith.cmpi slt, %select_n3A_1367, %lt3A_1373 : i32
            %ne3A_1375 = arith.xori %lt3A_1372, %lt3A_1374 : i1
            %and3A_1376 = arith.andi %ne3A_1375, %ne3A_1370 : i1
            %add3A_1377 = arith.addi %rem3A_1368, %select_n3A_1367 : i32
            %select_n3A_1378 = arith.select %and3A_1376, %add3A_1377, %rem3A_1368 : i32
            %dma_start3A_1379 = arith.constant 0 : i32
            %dma_start3A_1380 = arith.constant 0 : i32
            %dma_start3A_1381 = tpu.memref_slice %arg5[%select_n3A_1378, %dma_start3A_1379, %dma_start3A_1380] : memref<2x32x200xi32, #tpu.memory_space<vmem>> -> memref<1x32x200xi32, #tpu.memory_space<vmem>>
            %dma_start3A_1382 = tpu.memref_squeeze %dma_start3A_1381 : memref<1x32x200xi32, #tpu.memory_space<vmem>> -> memref<32x200xi32, #tpu.memory_space<vmem>>
            %dma_start3A_1383 = arith.constant 0 : i32
            %dma_start3A_1384 = tpu.memref_slice %arg3[%add3A_1362, %dma_start3A_1383] : memref<16384x200xi32, #tpu.memory_space<hbm>> -> memref<32x200xi32, #tpu.memory_space<hbm>>
            %dma_start3A_1385 = arith.constant 0 : i32
            %dma_start3A_1386 = arith.constant 0 : i32
            %dma_start3A_1387 = tpu.memref_slice %arg5[%select_n3A_1378, %dma_start3A_1385, %dma_start3A_1386] : memref<2x32x200xi32, #tpu.memory_space<vmem>> -> memref<1x32x200xi32, #tpu.memory_space<vmem>>
            %dma_start3A_1388 = tpu.memref_squeeze %dma_start3A_1387 : memref<1x32x200xi32, #tpu.memory_space<vmem>> -> memref<32x200xi32, #tpu.memory_space<vmem>>
            %dma_start3A_1389 = arith.constant 0 : i32
            %dma_start3A_1390 = tpu.memref_slice %arg3[%add3A_1362, %dma_start3A_1389] : memref<16384x200xi32, #tpu.memory_space<hbm>> -> memref<32x200xi32, #tpu.memory_space<hbm>>
            tpu.enqueue_dma source(%dma_start3A_1390 : memref<32x200xi32, #tpu.memory_space<hbm>>) target(%dma_start3A_1388 : memref<32x200xi32, #tpu.memory_space<vmem>>) target_semaphore(%arg7 : memref<!tpu.dma_semaphore, #tpu.memory_space<semaphore_mem>>)
          } else {
          }
        } else {
        }
        %jit3A_1218 = arith.constant 32 : i32
        %div3A_1219 = arith.divsi %add3A_1187, %jit3A_1218 : i32
        %sign3A_1220 = arith.constant 0 : i32
        %sign3A_1221 = arith.cmpi sgt, %add3A_1187, %sign3A_1220 : i32
        %sign3A_1222 = arith.extui %sign3A_1221 : i1 to i32
        %sign3A_1223 = arith.constant 0 : i32
        %sign3A_1224 = arith.cmpi slt, %add3A_1187, %sign3A_1223 : i32
        %sign3A_1225 = arith.extui %sign3A_1224 : i1 to i32
        %sign3A_1226 = arith.subi %sign3A_1222, %sign3A_1225 : i32
        %sign3A_1227 = arith.constant 0 : i32
        %sign3A_1228 = arith.cmpi sgt, %jit3A_1218, %sign3A_1227 : i32
        %sign3A_1229 = arith.extui %sign3A_1228 : i1 to i32
        %sign3A_1230 = arith.constant 0 : i32
        %sign3A_1231 = arith.cmpi slt, %jit3A_1218, %sign3A_1230 : i32
        %sign3A_1232 = arith.extui %sign3A_1231 : i1 to i32
        %sign3A_1233 = arith.subi %sign3A_1229, %sign3A_1232 : i32
        %ne3A_1234 = arith.cmpi ne, %sign3A_1226, %sign3A_1233 : i32
        %rem3A_1235 = arith.remsi %add3A_1187, %jit3A_1218 : i32
        %ne3A_1236 = arith.constant 0 : i32
        %ne3A_1237 = arith.cmpi ne, %rem3A_1235, %ne3A_1236 : i32
        %and3A_1238 = arith.andi %ne3A_1234, %ne3A_1237 : i1
        %sub3A_1239 = arith.constant 1 : i32
        %sub3A_1240 = arith.subi %div3A_1219, %sub3A_1239 : i32
        %select_n3A_1241 = arith.select %and3A_1238, %sub3A_1240, %div3A_1219 : i32
        %jit3A_1242 = arith.constant 2 : i32
        %eq3A_1243 = arith.constant 0 : i32
        %eq3A_1244 = arith.cmpi eq, %jit3A_1242, %eq3A_1243 : i32
        %jit3A_1245 = arith.constant 1 : i32
        %select_n3A_1246 = arith.select %eq3A_1244, %jit3A_1245, %jit3A_1242 : i32
        %rem3A_1247 = arith.remsi %select_n3A_1241, %select_n3A_1246 : i32
        %ne3A_1248 = arith.constant 0 : i32
        %ne3A_1249 = arith.cmpi ne, %rem3A_1247, %ne3A_1248 : i32
        %lt3A_1250 = arith.constant 0 : i32
        %lt3A_1251 = arith.cmpi slt, %rem3A_1247, %lt3A_1250 : i32
        %lt3A_1252 = arith.constant 0 : i32
        %lt3A_1253 = arith.cmpi slt, %select_n3A_1246, %lt3A_1252 : i32
        %ne3A_1254 = arith.xori %lt3A_1251, %lt3A_1253 : i1
        %and3A_1255 = arith.andi %ne3A_1254, %ne3A_1249 : i1
        %add3A_1256 = arith.addi %rem3A_1247, %select_n3A_1246 : i32
        %select_n3A_1257 = arith.select %and3A_1255, %add3A_1256, %rem3A_1247 : i32
        %jit3A_1258 = arith.constant 32 : i32
        %eq3A_1259 = arith.constant 0 : i32
        %eq3A_1260 = arith.cmpi eq, %jit3A_1258, %eq3A_1259 : i32
        %jit3A_1261 = arith.constant 1 : i32
        %select_n3A_1262 = arith.select %eq3A_1260, %jit3A_1261, %jit3A_1258 : i32
        %rem3A_1263 = arith.remsi %add3A_1187, %select_n3A_1262 : i32
        %ne3A_1264 = arith.constant 0 : i32
        %ne3A_1265 = arith.cmpi ne, %rem3A_1263, %ne3A_1264 : i32
        %lt3A_1266 = arith.constant 0 : i32
        %lt3A_1267 = arith.cmpi slt, %rem3A_1263, %lt3A_1266 : i32
        %lt3A_1268 = arith.constant 0 : i32
        %lt3A_1269 = arith.cmpi slt, %select_n3A_1262, %lt3A_1268 : i32
        %ne3A_1270 = arith.xori %lt3A_1267, %lt3A_1269 : i1
        %and3A_1271 = arith.andi %ne3A_1270, %ne3A_1265 : i1
        %add3A_1272 = arith.addi %rem3A_1263, %select_n3A_1262 : i32
        %select_n3A_1273 = arith.select %and3A_1271, %add3A_1272, %rem3A_1263 : i32
        %dma_start3A_1274 = arith.constant 5 : i32
        %dma_start3A_1275 = arith.constant 0 : i32
        %dma_start3A_1276 = arith.constant 0 : i32
        %dma_start3A_1277 = tpu.memref_slice %arg6[%dma_start3A_1274, %dma_start3A_1275, %dma_start3A_1276] : memref<8x200x64xf32, #tpu.memory_space<vmem>> -> memref<1x128x64xf32, #tpu.memory_space<vmem>>
        %dma_start3A_1278 = tpu.memref_squeeze %dma_start3A_1277 : memref<1x128x64xf32, #tpu.memory_space<vmem>> -> memref<128x64xf32, #tpu.memory_space<vmem>>
        %dma_start3A_1279 = arith.constant 0 : i32
        %dma_start3A_1280 = tpu.memref_slice %arg5[%select_n3A_1257, %select_n3A_1273, %dma_start3A_1279] : memref<2x32x200xi32, #tpu.memory_space<vmem>> -> memref<1x1x128xi32, #tpu.memory_space<vmem>>
        %dma_start3A_1281 = tpu.memref_squeeze %dma_start3A_1280 : memref<1x1x128xi32, #tpu.memory_space<vmem>> -> memref<128xi32, #tpu.memory_space<vmem>>
        %dma_start3A_1282 = arith.constant 0 : i32
        %dma_start3A_1283 = arith.constant 0 : i32
        %dma_start3A_1284 = tpu.memref_slice %arg2[%dma_start3A_1282, %dma_start3A_1283] : memref<1000000x64xf32, #tpu.memory_space<hbm>> -> memref<1000000x64xf32, #tpu.memory_space<hbm>>
        tpu.enqueue_indirect_dma source(%dma_start3A_1284 : memref<1000000x64xf32, #tpu.memory_space<hbm>>) target(%dma_start3A_1278 : memref<128x64xf32, #tpu.memory_space<vmem>>) offsets(%dma_start3A_1281 : memref<128xi32, #tpu.memory_space<vmem>>) semaphore(%arg13 : memref<!tpu.dma_semaphore, #tpu.memory_space<semaphore_mem>>)
        %dma_start3A_1285 = arith.constant 5 : i32
        %dma_start3A_1286 = arith.constant 128 : i32
        %dma_start3A_1287 = arith.constant 0 : i32
        %dma_start3A_1288 = tpu.memref_slice %arg6[%dma_start3A_1285, %dma_start3A_1286, %dma_start3A_1287] : memref<8x200x64xf32, #tpu.memory_space<vmem>> -> memref<1x72x64xf32, #tpu.memory_space<vmem>>
        %dma_start3A_1289 = tpu.memref_squeeze %dma_start3A_1288 : memref<1x72x64xf32, #tpu.memory_space<vmem>> -> memref<72x64xf32, #tpu.memory_space<vmem>>
        %dma_start3A_1290 = arith.constant 128 : i32
        %dma_start3A_1291 = tpu.memref_slice %arg5[%select_n3A_1257, %select_n3A_1273, %dma_start3A_1290] : memref<2x32x200xi32, #tpu.memory_space<vmem>> -> memref<1x1x72xi32, #tpu.memory_space<vmem>>
        %dma_start3A_1292 = tpu.memref_squeeze %dma_start3A_1291 : memref<1x1x72xi32, #tpu.memory_space<vmem>> -> memref<72xi32, #tpu.memory_space<vmem>>
        %dma_start3A_1293 = arith.constant 0 : i32
        %dma_start3A_1294 = arith.constant 0 : i32
        %dma_start3A_1295 = tpu.memref_slice %arg2[%dma_start3A_1293, %dma_start3A_1294] : memref<1000000x64xf32, #tpu.memory_space<hbm>> -> memref<1000000x64xf32, #tpu.memory_space<hbm>>
        tpu.enqueue_indirect_dma source(%dma_start3A_1295 : memref<1000000x64xf32, #tpu.memory_space<hbm>>) target(%dma_start3A_1289 : memref<72x64xf32, #tpu.memory_space<vmem>>) offsets(%dma_start3A_1292 : memref<72xi32, #tpu.memory_space<vmem>>) semaphore(%arg13 : memref<!tpu.dma_semaphore, #tpu.memory_space<semaphore_mem>>)
      } else {
      }
    }
    %scan3A_205 = arith.constant 64 : i32
    %add3A_206 = arith.constant 504 : i32
    %add3A_207 = arith.addi %mul3A_2, %add3A_206 : i32
    %dma_wait3A_208 = arith.constant 0 : i32
    %dma_wait3A_209 = arith.constant 0 : i32
    %dma_wait3A_210 = arith.constant 0 : i32
    %dma_wait3A_211 = tpu.memref_slice %arg6[%dma_wait3A_208, %dma_wait3A_209, %dma_wait3A_210] : memref<8x200x64xf32, #tpu.memory_space<vmem>> -> memref<1x200x64xf32, #tpu.memory_space<vmem>>
    %dma_wait3A_212 = tpu.memref_squeeze %dma_wait3A_211 : memref<1x200x64xf32, #tpu.memory_space<vmem>> -> memref<200x64xf32, #tpu.memory_space<vmem>>
    %dma_wait3A_213 = arith.constant 0 : i32
    %dma_wait3A_214 = arith.constant 0 : i32
    %dma_wait3A_215 = tpu.memref_slice %arg4[%add3A_207, %dma_wait3A_213, %dma_wait3A_214] : memref<16384x200x128xf32, #tpu.memory_space<hbm>> -> memref<1x200x64xf32, #tpu.memory_space<hbm>>
    %dma_wait3A_216 = tpu.memref_squeeze %dma_wait3A_215 : memref<1x200x64xf32, #tpu.memory_space<hbm>> -> memref<200x64xf32, #tpu.memory_space<hbm>>
    %dma_wait3A_217 = arith.constant 0 : i32
    %dma_wait3A_218 = arith.constant 0 : i32
    %dma_wait3A_219 = tpu.memref_slice %arg4[%add3A_207, %dma_wait3A_217, %dma_wait3A_218] : memref<16384x200x128xf32, #tpu.memory_space<hbm>> -> memref<1x200x64xf32, #tpu.memory_space<hbm>>
    %dma_wait3A_220 = tpu.memref_squeeze %dma_wait3A_219 : memref<1x200x64xf32, #tpu.memory_space<hbm>> -> memref<200x64xf32, #tpu.memory_space<hbm>>
    %dma_wait3A_221 = arith.constant 0 : i32
    %dma_wait3A_222 = arith.constant 0 : i32
    %dma_wait3A_223 = tpu.memref_slice %arg6[%dma_wait3A_208, %dma_wait3A_221, %dma_wait3A_222] : memref<8x200x64xf32, #tpu.memory_space<vmem>> -> memref<1x200x64xf32, #tpu.memory_space<vmem>>
    %dma_wait3A_224 = tpu.memref_squeeze %dma_wait3A_223 : memref<1x200x64xf32, #tpu.memory_space<vmem>> -> memref<200x64xf32, #tpu.memory_space<vmem>>
    tpu.wait_dma2 semaphore(%arg16 : memref<!tpu.dma_semaphore, #tpu.memory_space<semaphore_mem>>) src(%dma_wait3A_224 : memref<200x64xf32, #tpu.memory_space<vmem>>) dst(%dma_wait3A_220 : memref<200x64xf32, #tpu.memory_space<hbm>>)
    %add3A_225 = arith.constant 505 : i32
    %add3A_226 = arith.addi %mul3A_2, %add3A_225 : i32
    %dma_wait3A_227 = arith.constant 1 : i32
    %dma_wait3A_228 = arith.constant 0 : i32
    %dma_wait3A_229 = arith.constant 0 : i32
    %dma_wait3A_230 = tpu.memref_slice %arg6[%dma_wait3A_227, %dma_wait3A_228, %dma_wait3A_229] : memref<8x200x64xf32, #tpu.memory_space<vmem>> -> memref<1x200x64xf32, #tpu.memory_space<vmem>>
    %dma_wait3A_231 = tpu.memref_squeeze %dma_wait3A_230 : memref<1x200x64xf32, #tpu.memory_space<vmem>> -> memref<200x64xf32, #tpu.memory_space<vmem>>
    %dma_wait3A_232 = arith.constant 0 : i32
    %dma_wait3A_233 = arith.constant 0 : i32
    %dma_wait3A_234 = tpu.memref_slice %arg4[%add3A_226, %dma_wait3A_232, %dma_wait3A_233] : memref<16384x200x128xf32, #tpu.memory_space<hbm>> -> memref<1x200x64xf32, #tpu.memory_space<hbm>>
    %dma_wait3A_235 = tpu.memref_squeeze %dma_wait3A_234 : memref<1x200x64xf32, #tpu.memory_space<hbm>> -> memref<200x64xf32, #tpu.memory_space<hbm>>
    %dma_wait3A_236 = arith.constant 0 : i32
    %dma_wait3A_237 = arith.constant 0 : i32
    %dma_wait3A_238 = tpu.memref_slice %arg4[%add3A_226, %dma_wait3A_236, %dma_wait3A_237] : memref<16384x200x128xf32, #tpu.memory_space<hbm>> -> memref<1x200x64xf32, #tpu.memory_space<hbm>>
    %dma_wait3A_239 = tpu.memref_squeeze %dma_wait3A_238 : memref<1x200x64xf32, #tpu.memory_space<hbm>> -> memref<200x64xf32, #tpu.memory_space<hbm>>
    %dma_wait3A_240 = arith.constant 0 : i32
    %dma_wait3A_241 = arith.constant 0 : i32
    %dma_wait3A_242 = tpu.memref_slice %arg6[%dma_wait3A_227, %dma_wait3A_240, %dma_wait3A_241] : memref<8x200x64xf32, #tpu.memory_space<vmem>> -> memref<1x200x64xf32, #tpu.memory_space<vmem>>
    %dma_wait3A_243 = tpu.memref_squeeze %dma_wait3A_242 : memref<1x200x64xf32, #tpu.memory_space<vmem>> -> memref<200x64xf32, #tpu.memory_space<vmem>>
    tpu.wait_dma2 semaphore(%arg17 : memref<!tpu.dma_semaphore, #tpu.memory_space<semaphore_mem>>) src(%dma_wait3A_243 : memref<200x64xf32, #tpu.memory_space<vmem>>) dst(%dma_wait3A_239 : memref<200x64xf32, #tpu.memory_space<hbm>>)
    %add3A_244 = arith.constant 506 : i32
    %add3A_245 = arith.addi %mul3A_2, %add3A_244 : i32
    %dma_wait3A_246 = arith.constant 2 : i32
    %dma_wait3A_247 = arith.constant 0 : i32
    %dma_wait3A_248 = arith.constant 0 : i32
    %dma_wait3A_249 = tpu.memref_slice %arg6[%dma_wait3A_246, %dma_wait3A_247, %dma_wait3A_248] : memref<8x200x64xf32, #tpu.memory_space<vmem>> -> memref<1x200x64xf32, #tpu.memory_space<vmem>>
    %dma_wait3A_250 = tpu.memref_squeeze %dma_wait3A_249 : memref<1x200x64xf32, #tpu.memory_space<vmem>> -> memref<200x64xf32, #tpu.memory_space<vmem>>
    %dma_wait3A_251 = arith.constant 0 : i32
    %dma_wait3A_252 = arith.constant 0 : i32
    %dma_wait3A_253 = tpu.memref_slice %arg4[%add3A_245, %dma_wait3A_251, %dma_wait3A_252] : memref<16384x200x128xf32, #tpu.memory_space<hbm>> -> memref<1x200x64xf32, #tpu.memory_space<hbm>>
    %dma_wait3A_254 = tpu.memref_squeeze %dma_wait3A_253 : memref<1x200x64xf32, #tpu.memory_space<hbm>> -> memref<200x64xf32, #tpu.memory_space<hbm>>
    %dma_wait3A_255 = arith.constant 0 : i32
    %dma_wait3A_256 = arith.constant 0 : i32
    %dma_wait3A_257 = tpu.memref_slice %arg4[%add3A_245, %dma_wait3A_255, %dma_wait3A_256] : memref<16384x200x128xf32, #tpu.memory_space<hbm>> -> memref<1x200x64xf32, #tpu.memory_space<hbm>>
    %dma_wait3A_258 = tpu.memref_squeeze %dma_wait3A_257 : memref<1x200x64xf32, #tpu.memory_space<hbm>> -> memref<200x64xf32, #tpu.memory_space<hbm>>
    %dma_wait3A_259 = arith.constant 0 : i32
    %dma_wait3A_260 = arith.constant 0 : i32
    %dma_wait3A_261 = tpu.memref_slice %arg6[%dma_wait3A_246, %dma_wait3A_259, %dma_wait3A_260] : memref<8x200x64xf32, #tpu.memory_space<vmem>> -> memref<1x200x64xf32, #tpu.memory_space<vmem>>
    %dma_wait3A_262 = tpu.memref_squeeze %dma_wait3A_261 : memref<1x200x64xf32, #tpu.memory_space<vmem>> -> memref<200x64xf32, #tpu.memory_space<vmem>>
    tpu.wait_dma2 semaphore(%arg18 : memref<!tpu.dma_semaphore, #tpu.memory_space<semaphore_mem>>) src(%dma_wait3A_262 : memref<200x64xf32, #tpu.memory_space<vmem>>) dst(%dma_wait3A_258 : memref<200x64xf32, #tpu.memory_space<hbm>>)
    %add3A_263 = arith.constant 507 : i32
    %add3A_264 = arith.addi %mul3A_2, %add3A_263 : i32
    %dma_wait3A_265 = arith.constant 3 : i32
    %dma_wait3A_266 = arith.constant 0 : i32
    %dma_wait3A_267 = arith.constant 0 : i32
    %dma_wait3A_268 = tpu.memref_slice %arg6[%dma_wait3A_265, %dma_wait3A_266, %dma_wait3A_267] : memref<8x200x64xf32, #tpu.memory_space<vmem>> -> memref<1x200x64xf32, #tpu.memory_space<vmem>>
    %dma_wait3A_269 = tpu.memref_squeeze %dma_wait3A_268 : memref<1x200x64xf32, #tpu.memory_space<vmem>> -> memref<200x64xf32, #tpu.memory_space<vmem>>
    %dma_wait3A_270 = arith.constant 0 : i32
    %dma_wait3A_271 = arith.constant 0 : i32
    %dma_wait3A_272 = tpu.memref_slice %arg4[%add3A_264, %dma_wait3A_270, %dma_wait3A_271] : memref<16384x200x128xf32, #tpu.memory_space<hbm>> -> memref<1x200x64xf32, #tpu.memory_space<hbm>>
    %dma_wait3A_273 = tpu.memref_squeeze %dma_wait3A_272 : memref<1x200x64xf32, #tpu.memory_space<hbm>> -> memref<200x64xf32, #tpu.memory_space<hbm>>
    %dma_wait3A_274 = arith.constant 0 : i32
    %dma_wait3A_275 = arith.constant 0 : i32
    %dma_wait3A_276 = tpu.memref_slice %arg4[%add3A_264, %dma_wait3A_274, %dma_wait3A_275] : memref<16384x200x128xf32, #tpu.memory_space<hbm>> -> memref<1x200x64xf32, #tpu.memory_space<hbm>>
    %dma_wait3A_277 = tpu.memref_squeeze %dma_wait3A_276 : memref<1x200x64xf32, #tpu.memory_space<hbm>> -> memref<200x64xf32, #tpu.memory_space<hbm>>
    %dma_wait3A_278 = arith.constant 0 : i32
    %dma_wait3A_279 = arith.constant 0 : i32
    %dma_wait3A_280 = tpu.memref_slice %arg6[%dma_wait3A_265, %dma_wait3A_278, %dma_wait3A_279] : memref<8x200x64xf32, #tpu.memory_space<vmem>> -> memref<1x200x64xf32, #tpu.memory_space<vmem>>
    %dma_wait3A_281 = tpu.memref_squeeze %dma_wait3A_280 : memref<1x200x64xf32, #tpu.memory_space<vmem>> -> memref<200x64xf32, #tpu.memory_space<vmem>>
    tpu.wait_dma2 semaphore(%arg19 : memref<!tpu.dma_semaphore, #tpu.memory_space<semaphore_mem>>) src(%dma_wait3A_281 : memref<200x64xf32, #tpu.memory_space<vmem>>) dst(%dma_wait3A_277 : memref<200x64xf32, #tpu.memory_space<hbm>>)
    %add3A_282 = arith.constant 508 : i32
    %add3A_283 = arith.addi %mul3A_2, %add3A_282 : i32
    %dma_wait3A_284 = arith.constant 4 : i32
    %dma_wait3A_285 = arith.constant 0 : i32
    %dma_wait3A_286 = arith.constant 0 : i32
    %dma_wait3A_287 = tpu.memref_slice %arg6[%dma_wait3A_284, %dma_wait3A_285, %dma_wait3A_286] : memref<8x200x64xf32, #tpu.memory_space<vmem>> -> memref<1x200x64xf32, #tpu.memory_space<vmem>>
    %dma_wait3A_288 = tpu.memref_squeeze %dma_wait3A_287 : memref<1x200x64xf32, #tpu.memory_space<vmem>> -> memref<200x64xf32, #tpu.memory_space<vmem>>
    %dma_wait3A_289 = arith.constant 0 : i32
    %dma_wait3A_290 = arith.constant 0 : i32
    %dma_wait3A_291 = tpu.memref_slice %arg4[%add3A_283, %dma_wait3A_289, %dma_wait3A_290] : memref<16384x200x128xf32, #tpu.memory_space<hbm>> -> memref<1x200x64xf32, #tpu.memory_space<hbm>>
    %dma_wait3A_292 = tpu.memref_squeeze %dma_wait3A_291 : memref<1x200x64xf32, #tpu.memory_space<hbm>> -> memref<200x64xf32, #tpu.memory_space<hbm>>
    %dma_wait3A_293 = arith.constant 0 : i32
    %dma_wait3A_294 = arith.constant 0 : i32
    %dma_wait3A_295 = tpu.memref_slice %arg4[%add3A_283, %dma_wait3A_293, %dma_wait3A_294] : memref<16384x200x128xf32, #tpu.memory_space<hbm>> -> memref<1x200x64xf32, #tpu.memory_space<hbm>>
    %dma_wait3A_296 = tpu.memref_squeeze %dma_wait3A_295 : memref<1x200x64xf32, #tpu.memory_space<hbm>> -> memref<200x64xf32, #tpu.memory_space<hbm>>
    %dma_wait3A_297 = arith.constant 0 : i32
    %dma_wait3A_298 = arith.constant 0 : i32
    %dma_wait3A_299 = tpu.memref_slice %arg6[%dma_wait3A_284, %dma_wait3A_297, %dma_wait3A_298] : memref<8x200x64xf32, #tpu.memory_space<vmem>> -> memref<1x200x64xf32, #tpu.memory_space<vmem>>
    %dma_wait3A_300 = tpu.memref_squeeze %dma_wait3A_299 : memref<1x200x64xf32, #tpu.memory_space<vmem>> -> memref<200x64xf32, #tpu.memory_space<vmem>>
    tpu.wait_dma2 semaphore(%arg20 : memref<!tpu.dma_semaphore, #tpu.memory_space<semaphore_mem>>) src(%dma_wait3A_300 : memref<200x64xf32, #tpu.memory_space<vmem>>) dst(%dma_wait3A_296 : memref<200x64xf32, #tpu.memory_space<hbm>>)
    %add3A_301 = arith.constant 509 : i32
    %add3A_302 = arith.addi %mul3A_2, %add3A_301 : i32
    %dma_wait3A_303 = arith.constant 5 : i32
    %dma_wait3A_304 = arith.constant 0 : i32
    %dma_wait3A_305 = arith.constant 0 : i32
    %dma_wait3A_306 = tpu.memref_slice %arg6[%dma_wait3A_303, %dma_wait3A_304, %dma_wait3A_305] : memref<8x200x64xf32, #tpu.memory_space<vmem>> -> memref<1x200x64xf32, #tpu.memory_space<vmem>>
    %dma_wait3A_307 = tpu.memref_squeeze %dma_wait3A_306 : memref<1x200x64xf32, #tpu.memory_space<vmem>> -> memref<200x64xf32, #tpu.memory_space<vmem>>
    %dma_wait3A_308 = arith.constant 0 : i32
    %dma_wait3A_309 = arith.constant 0 : i32
    %dma_wait3A_310 = tpu.memref_slice %arg4[%add3A_302, %dma_wait3A_308, %dma_wait3A_309] : memref<16384x200x128xf32, #tpu.memory_space<hbm>> -> memref<1x200x64xf32, #tpu.memory_space<hbm>>
    %dma_wait3A_311 = tpu.memref_squeeze %dma_wait3A_310 : memref<1x200x64xf32, #tpu.memory_space<hbm>> -> memref<200x64xf32, #tpu.memory_space<hbm>>
    %dma_wait3A_312 = arith.constant 0 : i32
    %dma_wait3A_313 = arith.constant 0 : i32
    %dma_wait3A_314 = tpu.memref_slice %arg4[%add3A_302, %dma_wait3A_312, %dma_wait3A_313] : memref<16384x200x128xf32, #tpu.memory_space<hbm>> -> memref<1x200x64xf32, #tpu.memory_space<hbm>>
    %dma_wait3A_315 = tpu.memref_squeeze %dma_wait3A_314 : memref<1x200x64xf32, #tpu.memory_space<hbm>> -> memref<200x64xf32, #tpu.memory_space<hbm>>
    %dma_wait3A_316 = arith.constant 0 : i32
    %dma_wait3A_317 = arith.constant 0 : i32
    %dma_wait3A_318 = tpu.memref_slice %arg6[%dma_wait3A_303, %dma_wait3A_316, %dma_wait3A_317] : memref<8x200x64xf32, #tpu.memory_space<vmem>> -> memref<1x200x64xf32, #tpu.memory_space<vmem>>
    %dma_wait3A_319 = tpu.memref_squeeze %dma_wait3A_318 : memref<1x200x64xf32, #tpu.memory_space<vmem>> -> memref<200x64xf32, #tpu.memory_space<vmem>>
    tpu.wait_dma2 semaphore(%arg21 : memref<!tpu.dma_semaphore, #tpu.memory_space<semaphore_mem>>) src(%dma_wait3A_319 : memref<200x64xf32, #tpu.memory_space<vmem>>) dst(%dma_wait3A_315 : memref<200x64xf32, #tpu.memory_space<hbm>>)
    %add3A_320 = arith.constant 510 : i32
    %add3A_321 = arith.addi %mul3A_2, %add3A_320 : i32
    %dma_wait3A_322 = arith.constant 6 : i32
    %dma_wait3A_323 = arith.constant 0 : i32
    %dma_wait3A_324 = arith.constant 0 : i32
    %dma_wait3A_325 = tpu.memref_slice %arg6[%dma_wait3A_322, %dma_wait3A_323, %dma_wait3A_324] : memref<8x200x64xf32, #tpu.memory_space<vmem>> -> memref<1x200x64xf32, #tpu.memory_space<vmem>>
    %dma_wait3A_326 = tpu.memref_squeeze %dma_wait3A_325 : memref<1x200x64xf32, #tpu.memory_space<vmem>> -> memref<200x64xf32, #tpu.memory_space<vmem>>
    %dma_wait3A_327 = arith.constant 0 : i32
    %dma_wait3A_328 = arith.constant 0 : i32
    %dma_wait3A_329 = tpu.memref_slice %arg4[%add3A_321, %dma_wait3A_327, %dma_wait3A_328] : memref<16384x200x128xf32, #tpu.memory_space<hbm>> -> memref<1x200x64xf32, #tpu.memory_space<hbm>>
    %dma_wait3A_330 = tpu.memref_squeeze %dma_wait3A_329 : memref<1x200x64xf32, #tpu.memory_space<hbm>> -> memref<200x64xf32, #tpu.memory_space<hbm>>
    %dma_wait3A_331 = arith.constant 0 : i32
    %dma_wait3A_332 = arith.constant 0 : i32
    %dma_wait3A_333 = tpu.memref_slice %arg4[%add3A_321, %dma_wait3A_331, %dma_wait3A_332] : memref<16384x200x128xf32, #tpu.memory_space<hbm>> -> memref<1x200x64xf32, #tpu.memory_space<hbm>>
    %dma_wait3A_334 = tpu.memref_squeeze %dma_wait3A_333 : memref<1x200x64xf32, #tpu.memory_space<hbm>> -> memref<200x64xf32, #tpu.memory_space<hbm>>
    %dma_wait3A_335 = arith.constant 0 : i32
    %dma_wait3A_336 = arith.constant 0 : i32
    %dma_wait3A_337 = tpu.memref_slice %arg6[%dma_wait3A_322, %dma_wait3A_335, %dma_wait3A_336] : memref<8x200x64xf32, #tpu.memory_space<vmem>> -> memref<1x200x64xf32, #tpu.memory_space<vmem>>
    %dma_wait3A_338 = tpu.memref_squeeze %dma_wait3A_337 : memref<1x200x64xf32, #tpu.memory_space<vmem>> -> memref<200x64xf32, #tpu.memory_space<vmem>>
    tpu.wait_dma2 semaphore(%arg22 : memref<!tpu.dma_semaphore, #tpu.memory_space<semaphore_mem>>) src(%dma_wait3A_338 : memref<200x64xf32, #tpu.memory_space<vmem>>) dst(%dma_wait3A_334 : memref<200x64xf32, #tpu.memory_space<hbm>>)
    %add3A_339 = arith.constant 511 : i32
    %add3A_340 = arith.addi %mul3A_2, %add3A_339 : i32
    %dma_wait3A_341 = arith.constant 7 : i32
    %dma_wait3A_342 = arith.constant 0 : i32
    %dma_wait3A_343 = arith.constant 0 : i32
    %dma_wait3A_344 = tpu.memref_slice %arg6[%dma_wait3A_341, %dma_wait3A_342, %dma_wait3A_343] : memref<8x200x64xf32, #tpu.memory_space<vmem>> -> memref<1x200x64xf32, #tpu.memory_space<vmem>>
    %dma_wait3A_345 = tpu.memref_squeeze %dma_wait3A_344 : memref<1x200x64xf32, #tpu.memory_space<vmem>> -> memref<200x64xf32, #tpu.memory_space<vmem>>
    %dma_wait3A_346 = arith.constant 0 : i32
    %dma_wait3A_347 = arith.constant 0 : i32
    %dma_wait3A_348 = tpu.memref_slice %arg4[%add3A_340, %dma_wait3A_346, %dma_wait3A_347] : memref<16384x200x128xf32, #tpu.memory_space<hbm>> -> memref<1x200x64xf32, #tpu.memory_space<hbm>>
    %dma_wait3A_349 = tpu.memref_squeeze %dma_wait3A_348 : memref<1x200x64xf32, #tpu.memory_space<hbm>> -> memref<200x64xf32, #tpu.memory_space<hbm>>
    %dma_wait3A_350 = arith.constant 0 : i32
    %dma_wait3A_351 = arith.constant 0 : i32
    %dma_wait3A_352 = tpu.memref_slice %arg4[%add3A_340, %dma_wait3A_350, %dma_wait3A_351] : memref<16384x200x128xf32, #tpu.memory_space<hbm>> -> memref<1x200x64xf32, #tpu.memory_space<hbm>>
    %dma_wait3A_353 = tpu.memref_squeeze %dma_wait3A_352 : memref<1x200x64xf32, #tpu.memory_space<hbm>> -> memref<200x64xf32, #tpu.memory_space<hbm>>
    %dma_wait3A_354 = arith.constant 0 : i32
    %dma_wait3A_355 = arith.constant 0 : i32
    %dma_wait3A_356 = tpu.memref_slice %arg6[%dma_wait3A_341, %dma_wait3A_354, %dma_wait3A_355] : memref<8x200x64xf32, #tpu.memory_space<vmem>> -> memref<1x200x64xf32, #tpu.memory_space<vmem>>
    %dma_wait3A_357 = tpu.memref_squeeze %dma_wait3A_356 : memref<1x200x64xf32, #tpu.memory_space<vmem>> -> memref<200x64xf32, #tpu.memory_space<vmem>>
    tpu.wait_dma2 semaphore(%arg23 : memref<!tpu.dma_semaphore, #tpu.memory_space<semaphore_mem>>) src(%dma_wait3A_357 : memref<200x64xf32, #tpu.memory_space<vmem>>) dst(%dma_wait3A_353 : memref<200x64xf32, #tpu.memory_space<hbm>>)
    return
  }
}

</mosaic_0001>

<sc_bundles>
// kernel: kernel.3.cloned.1.call-start
scs
__scs_entry_jumppad:
0x0: {  	(pc) =	sbr.rel $0x88, $3  }
0x1: {  	(tag) =	ssettag $0x0;
	lr =	simm.s32 $0x1  }
0x2: {  	[smem:$0x3F9F] =	sst lr;
	_ =	strace $0xD0000000  }
0x3: {  	_ = 	snop  }
0x4: {  	_ = 	snop  }
0x5: {  	_ = 	snop  }
0x6: {  	_ = 	snop  }
0x7: {  	_ = 	snop  }
__scs_overlays_trampoline_lowered:
0x8: {  	[smem:$0x3FAE] =	sst s0  }
0x9: {  	[smem:$0x3FAF] =	sst s1  }
0xa: {  	[smem:$0x3FB0] =	sst s2  }
0xb: {  	[smem:$0x3FB1] =	sst s3  }
0xc: {  	[smem:$0x3FB2] =	sst s4  }
0xd: {  	[smem:$0x3FB3] =	sst s5  }
0xe: {  	[smem:$0x3FB4] =	sst s6  }
0xf: {  	[smem:$0x3FB5] =	sst s7  }
0x10: {  	[smem:$0x3FB6] =	sst s8  }
0x11: {  	[smem:$0x3FB7] =	sst s9;
	s0 =	simm.s32 @!p0 $0x0  }
0x12: {  	s1 =	sld [smem:$0x3F9D];
	s0 =	simm.s32 @p0 $0x1  }
0x13: {  	[smem:$0x3FB8] =	sst s0;
	s0 =	simm.s32 @!p1 $0x0  }
0x14: {  	s2 =	sld [smem:$0x3F9C];
	s0 =	simm.s32 @p1 $0x1  }
0x15: {  	[smem:$0x3FB9] =	sst s0;
	s0 =	simm.s32 @!p2 $0x0  }
0x16: {  	s3 =	sld [smem:$0x3FDB];
	s0 =	simm.s32 @p2 $0x1  }
0x17: {  	s4 =	simm.s32 $0x1BF5;
	[smem:$0x3FBB] =	sst s0  }
0x18: {  	s0 =	sld [smem:$0x3F9E];
	_ =	swait.ge [sflag:s4], $0x0  }
0x19: {  	s7 =	sld [smem:$0x3F9F]  }
0x1a: {  	s8 =	sadd.s32 $0xFFFFE003, lr  }
0x1b: {  	s9 =	sadd.s32 $0xFFFFFEF7, lr;
	s5 =	simm.s32 $0xFFFFFFFF;
	p2 =	slt.u32 s8, $0xFFFFF086  }
0x1c: {  	p1 =	slt.u32 s9, $0xF7A;
	s5 =	simm.s32 @!p2 $0x0  }
0x1d: {  	s5 =	simm.s32 @p1 $0x1;
	p0 =	seq.s32 s7, s2  }
0x1e: {  	s7 =	smul.u32 @!p0 $0xF7A, s2;
	p2 =	seq.s32 @!p0 s5, $0x0  }
0x1f: {  	s9 =	smul.u32 $0xF7A, s1;
	s8 =	simm.s32 @!p0 $0x1BF5;
	p2 =	por !p2, p0  }
0x20: {  	[sflag:s8] =	ssyncset.s32 @!p0 $0xFFFFF086;
	s6 =	sadd.s32 @!p0 s3, s7;
	s7 =	simm.s32 @!p0 $0x108  }
0x21: {  	s3 =	sadd.s32 s3, s9;
	s6 =	sadd.s32 @!p0 $0x88, s6;
	s7 =	simm.s32 @p2 $0x1082  }
0x22: {  	[simem:s7], [sflag:s8] =	dma.local @!p0 [hbm:s6], $0xF7A  }
0x23: {  	s9 =	sor.u32 $0xD0000000, s2;
	s6 =	simm.s32 $0x108;
	_ =	swait.ge @!p0 [sflag:s8], $0x0  }
0x24: {  	s3 =	sadd.s32 $0x88, s3;
	s6 =	simm.s32 @!p1 $0x1082;
	[sflag:s4] =	ssyncset.s32 $0xFFFFF086  }
0x25: {  	[simem:s6], [sflag:s4] =	dma.local [hbm:s3], $0xF7A  }
0x26: {  	[smem:$0x3F9F] =	sst s1;
	(tag) =	ssettag s2;
	_ =	strace s9  }
0x27: {  	s1 =	sld [smem:$0x3FAF]  }
0x28: {  	s2 =	sld [smem:$0x3FB0]  }
0x29: {  	s4 =	sld [smem:$0x3FB2]  }
0x2a: {  	p0 =	seq.s32 s5, $0x0;
	s5 =	sld [smem:$0x3FB3]  }
0x2b: {  	s6 =	sld [smem:$0x3FB4]  }
0x2c: {  	s7 =	sld [smem:$0x3FB5]  }
0x2d: {  	s3 =	simm.s32 $0x108;
	s8 =	sld [smem:$0x3FB6]  }
0x2e: {  	s3 =	simm.s32 @!p0 $0x1082;
	s9 =	sld [smem:$0x3FB7]  }
0x2f: {  	lr =	sadd.s32 s0, s3;
	s0 =	sld [smem:$0x3FAE]  }
0x30: {  	s3 =	sld [smem:$0x3FB1]  }
0x31: {  	[smem:$0x3FBA] =	sst s10  }
0x32: {  	s10 =	sld [smem:$0x3FB8];
	_ =	sdelay $0x3  }
0x33: {  	p0 =	seq.s32 s10, $0x1;
	s10 =	sld [smem:$0x3FBA];
	_ =	sdelay $0x3  }
0x34: {  	[smem:$0x3FBA] =	sst s10  }
0x35: {  	s10 =	sld [smem:$0x3FB9];
	_ =	sdelay $0x3  }
0x36: {  	p1 =	seq.s32 s10, $0x1;
	s10 =	sld [smem:$0x3FBA];
	_ =	sdelay $0x3  }
0x37: {  	[smem:$0x3FBA] =	sst s10  }
0x38: {  	s10 =	sld [smem:$0x3FBB]  }
0x39: {  	_ = 	snop;
	(pc) =	sbr.ind lr, $3  }
0x3a: {  	_ = 	snop  }
0x3b: {  	_ = 	snop  }
0x3c: {  	p2 =	seq.s32 s10, $0x1;
	s10 =	sld [smem:$0x3FBA]  }
0x3d: {  	_ =	shalt  }
0x3e: {  	_ =	shalt  }
0x3f: {  	_ =	shalt  }
0x40: {  	_ =	shalt  }
0x41: {  	_ =	shalt  }
0x42: {  	_ =	shalt  }
0x43: {  	_ =	shalt  }
0x44: {  	_ =	shalt  }
0x45: {  	_ =	shalt  }
0x46: {  	_ =	shalt  }
0x47: {  	_ =	shalt  }
0x48: {  	_ =	shalt  }
0x49: {  	_ =	shalt  }
0x4a: {  	_ =	shalt  }
0x4b: {  	_ =	shalt  }
0x4c: {  	_ =	shalt  }
0x4d: {  	_ =	shalt  }
0x4e: {  	_ =	shalt  }
0x4f: {  	_ =	shalt  }
0x50: {  	_ =	shalt  }
0x51: {  	_ =	shalt  }
0x52: {  	_ =	shalt  }
0x53: {  	_ =	shalt  }
0x54: {  	_ =	shalt  }
0x55: {  	_ =	shalt  }
0x56: {  	_ =	shalt  }
0x57: {  	_ =	shalt  }
0x58: {  	_ =	shalt  }
0x59: {  	_ =	shalt  }
0x5a: {  	_ =	shalt  }
0x5b: {  	_ =	shalt  }
0x5c: {  	_ =	shalt  }
0x5d: {  	_ =	shalt  }
0x5e: {  	_ =	shalt  }
0x5f: {  	_ =	shalt  }
0x60: {  	_ =	shalt  }
0x61: {  	_ =	shalt  }
0x62: {  	_ =	shalt  }
0x63: {  	_ =	shalt  }
0x64: {  	_ =	shalt  }
0x65: {  	_ =	shalt  }
0x66: {  	_ =	shalt  }
0x67: {  	_ =	shalt  }
0x68: {  	_ =	shalt  }
0x69: {  	_ =	shalt  }
0x6a: {  	_ =	shalt  }
0x6b: {  	_ =	shalt  }
0x6c: {  	_ =	shalt  }
0x6d: {  	_ =	shalt  }
0x6e: {  	_ =	shalt  }
0x6f: {  	_ =	shalt  }
0x70: {  	_ =	shalt  }
0x71: {  	_ =	shalt  }
0x72: {  	_ =	shalt  }
0x73: {  	_ =	shalt  }
0x74: {  	_ =	shalt  }
0x75: {  	_ =	shalt  }
0x76: {  	_ =	shalt  }
0x77: {  	_ =	shalt  }
0x78: {  	_ =	shalt  }
0x79: {  	_ =	shalt  }
0x7a: {  	_ =	shalt  }
0x7b: {  	_ =	shalt  }
0x7c: {  	_ =	shalt  }
0x7d: {  	_ =	shalt  }
0x7e: {  	_ =	shalt  }
0x7f: {  	_ =	shalt  }
0x80: {  	_ =	shalt  }
0x81: {  	_ =	shalt  }
0x82: {  	_ =	shalt  }
0x83: {  	_ =	shalt  }
0x84: {  	_ =	shalt  }
0x85: {  	_ =	shalt  }
0x86: {  	_ =	shalt  }
0x87: {  	_ =	shalt  }
.Lfunc_end0:
.L_simem_size_0:
called_computation.1_lowered:
.L_overlay_start_0:
0x88: {  	s2 =	sld [smem:$0x3FD9]  }
0x89: {  	s3 =	sld [smem:$0x3FFE];
	_ =	sdelay $0x1  }
0x8a: {  	s1 =	srdreg.scid  }
0x8b: {  	s0 =	sand.u32 $0x1, s1  }
0x8c: {  	s16 =	sshll.u32 s0, $0xA;
	s2 =	sadd.s32 s3, s2  }
0x8d: {  	s2 =	sadd.s32 s2, s16  }
0x8e: {  	[smem:$0x3FC6] =	sst s2  }
0x8f: {  	_ = 	snop  }
0x90: {  	(tm) =	ssettm $0x1  }
0x91: {  	s17 =	sld [smem:$0x3FFB];
	_ =	sdelay $0x3  }
0x92: {  	_ =	strace s17  }
0x93: {  	s2 =	sld [smem:$0x3FFC];
	_ =	sdelay $0x3  }
0x94: {  	_ =	strace s2  }
0x95: {  	s2 =	sld [smem:$0x3FFD];
	_ =	sdelay $0x3  }
0x96: {  	_ =	strace s2  }
0x97: {  	_ =	strace $0x8FFFFFFF  }
0x98: {  	s18 =	sld [smem:$0x3FDB];
	_ =	sdelay $0x1  }
0x99: {  	s19 =	simm.s32 $_scs_section_size  }
0x9a: {  	s4 =	simm.s32 $_size__tile_overlayer_lowered;
	s5 =	simm.s32 $_tile_overlayer_lowered  }
0x9b: {  	s22 =	simm.s32 $0x1BFF;
	s21 =	sshll.u32 s5, $0x1;
	s2 =	sadd.s32 s19, s18  }
0x9c: {  	s6 =	simm.s32 $0x0;
	s20 =	sshll.u32 s4, $0x1;
	s4 =	sadd.s32 s21, s2  }
0x9d: {  	[timem:s6], [sflag:s22] =	dma.local [hbm:s4], s20  }
0x9e: {  	_ =	swait.ge [sflag:s22], s20  }
0x9f: {  	s3 =	ssub.s32 $0x0, s20;
	[sflag:s22] =	ssyncset.done $0x0  }
0xa0: {  	[sflag:s22] =	ssyncadd.s32 s3;
	_ =	sdelay $0x1  }
0xa1: {  	s23 =	simm.s32 $0x1B8B  }
0xa2: {  	_ =	swait.ge [sflag:s23], $0x1  }
0xa3: {  	[sflag:s23] =	ssyncset.done $0x0  }
0xa4: {  	s25 =	simm.s32 $0x1B8E;
	s24 =	sld [smem:$0x3FFE];
	[sflag:s23] =	ssyncadd.s32 $0xFFFFFFFF  }
0xa5: {  	s26 =	simm.s32 $execute0_lowered;
	[smem:$0x3FD2] =	sst s25  }
0xa6: {  	s4 =	sshll.u32 s26, $0x1;
	_ =	strace $0x80000046;
	[dreg:$0x1] =	wrdreg $0xFFFFFFFF  }
0xa7: {  	s28 =	simm.s32 $_size_execute0_lowered;
	s2 =	sadd.s32 s2, s4;
	[dreg:$0x0] =	wrdreg $0x0  }
0xa8: {  	s4 =	sshll.u32 s28, $0x1;
	[dreg:$0x2] =	wrdreg s2  }
0xa9: {  	[dreg:$0x3] =	wrdreg s4  }
0xaa: {  	[dreg:$0x4] =	wrdreg $0xC0  }
0xab: {  	_ =	task [dreg:s6], $0x5FFFF  }
0xac: {  	[dreg:$0x1] =	wrdreg $0xFFFFFFFF  }
0xad: {  	[dreg:$0x0] =	wrdreg $0x60  }
0xae: {  	[dreg:$0x2] =	wrdreg s24  }
0xaf: {  	[dreg:$0x3] =	wrdreg $0x9  }
0xb0: {  	_ =	task.clear_ibuf [dreg:s6], $0x4FFFF;
	_ =	strace $0x90000046  }
0xb1: {  	s29 =	simm.s32 $0x9;
	_ =	strace $0x80000048  }
0xb2: {  	_ =	swait.ge [sflag:s29], $0x1  }
0xb3: {  	[sflag:s29] =	ssyncadd.s32 $0xFFFFFFFF  }
0xb4: {  	_ =	strace $0x90000048  }
0xb5: {  	_ =	sfence  }
0xb6: {  	s30 =	sld [smem:$0x0];
	_ =	sdelay $0x2  }
0xb7: {  	s31 =	sshll.u32 s1, $0xD;
	s1 =	sshrl.u32 s1, $0x2  }
0xb8: {  	s3 =	sand.u32 $0x4000, s31;
	s1 =	sadd.s32 s1, s30  }
0xb9: {  	s0 =	sor.u32 s3, s0;
	s1 =	sshll.u32 s1, $0x11  }
0xba: {  	s0 =	sor.u32 s1, s0  }
0xbb: {  	s0 =	sadd.s32 $0x8F2B, s0  }
0xbc: {  	[sflag:s0] =	ssyncadd.remote.s32 $0x1  }
0xbd: {  	_ =	sfence.sel $0xFFFF  }
0xbe: {  	[dreg:$0x0] =	wrdreg $0xFFFFFFFF;
	(pc) =	sbr.abs _section_cstart, $3  }
0xbf: {  	[dreg:$0x1] =	wrdreg $0xFFFFFFFF  }
0xc0: {  	_ =	task.clear_ibuf [dreg:s6], $0x2FFFF;
	_ =	strace $0x9FFFFFFF  }
0xc1: {  	(tm) =	ssettm $0x7FFFFFFF  }
tec
execute0_lowered:
.L_overlay_start_1:
0x0: {  	(tag) =	ssettag $0x1  }
0x1: {  	s0 =	rddreg [dreg:$0x0];
	s1 =	srdreg.scid  }
0x2: {  	s4 =	stileid.u32;
	s5 =	simm.s32 $0x0;
	s12 =	simm.s32 $0x80  }
0x3: {  	s14 =	simm.s32 $0x48;
	s30 =	simm.s32 $0xFA00;
	s11 =	simm.s32 $0x12C00  }
0x4: {  	s16 =	simm.s32 $0x14C00;
	s18 =	simm.s32 $0x2;
	s19 =	simm.s32 $0x40  }
0x5: {  	s20 =	simm.s32 $0x15E00;
	s28 =	simm.s32 $0x4;
	s29 =	simm.s32 $0x5  }
0x6: {  	s31 =	simm.s32 $0x6;
	s15 =	simm.s32 $0x9;
	s10 =	simm.s32 $0xF  }
0x7: {  	s1 =	sand.u32 $0x1, s1;
	s2 =	sshll.u32 s4, $0xA;
	[smem:$0x7FF] =	sst s5  }
0x8: {  	s6 =	smul.u32 $0x320000, s4;
	s4 =	sadd.s32 $0x64800, s0;
	s3 =	sshll.u32 s1, $0x9  }
0x9: {  	s7 =	ssub.s32 $0x2, s1;
	s1 =	smul.u32 $0x190000, s1;
	s3 =	sor.u32 s3, s2  }
0xa: {  	s5 =	sadd.s32 $0x800, s0;
	_ =	strace $0x80000047;
	s2 =	smul.u32 $0x19, s3  }
0xb: {  	s9 =	sshrl.u32 s7, $0x1;
	s0 =	sadd.s32 s6, s0;
	s8 =	smul.u32 $0xC8, s3  }
0xc: {  	s22 =	ssub.s32 s7, s9;
	s0 =	sadd.s32 s1, s0;
	s1 =	simm.s32 $0x8  }
0xd: {  	s7 =	simm.s32 $0x0;
	s26 =	smax.u32 s22, $0x1;
	s0 =	sadd.s32 $0x805A00, s0  }
.Ltmp0:
0xe: {  	s22 =	simm.s32 $0x17E00;
	[dreg:$0x4] =	wrdreg s26;
	(pc) =	sbr.rel .LBB2_1-.Ltmp0, $4  }
0xf: {  	s23 =	sshrl.u32 s8, $0x3;
	s2 =	sadd.s32 s5, s2;
	[dreg:$0x5] =	wrdreg s0  }
0x10: {  	s26 =	simm.s32 $0x1B000;
	s0 =	simm.s32 $0x7;
	s24 =	sadd.s32 s5, s23  }
0x11: {  	[dreg:$0x2] =	wrdreg s2;
	s23 =	simm.s32 $0x3;
	s25 =	sadd.s32 $0x320, s24  }
0x12: {  	s24 =	simm.s32 $0x19000;
	[dreg:$0x3] =	wrdreg s25;
	s25 =	simm.s32 $0xC800  }
.LBB2_4:
0x13: {  	s2 =	simm.s32 $0xA  }
0x14: {  	_ =	swait.ge [sflag:s2], $0x3200  }
0x15: {  	[sflag:s2] =	ssyncset.done $0x0  }
0x16: {  	s7 =	simm.s32 $0xB;
	[sflag:s2] =	ssyncadd.s32 $0xFFFFCE00  }
0x17: {  	_ =	swait.ge [sflag:s7], $0x3200  }
0x18: {  	[sflag:s7] =	ssyncset.done $0x0  }
0x19: {  	s8 =	simm.s32 $0xC;
	[sflag:s7] =	ssyncadd.s32 $0xFFFFCE00  }
0x1a: {  	_ =	swait.ge [sflag:s8], $0x3200  }
0x1b: {  	[sflag:s8] =	ssyncset.done $0x0  }
0x1c: {  	s9 =	simm.s32 $0xD;
	[sflag:s8] =	ssyncadd.s32 $0xFFFFCE00  }
0x1d: {  	_ =	swait.ge [sflag:s9], $0x3200  }
0x1e: {  	[sflag:s9] =	ssyncset.done $0x0  }
0x1f: {  	s13 =	simm.s32 $0xE;
	[sflag:s9] =	ssyncadd.s32 $0xFFFFCE00  }
0x20: {  	_ =	swait.ge [sflag:s13], $0x3200  }
0x21: {  	[sflag:s13] =	ssyncset.done $0x0  }
0x22: {  	[sflag:s13] =	ssyncadd.s32 $0xFFFFCE00  }
0x23: {  	_ =	swait.ge [sflag:s10], $0x3200  }
0x24: {  	[sflag:s10] =	ssyncset.done $0x0  }
0x25: {  	s17 =	simm.s32 $0x10;
	[sflag:s10] =	ssyncadd.s32 $0xFFFFCE00  }
0x26: {  	_ =	swait.ge [sflag:s17], $0x3200  }
0x27: {  	[sflag:s17] =	ssyncset.done $0x0  }
0x28: {  	s6 =	simm.s32 $0x11;
	[sflag:s17] =	ssyncadd.s32 $0xFFFFCE00  }
0x29: {  	_ =	swait.ge [sflag:s6], $0x3200  }
0x2a: {  	s7 =	rddreg [dreg:$0x6]  }
0x2b: {  	s21 =	rddreg [dreg:$0x4];
	s7 =	sadd.s32 $0x1, s7  }
0x2c: {  	p0 =	sne.s32 s7, s21  }
.Ltmp1:
0x2d: {  	_ = 	snop;
	(pc) =	sbr.rel @!p0 .LBB2_5-.Ltmp1, $3  }
0x2e: {  	_ =	sdelay $0x1  }
0x2f: {  	[sflag:s6] =	ssyncset.done $0x0  }
0x30: {  	[sflag:s6] =	ssyncadd.s32 $0xFFFFCE00  }
.LBB2_1:
0x31: {  	[dreg:$0x6] =	wrdreg s7  }
0x32: {  	s2 =	simm.s32 $0x0;
	s6 =	rddreg [dreg:$0x2];
	s21 =	simm.s32 $0x1  }
0x33: {  	[tilespmem:s2], [sflag:$0x1] =	stream.linear.gather [hbm4b:s6+s2], $0x1900, $0x38;
	[tilespmem:$0x1C200] =	vst v63  }
0x34: {  	_ =	swait.ge [sflag:s21], $0x1900  }
0x35: {  	[sflag:s21] =	ssyncset.done $0x0  }
0x36: {  	s8 =	simm.s32 $0x1900;
	s7 =	rddreg [dreg:$0x3];
	[sflag:s21] =	ssyncadd.s32 $0xFFFFE700  }
0x37: {  	[tilespmem:s8], [sflag:$0x1] =	stream.linear.gather [hbm4b:s7+s2], $0x1900, $0x38;
	[tilespmem:$0x1C200] =	vst v63  }
0x38: {  	s9 =	simm.s32 $0x3200  }
0x39: {  	[tilespmem:s9], [sflag:$0x2] =	stream.indirect.gather [hbm4b:s4+s12], $0x40, s2, s12, $0xb8;
	[tilespmem:$0x1C200] =	vst v63  }
0x3a: {  	s13 =	simm.s32 $0x5200  }
0x3b: {  	[tilespmem:s13], [sflag:$0x2] =	stream.indirect.gather [hbm4b:s4+s14], $0x40, s12, s14, $0xb8;
	[tilespmem:$0x1C200] =	vst v63  }
0x3c: {  	s17 =	simm.s32 $0xC8;
	s21 =	simm.s32 $0x6400  }
0x3d: {  	[tilespmem:s21], [sflag:$0x3] =	stream.indirect.gather [hbm4b:s4+s12], $0x40, s17, s12, $0xb8;
	[tilespmem:$0x1C200] =	vst v63  }
0x3e: {  	s6 =	simm.s32 $0x148;
	s7 =	simm.s32 $0x8400  }
0x3f: {  	[tilespmem:s7], [sflag:$0x3] =	stream.indirect.gather [hbm4b:s4+s14], $0x40, s6, s14, $0xb8;
	[tilespmem:$0x1C200] =	vst v63  }
0x40: {  	s8 =	simm.s32 $0x190;
	s9 =	simm.s32 $0x9600  }
0x41: {  	[tilespmem:s9], [sflag:$0x4] =	stream.indirect.gather [hbm4b:s4+s12], $0x40, s8, s12, $0xb8;
	[tilespmem:$0x1C200] =	vst v63  }
0x42: {  	s13 =	simm.s32 $0x210;
	s17 =	simm.s32 $0xB600  }
0x43: {  	[tilespmem:s17], [sflag:$0x4] =	stream.indirect.gather [hbm4b:s4+s14], $0x40, s13, s14, $0xb8;
	[tilespmem:$0x1C200] =	vst v63  }
0x44: {  	s21 =	simm.s32 $0x258  }
0x45: {  	[tilespmem:s25], [sflag:$0x5] =	stream.indirect.gather [hbm4b:s4+s12], $0x40, s21, s12, $0xb8;
	[tilespmem:$0x1C200] =	vst v63  }
0x46: {  	s6 =	simm.s32 $0x2D8;
	s7 =	simm.s32 $0xE800  }
0x47: {  	[tilespmem:s7], [sflag:$0x5] =	stream.indirect.gather [hbm4b:s4+s14], $0x40, s6, s14, $0xb8;
	[tilespmem:$0x1C200] =	vst v63  }
0x48: {  	s8 =	simm.s32 $0x320  }
0x49: {  	[tilespmem:s30], [sflag:$0x6] =	stream.indirect.gather [hbm4b:s4+s12], $0x40, s8, s12, $0xb8;
	[tilespmem:$0x1C200] =	vst v63  }
0x4a: {  	s9 =	simm.s32 $0x3A0;
	s13 =	simm.s32 $0x11A00  }
0x4b: {  	[tilespmem:s13], [sflag:$0x6] =	stream.indirect.gather [hbm4b:s4+s14], $0x40, s9, s14, $0xb8;
	[tilespmem:$0x1C200] =	vst v63  }
0x4c: {  	s2 =	rddreg [dreg:$0x5];
	s17 =	simm.s32 $0x3E8  }
0x4d: {  	[tilespmem:s11], [sflag:$0x7] =	stream.indirect.gather [hbm4b:s4+s12], $0x40, s17, s12, $0xb8;
	[tilespmem:$0x1C200] =	vst v63  }
0x4e: {  	s21 =	simm.s32 $0x468;
	s6 =	simm.s32 $0x0;
	s9 =	simm.s32 $0xD  }
0x4f: {  	[tilespmem:s16], [sflag:$0x7] =	stream.indirect.gather [hbm4b:s4+s14], $0x40, s21, s14, $0xb8;
	[tilespmem:$0x1C200] =	vst v63  }
.LBB2_2:
0x50: {  	_ =	swait.ge [sflag:s18], $0x2000  }
0x51: {  	[sflag:s18] =	ssyncset.done $0x0  }
0x52: {  	[sflag:s18] =	ssyncadd.s32 $0xFFFFE000  }
0x53: {  	_ =	swait.ge [sflag:s18], $0x1200  }
0x54: {  	[sflag:s18] =	ssyncset.done $0x0  }
0x55: {  	s7 =	simm.s32 $0x3200;
	s13 =	sadd.s32 $0xFFFFFFF9, s9;
	[sflag:s18] =	ssyncadd.s32 $0xFFFFEE00  }
0x56: {  	[hbm4b:s2+s19] =	stream.strided.scatter [tilespmem:s7], [sflag:$0xA], $0x3200, s12, s19, $0x38;
	[tilespmem:$0x1C200] =	vst v63  }
0x57: {  	p0 =	seq.s32 s9, $0xD;
	s7 =	sand.u32 $0x1E, s13  }
0x58: {  	s8 =	simm.s32 @!p0 $0x10;
	s13 =	sshll.u32 s6, $0x1D;
	s7 =	smul.u32 $0x320, s7  }
0x59: {  	_ =	swait.ge @!p0 [sflag:s8], $0x3200;
	s13 =	sshra.s32 s13, $0x1F  }
0x5a: {  	[sflag:s8] =	ssyncset.done @!p0 $0x0;
	s13 =	sand.u32 $0x1900, s13;
	s7 =	sshrl.u32 s7, $0x2  }
0x5b: {  	[sflag:s8] =	ssyncadd.s32 @!p0 $0xFFFFCE00;
	s7 =	sadd.s32 s7, s13  }
0x5c: {  	[tilespmem:s20], [sflag:$0x8] =	stream.indirect.gather [hbm4b:s4+s12], $0x40, s7, s12, $0xb8;
	[tilespmem:$0x1C200] =	vst v63  }
0x5d: {  	s7 =	sadd.s32 $0x80, s7  }
0x5e: {  	[tilespmem:s22], [sflag:$0x8] =	stream.indirect.gather [hbm4b:s4+s14], $0x40, s7, s14, $0xb8;
	[tilespmem:$0x1C200] =	vst v63  }
0x5f: {  	_ =	swait.ge [sflag:s23], $0x2000  }
0x60: {  	[sflag:s23] =	ssyncset.done $0x0  }
0x61: {  	[sflag:s23] =	ssyncadd.s32 $0xFFFFE000  }
0x62: {  	s17 =	sadd.s32 $0xC80, s2;
	s8 =	sadd.s32 $0xFFFFFFFA, s9;
	_ =	swait.ge [sflag:s23], $0x1200  }
0x63: {  	s21 =	simm.s32 $0x6400;
	s7 =	sand.u32 $0x1F, s8;
	[sflag:s23] =	ssyncset.done $0x0  }
0x64: {  	s8 =	simm.s32 @!p0 $0x11;
	s7 =	smul.u32 $0x320, s7;
	[sflag:s23] =	ssyncadd.s32 $0xFFFFEE00  }
0x65: {  	[hbm4b:s17+s19] =	stream.strided.scatter [tilespmem:s21], [sflag:$0xB], $0x3200, s12, s19, $0x38;
	[tilespmem:$0x1C200] =	vst v63  }
0x66: {  	_ =	swait.ge @!p0 [sflag:s8], $0x3200  }
0x67: {  	s7 =	sshrl.u32 s7, $0x2;
	[sflag:s8] =	ssyncset.done @!p0 $0x0  }
0x68: {  	s7 =	sadd.s32 s7, s13;
	[sflag:s8] =	ssyncadd.s32 @!p0 $0xFFFFCE00  }
0x69: {  	[tilespmem:s24], [sflag:$0x9] =	stream.indirect.gather [hbm4b:s4+s12], $0x40, s7, s12, $0xb8;
	[tilespmem:$0x1C200] =	vst v63  }
0x6a: {  	s7 =	sadd.s32 $0x80, s7  }
0x6b: {  	[tilespmem:s26], [sflag:$0x9] =	stream.indirect.gather [hbm4b:s4+s14], $0x40, s7, s14, $0xb8;
	[tilespmem:$0x1C200] =	vst v63  }
0x6c: {  	p0 =	seq.s32 s9, $0x205;
	s7 =	sadd.s32 $0xFFFFFFFB, s9;
	_ =	swait.ge [sflag:s28], $0x2000  }
0x6d: {  	s8 =	sand.u32 @!p0 $0x18, s7;
	[sflag:s28] =	ssyncset.done $0x0  }
0x6e: {  	p3 =	sne.s32 @!p0 s8, $0x0;
	[sflag:s28] =	ssyncadd.s32 $0xFFFFE000  }
0x6f: {  	s13 =	sadd.s32 $0x1900, s2;
	p2 =	por p3, p0;
	_ =	swait.ge [sflag:s28], $0x1200  }
0x70: {  	s17 =	simm.s32 $0x9600;
	p4 =	sgt.u32 @!p2 s6, $0x3A;
	[sflag:s28] =	ssyncset.done $0x0  }
0x71: {  	s8 =	smul.u32 @!p0 $0x320, s8;
	p1 =	por @!p0 p4, p3;
	[sflag:s28] =	ssyncadd.s32 $0xFFFFEE00  }
0x72: {  	[hbm4b:s13+s19] =	stream.strided.scatter [tilespmem:s17], [sflag:$0xC], $0x3200, s12, s19, $0x38;
	[tilespmem:$0x1C200] =	vst v63  }
0x73: {  	s21 =	simm.s32 @!p2 $0x1;
	p1 =	por p1, p0;
	s13 =	simm.s32 @!p0 $0xA  }
0x74: {  	s8 =	sshrl.u32 @!p0 s8, $0x2;
	s17 =	sshrl.u32 @!p1 s7, $0x5;
	_ =	swait.ge @!p0 [sflag:s13], $0x3200  }
0x75: {  	s7 =	sshll.u32 @!p0 s7, $0x1A;
	s17 =	sadd.s32 @!p1 $0x1, s17;
	[sflag:s13] =	ssyncset.done @!p0 $0x0  }
0x76: {  	s7 =	sshra.s32 @!p0 s7, $0x1F;
	[sflag:s13] =	ssyncadd.s32 @!p0 $0xFFFFCE00;
	s13 =	sand.u32 @!p1 $0x1, s17  }
0x77: {  	s7 =	sand.u32 @!p0 $0x1900, s7;
	s17 =	sshll.u32 @!p1 s17, $0x5;
	p5 =	seq.s32 @!p1 s13, $0x1  }
0x78: {  	_ =	swait.ge @!p2 [sflag:s21], $0x1900;
	s13 =	sadd.s32 @!p1 s3, s17;
	p4 =	por @!p2 !p5, p4  }
0x79: {  	[sflag:s21] =	ssyncset.done @!p2 $0x0;
	s13 =	smul.u32 @!p1 $0x19, s13;
	p3 =	por @!p0 !p4, p3  }
0x7a: {  	s17 =	simm.s32 @!p1 $0x1900;
	[sflag:s21] =	ssyncadd.s32 @!p2 $0xFFFFE700;
	p2 =	por !p3, p0  }
0x7b: {  	s21 =	simm.s32 @!p1 $0x0;
	s13 =	sadd.s32 @!p1 s5, s13;
	s17 =	simm.s32 @p2 $0x0  }
0x7c: {  	[tilespmem:s17], [sflag:$0x1] =	stream.linear.gather @!p1 [hbm4b:s13+s21], $0x1900, $0x38;
	[tilespmem:$0x1C200] =	vst v63  }
0x7d: {  	s8 =	sadd.s32 @!p0 s8, s7;
	s7 =	simm.s32 @!p0 $0x80;
	s13 =	simm.s32 @!p0 $0x3200  }
0x7e: {  	[tilespmem:s13], [sflag:$0x2] =	stream.indirect.gather @!p0 [hbm4b:s4+s7], $0x40, s8, s7, $0xb8;
	[tilespmem:$0x1C200] =	vst v63  }
0x7f: {  	s17 =	simm.s32 @!p0 $0x5200;
	s13 =	sadd.s32 @!p0 $0x80, s8;
	s8 =	simm.s32 @!p0 $0x48  }
0x80: {  	[tilespmem:s17], [sflag:$0x2] =	stream.indirect.gather @!p0 [hbm4b:s4+s8], $0x40, s13, s8, $0xb8;
	[tilespmem:$0x1C200] =	vst v63  }
0x81: {  	_ =	swait.ge [sflag:s29], $0x2000  }
0x82: {  	[sflag:s29] =	ssyncset.done $0x0  }
0x83: {  	[sflag:s29] =	ssyncadd.s32 $0xFFFFE000  }
0x84: {  	_ =	swait.ge [sflag:s29], $0x1200  }
0x85: {  	s13 =	sadd.s32 @!p0 $0xFFFFFFFC, s9;
	[sflag:s29] =	ssyncset.done $0x0  }
0x86: {  	s21 =	sadd.s32 $0x2580, s2;
	s17 =	sand.u32 @!p0 $0x19, s13;
	[sflag:s29] =	ssyncadd.s32 $0xFFFFEE00  }
0x87: {  	[hbm4b:s21+s19] =	stream.strided.scatter [tilespmem:s25], [sflag:$0xD], $0x3200, s12, s19, $0x38;
	[tilespmem:$0x1C200] =	vst v63  }
0x88: {  	s13 =	sshll.u32 @!p0 s13, $0x1A;
	s17 =	smul.u32 @!p0 $0x320, s17;
	s21 =	simm.s32 @!p0 $0xB  }
0x89: {  	s13 =	sshra.s32 @!p0 s13, $0x1F;
	_ =	swait.ge @!p0 [sflag:s21], $0x3200  }
0x8a: {  	s13 =	sand.u32 @!p0 $0x1900, s13;
	s17 =	sshrl.u32 @!p0 s17, $0x2;
	[sflag:s21] =	ssyncset.done @!p0 $0x0  }
0x8b: {  	s13 =	sadd.s32 @!p0 s17, s13;
	s17 =	simm.s32 @!p0 $0x6400;
	[sflag:s21] =	ssyncadd.s32 @!p0 $0xFFFFCE00  }
0x8c: {  	[tilespmem:s17], [sflag:$0x3] =	stream.indirect.gather @!p0 [hbm4b:s4+s7], $0x40, s13, s7, $0xb8;
	[tilespmem:$0x1C200] =	vst v63  }
0x8d: {  	s13 =	sadd.s32 @!p0 $0x80, s13;
	s17 =	simm.s32 @!p0 $0x8400  }
0x8e: {  	[tilespmem:s17], [sflag:$0x3] =	stream.indirect.gather @!p0 [hbm4b:s4+s8], $0x40, s13, s8, $0xb8;
	[tilespmem:$0x1C200] =	vst v63  }
0x8f: {  	_ =	swait.ge [sflag:s31], $0x2000  }
0x90: {  	[sflag:s31] =	ssyncset.done $0x0  }
0x91: {  	[sflag:s31] =	ssyncadd.s32 $0xFFFFE000  }
0x92: {  	_ =	swait.ge [sflag:s31], $0x1200  }
0x93: {  	[sflag:s31] =	ssyncset.done $0x0  }
0x94: {  	s17 =	sadd.s32 $0x3200, s2;
	s13 =	sadd.s32 @!p0 $0xFFFFFFFD, s9;
	[sflag:s31] =	ssyncadd.s32 $0xFFFFEE00  }
0x95: {  	[hbm4b:s17+s19] =	stream.strided.scatter [tilespmem:s30], [sflag:$0xE], $0x3200, s12, s19, $0x38;
	[tilespmem:$0x1C200] =	vst v63  }
0x96: {  	s17 =	sand.u32 @!p0 $0x1A, s13  }
0x97: {  	s21 =	simm.s32 @!p0 $0xC;
	s13 =	sshll.u32 @!p0 s13, $0x1A;
	s17 =	smul.u32 @!p0 $0x320, s17  }
0x98: {  	_ =	swait.ge @!p0 [sflag:s21], $0x3200;
	s13 =	sshra.s32 @!p0 s13, $0x1F  }
0x99: {  	[sflag:s21] =	ssyncset.done @!p0 $0x0;
	s13 =	sand.u32 @!p0 $0x1900, s13;
	s17 =	sshrl.u32 @!p0 s17, $0x2  }
0x9a: {  	[sflag:s21] =	ssyncadd.s32 @!p0 $0xFFFFCE00;
	s13 =	sadd.s32 @!p0 s17, s13;
	s17 =	simm.s32 @!p0 $0x9600  }
0x9b: {  	[tilespmem:s17], [sflag:$0x4] =	stream.indirect.gather @!p0 [hbm4b:s4+s7], $0x40, s13, s7, $0xb8;
	[tilespmem:$0x1C200] =	vst v63  }
0x9c: {  	s13 =	sadd.s32 @!p0 $0x80, s13;
	s17 =	simm.s32 @!p0 $0xB600  }
0x9d: {  	[tilespmem:s17], [sflag:$0x4] =	stream.indirect.gather @!p0 [hbm4b:s4+s8], $0x40, s13, s8, $0xb8;
	[tilespmem:$0x1C200] =	vst v63  }
0x9e: {  	_ =	swait.ge [sflag:s0], $0x2000  }
0x9f: {  	[sflag:s0] =	ssyncset.done $0x0  }
0xa0: {  	[sflag:s0] =	ssyncadd.s32 $0xFFFFE000  }
0xa1: {  	_ =	swait.ge [sflag:s0], $0x1200  }
0xa2: {  	s13 =	sadd.s32 @!p0 $0xFFFFFFFE, s9;
	[sflag:s0] =	ssyncset.done $0x0  }
0xa3: {  	s21 =	sadd.s32 $0x3E80, s2;
	s17 =	sand.u32 @!p0 $0x1B, s13;
	[sflag:s0] =	ssyncadd.s32 $0xFFFFEE00  }
0xa4: {  	[hbm4b:s21+s19] =	stream.strided.scatter [tilespmem:s11], [sflag:$0xF], $0x3200, s12, s19, $0x38;
	[tilespmem:$0x1C200] =	vst v63  }
0xa5: {  	s13 =	sshll.u32 @!p0 s13, $0x1A;
	s17 =	smul.u32 @!p0 $0x320, s17;
	s21 =	simm.s32 @!p0 $0xD  }
0xa6: {  	s13 =	sshra.s32 @!p0 s13, $0x1F;
	_ =	swait.ge @!p0 [sflag:s21], $0x3200  }
0xa7: {  	s13 =	sand.u32 @!p0 $0x1900, s13;
	s17 =	sshrl.u32 @!p0 s17, $0x2;
	[sflag:s21] =	ssyncset.done @!p0 $0x0  }
0xa8: {  	s13 =	sadd.s32 @!p0 s17, s13;
	s17 =	simm.s32 @!p0 $0xC800;
	[sflag:s21] =	ssyncadd.s32 @!p0 $0xFFFFCE00  }
0xa9: {  	[tilespmem:s17], [sflag:$0x5] =	stream.indirect.gather @!p0 [hbm4b:s4+s7], $0x40, s13, s7, $0xb8;
	[tilespmem:$0x1C200] =	vst v63  }
0xaa: {  	s13 =	sadd.s32 @!p0 $0x80, s13;
	s17 =	simm.s32 @!p0 $0xE800  }
0xab: {  	[tilespmem:s17], [sflag:$0x5] =	stream.indirect.gather @!p0 [hbm4b:s4+s8], $0x40, s13, s8, $0xb8;
	[tilespmem:$0x1C200] =	vst v63  }
0xac: {  	_ =	swait.ge [sflag:s1], $0x2000  }
0xad: {  	[sflag:s1] =	ssyncset.done $0x0  }
0xae: {  	[sflag:s1] =	ssyncadd.s32 $0xFFFFE000  }
0xaf: {  	_ =	swait.ge [sflag:s1], $0x1200  }
0xb0: {  	[sflag:s1] =	ssyncset.done $0x0  }
0xb1: {  	s17 =	sadd.s32 $0x4B00, s2;
	s13 =	sadd.s32 @!p0 $0xFFFFFFFF, s9;
	[sflag:s1] =	ssyncadd.s32 $0xFFFFEE00  }
0xb2: {  	[hbm4b:s17+s19] =	stream.strided.scatter [tilespmem:s20], [sflag:$0x10], $0x3200, s12, s19, $0x38;
	[tilespmem:$0x1C200] =	vst v63  }
0xb3: {  	s17 =	sand.u32 @!p0 $0x1C, s13  }
0xb4: {  	s21 =	simm.s32 @!p0 $0xE;
	s13 =	sshll.u32 @!p0 s13, $0x1A;
	s17 =	smul.u32 @!p0 $0x320, s17  }
0xb5: {  	_ =	swait.ge @!p0 [sflag:s21], $0x3200;
	s13 =	sshra.s32 @!p0 s13, $0x1F  }
0xb6: {  	[sflag:s21] =	ssyncset.done @!p0 $0x0;
	s13 =	sand.u32 @!p0 $0x1900, s13;
	s17 =	sshrl.u32 @!p0 s17, $0x2  }
0xb7: {  	[sflag:s21] =	ssyncadd.s32 @!p0 $0xFFFFCE00;
	s13 =	sadd.s32 @!p0 s17, s13;
	s17 =	simm.s32 @!p0 $0xFA00  }
0xb8: {  	[tilespmem:s17], [sflag:$0x6] =	stream.indirect.gather @!p0 [hbm4b:s4+s7], $0x40, s13, s7, $0xb8;
	[tilespmem:$0x1C200] =	vst v63  }
0xb9: {  	s7 =	sadd.s32 @!p0 $0x80, s13;
	s13 =	simm.s32 @!p0 $0x11A00  }
0xba: {  	[tilespmem:s13], [sflag:$0x6] =	stream.indirect.gather @!p0 [hbm4b:s4+s8], $0x40, s7, s8, $0xb8;
	[tilespmem:$0x1C200] =	vst v63  }
0xbb: {  	_ =	swait.ge [sflag:s15], $0x2000  }
0xbc: {  	[sflag:s15] =	ssyncset.done $0x0  }
.Ltmp2:
0xbd: {  	[sflag:s15] =	ssyncadd.s32 $0xFFFFE000;
	(pc) =	sbr.rel @p0 .LBB2_4-.Ltmp2, $4  }
0xbe: {  	_ =	swait.ge [sflag:s15], $0x1200  }
0xbf: {  	[sflag:s15] =	ssyncset.done $0x0  }
0xc0: {  	s21 =	sadd.s32 $0x5780, s2;
	[sflag:s15] =	ssyncadd.s32 $0xFFFFEE00  }
0xc1: {  	[hbm4b:s21+s19] =	stream.strided.scatter [tilespmem:s24], [sflag:$0x11], $0x3200, s12, s19, $0x38;
	[tilespmem:$0x1C200] =	vst v63  }
0xc2: {  	s7 =	sand.u32 $0x1D, s9  }
0xc3: {  	s8 =	sshll.u32 s9, $0x1A;
	_ =	swait.ge [sflag:s10], $0x3200;
	s7 =	smul.u32 $0x320, s7  }
0xc4: {  	s8 =	sshra.s32 s8, $0x1F;
	[sflag:s10] =	ssyncset.done $0x0  }
.Ltmp3:
0xc5: {  	s8 =	sand.u32 $0x1900, s8;
	s7 =	sshrl.u32 s7, $0x2;
	(pc) =	sbr.rel .LBB2_2-.Ltmp3, $4  }
0xc6: {  	s6 =	sadd.s32 $0x1, s6;
	[sflag:s10] =	ssyncadd.s32 $0xFFFFCE00;
	s7 =	sadd.s32 s7, s8  }
0xc7: {  	[tilespmem:s11], [sflag:$0x7] =	stream.indirect.gather [hbm4b:s4+s12], $0x40, s7, s12, $0xb8;
	[tilespmem:$0x1C200] =	vst v63  }
0xc8: {  	s2 =	sadd.s32 $0x6400, s2;
	s9 =	sadd.s32 $0x8, s9;
	s7 =	sadd.s32 $0x80, s7  }
0xc9: {  	[tilespmem:s16], [sflag:$0x7] =	stream.indirect.gather [hbm4b:s4+s14], $0x40, s7, s14, $0xb8;
	[tilespmem:$0x1C200] =	vst v63  }
.LBB2_5:
0xca: {  	_ =	sfence.sel $0x180000  }
0xcb: {  	[bflag:$0x0] =	sbarrier.arrive $0xFFFF  }
0xcc: {  	_ =	strace $0x90000047  }
0xcd: {  	s0 =	stileid.u32;
	[bflag:$0x2] =	sbarrier.arrive $0xFFFF  }
0xce: {  	p0 =	sne.s32 s0, $0x0;
	s0 =	rddreg [dreg:$0x1]  }
0xcf: {  	s0 =	sadd.s32 @!p0 $0x100000, s0  }
0xd0: {  	[sflag:s0] =	ssyncadd.tile.s32 @!p0 $0x1;
	_ =	shalt  }
.Lfunc_end2:
_tile_overlayer_lowered:
.L_overlay_start_2:
0xd1: {  	(tag) =	ssettag $0x2  }
0xd2: {  	s0 =	rddreg [dreg:$0x0];
	s2 =	stileid.u32  }
0xd3: {  	s1 =	rddreg [dreg:$0x1];
	p0 =	sne.s32 s2, $0x0  }
0xd4: {  	s3 =	rddreg [dreg:$0x2];
	[bflag:$0x3] =	sbarrier.arrive $0xFFFF;
	s2 =	simm.s32 @!p0 $0x1C12  }
0xd5: {  	[timem:s3], [sflag:s2] =	dma.local @!p0 [hbm:s0], s1  }
0xd6: {  	s0 =	simm.s32 @!p0 $0x12  }
0xd7: {  	_ =	swait.ge @!p0 [sflag:s0], s1  }
0xd8: {  	s1 =	ssub.s32 @!p0 $0x0, s1;
	[sflag:s0] =	ssyncset.done @!p0 $0x0  }
0xd9: {  	[sflag:s0] =	ssyncadd.s32 @!p0 s1  }
0xda: {  	[bflag:$0x3] =	sbarrier.arrive $0xFFFF  }
0xdb: {  	_ =	shalt  }

// kernel: sparse-core-data-format-call.cloned.1.call-start
scs
called_computation_lowered:
.L_overlay_start_0:
0x0: {  	s2 =	sld [smem:$0x3FD9]  }
0x1: {  	s3 =	sld [smem:$0x3FFE];
	_ =	sdelay $0x1  }
0x2: {  	s1 =	srdreg.scid  }
0x3: {  	s0 =	sand.u32 $0x1, s1  }
0x4: {  	s18 =	sshll.u32 s0, $0xA;
	s2 =	sadd.s32 s3, s2  }
0x5: {  	s2 =	sadd.s32 s2, s18  }
0x6: {  	[smem:$0x3FC6] =	sst s2  }
0x7: {  	_ = 	snop  }
0x8: {  	s2 =	sld [smem:$0x3FD0];
	(tm) =	ssettm $0x1  }
0x9: {  	s19 =	sld [smem:$0x3FFB];
	_ =	sdelay $0x3  }
0xa: {  	_ =	strace s19  }
0xb: {  	s3 =	sld [smem:$0x3FFC];
	_ =	sdelay $0x3  }
0xc: {  	_ =	strace s3  }
0xd: {  	s3 =	sld [smem:$0x3FFD];
	_ =	sdelay $0x3  }
0xe: {  	_ =	strace s3  }
0xf: {  	_ =	strace $0x8FFFFFFF  }
0x10: {  	s20 =	sld [smem:$0x3FDB];
	_ =	sdelay $0x1  }
0x11: {  	s4 =	simm.s32 $_scs_section_size  }
0x12: {  	s5 =	simm.s32 $_size__tile_overlayer_lowered;
	s6 =	simm.s32 $_tile_overlayer_lowered  }
0x13: {  	s23 =	simm.s32 $0x1BFF;
	s22 =	sshll.u32 s6, $0x1;
	s3 =	sadd.s32 s4, s20  }
0x14: {  	s7 =	simm.s32 $0x0;
	s21 =	sshll.u32 s5, $0x1;
	s5 =	sadd.s32 s22, s3  }
0x15: {  	[timem:s7], [sflag:s23] =	dma.local [hbm:s5], s21  }
0x16: {  	_ =	swait.ge [sflag:s23], s21  }
0x17: {  	s4 =	ssub.s32 $0x0, s21;
	[sflag:s23] =	ssyncset.done $0x0  }
0x18: {  	[sflag:s23] =	ssyncadd.s32 s4;
	_ =	sdelay $0x1  }
0x19: {  	s24 =	simm.s32 $0x1B8B  }
0x1a: {  	_ =	swait.ge [sflag:s24], $0x1  }
0x1b: {  	[sflag:s24] =	ssyncset.done $0x0  }
0x1c: {  	s26 =	simm.s32 $0x1B8E;
	s25 =	sld [smem:$0x3FFE];
	[sflag:s24] =	ssyncadd.s32 $0xFFFFFFFF  }
0x1d: {  	s27 =	simm.s32 $execute0_lowered;
	[smem:$0x3FD2] =	sst s26  }
0x1e: {  	s5 =	sshll.u32 s27, $0x1;
	_ =	strace $0x80000049;
	[dreg:$0x1] =	wrdreg $0xFFFFFFFF  }
0x1f: {  	s28 =	simm.s32 $_size_execute0_lowered;
	s3 =	sadd.s32 s3, s5;
	[dreg:$0x0] =	wrdreg $0x0  }
0x20: {  	s5 =	sshll.u32 s28, $0x1;
	[dreg:$0x2] =	wrdreg s3  }
0x21: {  	[dreg:$0x3] =	wrdreg s5  }
0x22: {  	[dreg:$0x4] =	wrdreg $0xC0  }
0x23: {  	_ =	task [dreg:s7], $0x5FFFF  }
0x24: {  	[dreg:$0x1] =	wrdreg $0xFFFFFFFF  }
0x25: {  	[dreg:$0x0] =	wrdreg $0x60  }
0x26: {  	[dreg:$0x2] =	wrdreg s25  }
0x27: {  	[dreg:$0x3] =	wrdreg s2  }
0x28: {  	[dreg:$0x4] =	wrdreg $0x9  }
0x29: {  	_ =	task.clear_ibuf [dreg:s7], $0x5FFFF;
	_ =	strace $0x90000049  }
0x2a: {  	s29 =	simm.s32 $0x9;
	_ =	strace $0x8000004B  }
0x2b: {  	_ =	swait.ge [sflag:s29], $0x1  }
0x2c: {  	[sflag:s29] =	ssyncadd.s32 $0xFFFFFFFF  }
0x2d: {  	_ =	strace $0x9000004B  }
0x2e: {  	_ =	sfence  }
0x2f: {  	s30 =	sld [smem:$0x0];
	_ =	sdelay $0x2  }
0x30: {  	s31 =	sshll.u32 s1, $0xD;
	s1 =	sshrl.u32 s1, $0x2  }
0x31: {  	s3 =	sand.u32 $0x4000, s31;
	s1 =	sadd.s32 s1, s30  }
0x32: {  	s0 =	sor.u32 s3, s0;
	s1 =	sshll.u32 s1, $0x11  }
0x33: {  	s0 =	sor.u32 s1, s0  }
0x34: {  	s0 =	sadd.s32 $0x8F2B, s0  }
0x35: {  	[sflag:s0] =	ssyncadd.remote.s32 $0x1  }
0x36: {  	_ =	sfence.sel $0xFFFF  }
0x37: {  	[dreg:$0x0] =	wrdreg $0xFFFFFFFF;
	(pc) =	sbr.abs _section_cstart, $3  }
0x38: {  	[dreg:$0x1] =	wrdreg $0xFFFFFFFF  }
0x39: {  	_ =	task.clear_ibuf [dreg:s7], $0x2FFFF;
	_ =	strace $0x9FFFFFFF  }
0x3a: {  	(tm) =	ssettm $0x7FFFFFFF  }
0x3b: {  	_ =	shalt  }
tec
execute0_lowered:
.L_overlay_start_1:
0x0: {  	(tag) =	ssettag $0x1  }
0x1: {  	s0 =	srdreg.scid  }
0x2: {  	s1 =	sshll.u32 s0, $0x4  }
0x3: {  	s0 =	stileid.u32;
	s1 =	sand.u32 $0x10, s1  }
0x4: {  	s1 =	sor.u32 s0, s1  }
0x5: {  	s6 =	rddreg [dreg:$0x0];
	s4 =	simm.s32 $0x1;
	s2 =	sshll.u32 s1, $0x7  }
0x6: {  	s7 =	simm.s32 $0x2;
	s12 =	simm.s32 $0x0;
	s1 =	ssub.s32 $0x4000, s2  }
0x7: {  	s8 =	simm.s32 $0x20000;
	s13 =	simm.s32 $0x0;
	s3 =	sand.u32 $0xF80, s1  }
0x8: {  	s9 =	simm.s32 $0x0;
	s5 =	sshrl.u32 s1, $0xC;
	p0 =	sne.s32 s3, $0x0  }
.Ltmp0:
0x9: {  	s1 =	rddreg [dreg:$0x2];
	s4 =	simm.s32 @!p0 $0x0;
	(pc) =	sbr.rel .LBB1_1-.Ltmp0, $4  }
0xa: {  	s11 =	simm.s32 $0x0;
	s3 =	rddreg [dreg:$0x1];
	s5 =	sadd.s32 s4, s5  }
0xb: {  	_ =	strace $0x8000004A;
	s4 =	simm.s32 $0x1;
	s5 =	smul.u32 $0xC8, s5  }
0xc: {  	s6 =	sadd.s32 $0x805A00, s6;
	s10 =	smov.u32 s2;
	[sflag:s4] =	ssyncpa.u1 $0x0  }
0xd: {  	p0 =	por $0x0, $0x0;
	[sflag:s7] =	ssyncpa.u1 $0x0;
	s7 =	sor.u32 $0x1, s5  }
.LBB1_4:
0xe: {  	s16 =	sshll.u32 s13, $0x3;
	s17 =	sand.u32 $0x78, s13  }
0xf: {  	s30 =	sand.u32 $0x1F800, s13;
	s12 =	sshll.u32 s12, $0x11;
	s16 =	sand.u32 $0x3C00, s16  }
0x10: {  	[tilespmem:s15+$0x810 ss:$0x81] =	vst.msk $0xffff, v2;
	s31 =	sand.u32 $0x7, s13;
	s16 =	sor.u32 s17, s16;
	s17 =	sadd.s32 s3, s30  }
0x11: {  	[tilespmem:s15+$0x1020 ss:$0x81] =	vst.msk $0xffff, v0;
	s13 =	sshll.u32 s31, $0x12;
	s12 =	sadd.s32 s12, s17;
	s16 =	sshrl.u32 s16, $0x3  }
0x12: {  	[tilespmem:s15+$0x0 ss:$0x81] =	vst.msk $0xffff, v1;
	s13 =	sor.u32 $0x400, s13;
	s12 =	sadd.s32 s16, s12  }
0x13: {  	[hbm4b:s12+s13] =	stream.strided.scatter [tilespmem:s14], [sflag:$0x2], $0x2000, s8, s13, $0x20;
	[tilespmem:$0x8080] =	vst v63  }
.LBB1_5:
0x14: {  	s14 =	sadd.s32 $0x1, s9  }
0x15: {  	s12 =	sadd.s32 $0x1000, s10;
	s16 =	smov.u32 s10;
	p2 =	sgt.s32 s14, $0xC7  }
0x16: {  	s16 =	smov.u32 @p2 s12  }
0x17: {  	s14 =	simm.s32 @p2 $0x0;
	p2 =	sgt.s32 s16, $0x3FFF  }
0x18: {  	s16 =	smov.u32 @p2 s2;
	p2 =	sne.s32 s11, s7  }
.Ltmp1:
0x19: {  	p1 =	slt.u32 s11, $0x2;
	(pc) =	sbr.rel @!p2 .LBB1_6-.Ltmp1, $4  }
0x1a: {  	s15 =	simm.s32 @!p1 $0x2  }
0x1b: {  	s13 =	smov.u32 s10;
	p0 =	por !p0, !p0;
	_ =	swait.ge @!p1 [sflag:s15], $0x2000  }
0x1c: {  	s12 =	smov.u32 s9;
	[sflag:s15] =	ssyncset.done @!p1 $0x0;
	s9 =	smov.u32 s14  }
0x1d: {  	s11 =	sadd.s32 $0x1, s11;
	[sflag:s15] =	ssyncadd.s32 @!p1 $0xFFFFE000;
	s10 =	smov.u32 s16  }
.LBB1_1:
0x1e: {  	p1 =	sge.u32 s11, s5  }
0x1f: {  	s14 =	sand.u32 @!p1 $0x1FFFFFF, s9  }
0x20: {  	s15 =	smulhi.u32 @!p1 $0x147AE15, s14;
	_ =	sdelay $0x1  }
0x21: {  	s15 =	smul.u32 @!p1 $0xC8, s15  }
0x22: {  	s16 =	sxor.u32 @!p1 $0xFFFFFFFF, s11;
	s17 =	smul.u32 @!p1 $0xC80, s10  }
0x23: {  	s31 =	sadd.s32 $0xFFFFFFFF, s11;
	s16 =	sshll.u32 @!p1 s16, $0xD;
	s14 =	ssub.s32 @!p1 s14, s15  }
0x24: {  	s15 =	sand.u32 @!p1 $0x2000, s16;
	s16 =	sadd.s32 @!p1 s6, s17;
	s14 =	sshll.u32 @!p1 s14, $0x4  }
0x25: {  	s17 =	simm.s32 @!p1 $0x6400;
	s14 =	sadd.s32 @!p1 s14, s16;
	s16 =	simm.s32 @!p1 $0x40  }
0x26: {  	[tilespmem:s15], [sflag:$0x1] =	stream.strided.gather @!p1 [hbm4b:s14+s16], $0x2000, s17, s16, $0x38;
	[tilespmem:$0x8080] =	vst v63  }
0x27: {  	p1 =	sge.u32 s31, s5  }
.Ltmp2:
0x28: {  	_ = 	snop;
	(pc) =	sbr.rel @p1 .LBB1_5-.Ltmp2, $1  }
0x29: {  	_ =	sdelay $0x3  }
0x2a: {  	s14 =	simm.s32 $0x1  }
0x2b: {  	_ =	swait.ge [sflag:s4], $0x2000;
	s14 =	simm.s32 @!p0 $0x0  }
0x2c: {  	[sflag:s4] =	ssyncset.done $0x0;
	s15 =	sshll.u32 s14, $0xD  }
0x2d: {  	[sflag:s4] =	ssyncadd.s32 $0xFFFFE000;
	s18 =	sor.u32 $0x20, s15  }
0x2e: {  	s14 =	smul.u32 $0x8100, s14;
	v3 =	vld [tilespmem:s18+$0x10]  }
0x2f: {  	s30 =	sand.u32 $0x1, s11;
	v2 =	vld [tilespmem:s18+$0xFFFFFFF0]  }
0x30: {  	s15 =	smul.u32 $0x8100, s30;
	s14 =	sshrl.u32 s14, $0x2;
	v0 =	vld [tilespmem:s18+$0x0]  }
0x31: {  	v1 =	vld [tilespmem:s18+$0xFFFFFFE0];
	s16 =	sor.u32 $0x4000, s14  }
0x32: {  	s31 =	sshrl.u32 s15, $0x2;
	s15 =	sadd.s32 $0x0, s16  }
0x33: {  	s17 =	simm.s32 $0x4;
	s18 =	sadd.s32 $0x40, s18;
	s14 =	sor.u32 $0x4000, s31;
	[tilespmem:s15+$0x1830 ss:$0x81] =	vst.msk $0xffff, v3  }
.LBB1_3:
0x34: {  	v3 =	vld [tilespmem:s18+$0x10];
	p1 =	sne.s32 s17, $0x1FC;
	[tilespmem:s15+$0x810 ss:$0x81] =	vst.msk $0xffff, v2;
	s19 =	smov.u32 s17;
	s17 =	sadd.s32 $0x4, s17  }
.Ltmp3:
0x35: {  	v2 =	vld [tilespmem:s18+$0xFFFFFFF0];
	[tilespmem:s15+$0x1020 ss:$0x81] =	vst.msk $0xffff, v0;
	(pc) =	sbr.rel @p1 .LBB1_3-.Ltmp3, $4  }
0x36: {  	v0 =	vld [tilespmem:s18+$0x0];
	[tilespmem:s15+$0x0 ss:$0x81] =	vst.msk $0xffff, v1  }
0x37: {  	s15 =	sshra.s32 s19, $0x2;
	v1 =	vld [tilespmem:s18+$0xFFFFFFE0]  }
0x38: {  	s15 =	sadd.s32 s15, s16  }
0x39: {  	s18 =	sadd.s32 $0x40, s18;
	[tilespmem:s15+$0x1830 ss:$0x81] =	vst.msk $0xffff, v3  }
.Ltmp4:
0x3a: {  	_ = 	snop;
	(pc) =	sbr.rel .LBB1_4-.Ltmp4, $1  }
0x3b: {  	_ =	sdelay $0x3  }
.LBB1_6:
0x3c: {  	_ =	sfence.sel $0x180000  }
0x3d: {  	s2 =	simm.s32 $0x1;
	[bflag:$0x0] =	sbarrier.arrive $0xFFFF  }
0x3e: {  	s31 =	simm.s32 $0x2;
	[sflag:s2] =	ssyncpa.u1 $0x1  }
0x3f: {  	[sflag:s31] =	ssyncpa.u1 $0x1  }
0x40: {  	p0 =	sne.s32 s0, $0x0;
	_ =	strace $0x9000004A  }
0x41: {  	s0 =	sadd.s32 @!p0 $0x100000, s1;
	[bflag:$0x2] =	sbarrier.arrive $0xFFFF  }
0x42: {  	[sflag:s0] =	ssyncadd.tile.s32 @!p0 $0x1;
	_ =	shalt  }
.Lfunc_end1:
_tile_overlayer_lowered:
.L_overlay_start_2:
0x43: {  	(tag) =	ssettag $0x2  }
0x44: {  	s0 =	rddreg [dreg:$0x0];
	s2 =	stileid.u32  }
0x45: {  	s1 =	rddreg [dreg:$0x1];
	p0 =	sne.s32 s2, $0x0  }
0x46: {  	s3 =	rddreg [dreg:$0x2];
	[bflag:$0x3] =	sbarrier.arrive $0xFFFF;
	s2 =	simm.s32 @!p0 $0x1C01  }
0x47: {  	[timem:s3], [sflag:s2] =	dma.local @!p0 [hbm:s0], s1  }
0x48: {  	s0 =	simm.s32 @!p0 $0x1  }
0x49: {  	_ =	swait.ge @!p0 [sflag:s0], s1  }
0x4a: {  	s1 =	ssub.s32 @!p0 $0x0, s1;
	[sflag:s0] =	ssyncset.done @!p0 $0x0  }
0x4b: {  	[sflag:s0] =	ssyncadd.s32 @!p0 s1  }
0x4c: {  	[bflag:$0x3] =	sbarrier.arrive $0xFFFF  }
0x4d: {  	_ =	shalt  }

</sc_bundles>
